<compile_context>
chip_gen: v7x
topology: tpu7x:2x2x1
jax: 0.10.2.dev20260603
libtpu: 0.0.44.dev20260713+nightly
codegen_flags: <defaults>
</compile_context>

<pallas_src>
import functools

import jax
import jax.numpy as jnp
from jax import lax
from jax.experimental import pallas as pl
from jax.experimental.pallas import tpu as pltpu
from jax.experimental.pallas import tpu_sc as plsc

NC = 2
NS = 16
NW = NC * NS
NP = 10240
RPW = NP // NS
G = 64
C = 128
NBUF = 8


def _leaky(v):
    return jnp.where(v >= 0, v, 0.01 * v)



def _make_deg_kernel(NCH):
    CPW = NCH // NW
    mesh = plsc.VectorSubcoreMesh(core_axis_name="c", subcore_axis_name="s")

    @functools.partial(
        pl.kernel,
        out_type=jax.ShapeDtypeStruct((NC, NP), jnp.float32),
        mesh=mesh,
        scratch_types=[
            pltpu.VMEM((CPW, C), jnp.int32),
            pltpu.VMEM((C,), jnp.float32),
            pltpu.VMEM((RPW,), jnp.float32),
        ] + [pltpu.SemaphoreType.DMA for _ in range(NBUF)]
          + [pltpu.VMEM_SHARED((NP,), jnp.float32)],
        compiler_params=pltpu.CompilerParams(use_tc_tiling_on_sc=False),
    )
    def deg_k(dst_hbm, out_hbm, didx, ones_v, z_v, *rest):
        sems = rest[:NBUF]
        acc_sh = rest[NBUF]
        c = lax.axis_index("c")
        s = lax.axis_index("s")
        w = c * NS + s

        def _zfill(i, _):
            z_v[pl.ds(i * 16, 16)] = jnp.zeros((16,), jnp.float32)
            return 0

        lax.fori_loop(0, RPW // 16, _zfill, 0)
        for i in range(C // 16):
            ones_v[pl.ds(i * 16, 16)] = jnp.ones((16,), jnp.float32)
        pltpu.sync_copy(dst_hbm.at[pl.ds(w * CPW, CPW)], didx)
        pltpu.sync_copy(z_v, acc_sh.at[pl.ds(s * RPW, RPW)])
        plsc.subcore_barrier()

        def body(p, _):
            ds_ = [pltpu.async_copy(ones_v, acc_sh.at[didx.at[NBUF * p + b]],
                                    sems[b], add=True) for b in range(NBUF)]
            for d in ds_:
                d.wait()
            return 0

        lax.fori_loop(0, CPW // NBUF, body, 0)
        plsc.subcore_barrier()
        pltpu.sync_copy(acc_sh.at[pl.ds(s * RPW, RPW)],
                        out_hbm.at[c, pl.ds(s * RPW, RPW)])

    return deg_k


def _make_agg_kernel(NCH, D):
    CPW = NCH // NW
    NB = NBUF
    assert CPW % NB == 0
    ngrp = CPW // NB
    mesh = plsc.VectorSubcoreMesh(core_axis_name="c", subcore_axis_name="s")

    @functools.partial(
        pl.kernel,
        out_type=jax.ShapeDtypeStruct((NC, NP, D), jnp.float32),
        mesh=mesh,
        scratch_types=[
            pltpu.VMEM((CPW, C), jnp.int32),
            pltpu.VMEM((CPW, C), jnp.int32),
        ] + [pltpu.VMEM((C, D), jnp.float32) for _ in range(NB)]
          + [pltpu.SemaphoreType.DMA for _ in range(NB)]
          + [pltpu.VMEM_SHARED((NP, D), jnp.float32)],
        compiler_params=pltpu.CompilerParams(use_tc_tiling_on_sc=False),
    )
    def agg_k(hs_hbm, src_hbm, dst_hbm, zero_hbm, out_hbm,
              sidx, didx, *rest):
        rows = rest[:NB]
        gsems = rest[NB:2 * NB]
        acc_sh = rest[2 * NB]
        c = lax.axis_index("c")
        s = lax.axis_index("s")
        w = c * NS + s
        pltpu.sync_copy(src_hbm.at[pl.ds(w * CPW, CPW)], sidx)
        pltpu.sync_copy(dst_hbm.at[pl.ds(w * CPW, CPW)], didx)
        pltpu.sync_copy(zero_hbm.at[pl.ds(s * RPW, RPW)],
                        acc_sh.at[pl.ds(s * RPW, RPW)])
        plsc.subcore_barrier()

        def gissue(ch, b):
            pltpu.async_copy(hs_hbm.at[sidx.at[ch]], rows[b], gsems[b])

        def gwait(ch, b):
            pltpu.make_async_copy(hs_hbm.at[sidx.at[ch]], rows[b],
                                  gsems[b]).wait()

        for b in range(NB):
            gissue(b, b)

        def body(p, _):
            ch0 = NB * p
            for b in range(NB):
                gwait(ch0 + b, b)
                pltpu.sync_copy(rows[b], acc_sh.at[didx.at[ch0 + b]],
                                add=True)
                gissue(ch0 + NB + b, b)
            return 0

        lax.fori_loop(0, ngrp - 1, body, 0)
        ch0 = NB * (ngrp - 1)
        for b in range(NB):
            gwait(ch0 + b, b)
            pltpu.sync_copy(rows[b], acc_sh.at[didx.at[ch0 + b]], add=True)
        plsc.subcore_barrier()
        pltpu.sync_copy(acc_sh.at[pl.ds(s * RPW, RPW)],
                        out_hbm.at[c, pl.ds(s * RPW, RPW)])

    return agg_k



def _k1_body(x_ref, w1_ref, degp_ref, hs_ref, dis_ref):
    d = degp_ref[:, 0] + degp_ref[:, 1] + 1.0
    dis = lax.rsqrt(d)[:, None]
    h = jnp.dot(x_ref[...], w1_ref[...], preferred_element_type=jnp.float32)
    hs_ref[...] = h * dis
    dis_ref[...] = dis


def _k3_body(acc_ref, hs1_ref, dis_ref, b1_ref, w2_ref, hs2_ref):
    dis = dis_ref[...]
    a = acc_ref[0] + acc_ref[1] + hs1_ref[...]
    o = _leaky(a * dis + b1_ref[...])
    hs2_ref[...] = jnp.dot(o, w2_ref[...],
                           preferred_element_type=jnp.float32) * dis


def _k5_body(acc_ref, hs2_ref, dis_ref, b2_ref, batch_ref,
             wf1_ref, bf1_ref, wf3_ref, bf3_ref, out_ref, sums, cnts):
    i = pl.program_id(0)

    @pl.when(i == 0)
    def _():
        sums[...] = jnp.zeros_like(sums)
        cnts[...] = jnp.zeros_like(cnts)

    a = acc_ref[0] + acc_ref[1] + hs2_ref[...]
    o = _leaky(a * dis_ref[...] + b2_ref[...])
    gids = lax.broadcasted_iota(jnp.int32, (1, G), 1)
    oh = (batch_ref[...] == gids).astype(jnp.float32)
    sums[...] += lax.dot_general(oh, o, (((0,), (0,)), ((), ())),
                                 preferred_element_type=jnp.float32)
    ones_col = jnp.ones((oh.shape[0], 1), jnp.float32)
    cnts[...] += lax.dot_general(oh, ones_col, (((0,), (0,)), ((), ())),
                                 preferred_element_type=jnp.float32)

    @pl.when(i == pl.num_programs(0) - 1)
    def _():
        pooled = sums[...] / jnp.maximum(cnts[...], 1.0)
        z = _leaky(jnp.dot(pooled, wf1_ref[...],
                           preferred_element_type=jnp.float32) + bf1_ref[...])
        out_ref[...] = jnp.dot(z, wf3_ref[...],
                               preferred_element_type=jnp.float32) + bf3_ref[...]



def kernel(x, edge_index, batch, mask, W1, b1, W2, b2, Wf1, bf1, Wf3, bf3):
    N, F_IN = x.shape
    E = edge_index.shape[1]
    D1 = W1.shape[1]
    D2 = W2.shape[1]
    NCLS = Wf3.shape[1]
    BN = 2000
    grid = N // BN

    NCH = -(-E // (C * NW * NBUF)) * (NW * NBUF)
    EP = NCH * C
    pad_dst = N + jnp.arange(EP - E, dtype=jnp.int32) % (NP - N)
    src = jnp.concatenate(
        [edge_index[0], jnp.zeros((EP - E,), jnp.int32)]).reshape(NCH, C)
    dst = jnp.concatenate([edge_index[1], pad_dst]).reshape(NCH, C)
    degp = _make_deg_kernel(NCH)(dst)
    degp_t = degp.T

    hs1, dis = pl.pallas_call(
        _k1_body,
        grid=(grid,),
        in_specs=[
            pl.BlockSpec((BN, F_IN), lambda i: (i, 0)),
            pl.BlockSpec((F_IN, D1), lambda i: (0, 0)),
            pl.BlockSpec((BN, NC), lambda i: (i, 0)),
        ],
        out_specs=[
            pl.BlockSpec((BN, D1), lambda i: (i, 0)),
            pl.BlockSpec((BN, 1), lambda i: (i, 0)),
        ],
        out_shape=[
            jax.ShapeDtypeStruct((N, D1), jnp.float32),
            jax.ShapeDtypeStruct((N, 1), jnp.float32),
        ],
    )(x, W1, degp_t)

    zeros1 = jnp.zeros((NP, D1), jnp.float32)
    acc1 = _make_agg_kernel(NCH, D1)(hs1, src, dst, zeros1)

    hs2 = pl.pallas_call(
        _k3_body,
        grid=(grid,),
        in_specs=[
            pl.BlockSpec((NC, BN, D1), lambda i: (0, i, 0)),
            pl.BlockSpec((BN, D1), lambda i: (i, 0)),
            pl.BlockSpec((BN, 1), lambda i: (i, 0)),
            pl.BlockSpec((1, D1), lambda i: (0, 0)),
            pl.BlockSpec((D1, D2), lambda i: (0, 0)),
        ],
        out_specs=pl.BlockSpec((BN, D2), lambda i: (i, 0)),
        out_shape=jax.ShapeDtypeStruct((N, D2), jnp.float32),
    )(acc1, hs1, dis, b1[None, :], W2)

    zeros2 = jnp.zeros((NP, D2), jnp.float32)
    acc2 = _make_agg_kernel(NCH, D2)(hs2, src, dst, zeros2)

    out = pl.pallas_call(
        _k5_body,
        grid=(grid,),
        in_specs=[
            pl.BlockSpec((NC, BN, D2), lambda i: (0, i, 0)),
            pl.BlockSpec((BN, D2), lambda i: (i, 0)),
            pl.BlockSpec((BN, 1), lambda i: (i, 0)),
            pl.BlockSpec((1, D2), lambda i: (0, 0)),
            pl.BlockSpec((BN, 1), lambda i: (i, 0)),
            pl.BlockSpec((D2, Wf1.shape[1]), lambda i: (0, 0)),
            pl.BlockSpec((1, Wf1.shape[1]), lambda i: (0, 0)),
            pl.BlockSpec((Wf1.shape[1], NCLS), lambda i: (0, 0)),
            pl.BlockSpec((1, NCLS), lambda i: (0, 0)),
        ],
        out_specs=pl.BlockSpec((G, NCLS), lambda i: (0, 0)),
        out_shape=jax.ShapeDtypeStruct((G, NCLS), jnp.float32),
        scratch_shapes=[
            pltpu.VMEM((G, D2), jnp.float32),
            pltpu.VMEM((G, 1), jnp.float32),
        ],
    )(acc2, hs2, dis, b2[None, :], batch[:, None],
      Wf1, bf1[None, :], Wf3, bf3[None, :])

    return out

# --- scband reference (transcript-rebuilt; emitter-appended) ---
"""Pipeline reference for scband-ti-gcnno-edge-attrs-23244363006452 (READ-ONLY COPY).

The authoritative reference and input builder live on the scoring server;
editing this copy changes nothing except your own understanding.
"""

import jax, jax.numpy as jnp
import numpy as np

N = 10000
E = 320000
F_IN = 128
G = 64  # number of graphs in batch
NUM_CLASSES = 10


def setup_inputs(seed: int = 0) -> dict:
    key = jax.random.key(seed)
    ks = jax.random.split(key, 12)
    x = jax.random.normal(ks[0], (N, F_IN), dtype=jnp.float32)
    edge_index = jax.random.randint(ks[1], (2, E), 0, N, dtype=jnp.int32)
    batch = jnp.sort(jax.random.randint(ks[2], (N,), 0, G, dtype=jnp.int32))
    mask = jnp.ones((N,), dtype=bool)
    # GCNConv 1: 128 -> 64
    W1 = jax.random.normal(ks[3], (F_IN, 64), dtype=jnp.float32) * 0.05
    b1 = jnp.zeros((64,), dtype=jnp.float32)
    # GCNConv 2: 64 -> 16
    W2 = jax.random.normal(ks[4], (64, 16), dtype=jnp.float32) * 0.05
    b2 = jnp.zeros((16,), dtype=jnp.float32)
    # fc1: 16 -> 32
    Wf1 = jax.random.normal(ks[5], (16, 32), dtype=jnp.float32) * 0.05
    bf1 = jnp.zeros((32,), dtype=jnp.float32)
    # fc3: 32 -> num_classes
    Wf3 = jax.random.normal(ks[6], (32, NUM_CLASSES), dtype=jnp.float32) * 0.05
    bf3 = jnp.zeros((NUM_CLASSES,), dtype=jnp.float32)
    return {"x": x, "edge_index": edge_index, "batch": batch, "mask": mask,
            "W1": W1, "b1": b1, "W2": W2, "b2": b2,
            "Wf1": Wf1, "bf1": bf1, "Wf3": Wf3, "bf3": bf3}


def _gcn_conv(x, edge_index, W, b):
    # GCNConv: x' = D^{-1/2} (A + I) D^{-1/2} X W + b  (add self-loops, sym norm)
    loop = jnp.arange(N, dtype=edge_index.dtype)
    src = jnp.concatenate([edge_index[0], loop])
    dst = jnp.concatenate([edge_index[1], loop])
    deg = jax.ops.segment_sum(jnp.ones_like(src, dtype=x.dtype), dst, num_segments=N)
    dis = jnp.where(deg > 0, jax.lax.rsqrt(jnp.maximum(deg, 1e-12)), 0.0)
    norm = dis[src] * dis[dst]
    h = x @ W
    msg = h[src] * norm[:, None]
    out = jax.ops.segment_sum(msg, dst, num_segments=N)
    return out + b


def _global_mean_pool(x, batch):
    sums = jax.ops.segment_sum(x, batch, num_segments=G)
    cnt = jax.ops.segment_sum(jnp.ones((x.shape[0],), dtype=x.dtype), batch, num_segments=G)
    return sums / jnp.maximum(cnt, 1.0)[:, None]


def reference(x, edge_index, batch, mask, W1, b1, W2, b2, Wf1, bf1, Wf3, bf3):
    # mask is loaded in the original forward but never used
    h = _gcn_conv(x, edge_index, W1, b1)
    h = jax.nn.leaky_relu(h, negative_slope=0.01)
    h = _gcn_conv(h, edge_index, W2, b2)
    h = jax.nn.leaky_relu(h, negative_slope=0.01)
    h = _global_mean_pool(h, batch)
    h = h @ Wf1 + bf1
    h = jax.nn.leaky_relu(h, negative_slope=0.01)
    h = h @ Wf3 + bf3
    return h

if __name__ == "__main__":
    import jax
    _d = setup_inputs()
    print(jax.jit(kernel)(*tuple(_d.values())))

</pallas_src>

<mosaic_0001>
#map = affine_map<(d0, d1) -> (0, 0)>
#map1 = affine_map<(d0, d1) -> (0, 0, 0)>
module attributes {stable_mosaic.version = 14 : i64} {
  func.func @agg_k(%arg0: i32, %arg1: i32, %arg2: memref<10000x16xf32, #tpu.memory_space<hbm>>, %arg3: memref<2560x128xi32, #tpu.memory_space<hbm>>, %arg4: memref<2560x128xi32, #tpu.memory_space<hbm>>, %arg5: memref<10240x16xf32, #tpu.memory_space<hbm>>, %arg6: memref<2x10240x16xf32, #tpu.memory_space<hbm>>, %arg7: memref<80x128xi32, #tpu.memory_space<vmem>>, %arg8: memref<80x128xi32, #tpu.memory_space<vmem>>, %arg9: memref<128x16xf32, #tpu.memory_space<vmem>>, %arg10: memref<128x16xf32, #tpu.memory_space<vmem>>, %arg11: memref<128x16xf32, #tpu.memory_space<vmem>>, %arg12: memref<128x16xf32, #tpu.memory_space<vmem>>, %arg13: memref<128x16xf32, #tpu.memory_space<vmem>>, %arg14: memref<128x16xf32, #tpu.memory_space<vmem>>, %arg15: memref<128x16xf32, #tpu.memory_space<vmem>>, %arg16: memref<128x16xf32, #tpu.memory_space<vmem>>, %arg17: memref<!tpu.dma_semaphore, #tpu.memory_space<semaphore_mem>>, %arg18: memref<!tpu.dma_semaphore, #tpu.memory_space<semaphore_mem>>, %arg19: memref<!tpu.dma_semaphore, #tpu.memory_space<semaphore_mem>>, %arg20: memref<!tpu.dma_semaphore, #tpu.memory_space<semaphore_mem>>, %arg21: memref<!tpu.dma_semaphore, #tpu.memory_space<semaphore_mem>>, %arg22: memref<!tpu.dma_semaphore, #tpu.memory_space<semaphore_mem>>, %arg23: memref<!tpu.dma_semaphore, #tpu.memory_space<semaphore_mem>>, %arg24: memref<!tpu.dma_semaphore, #tpu.memory_space<semaphore_mem>>, %arg25: memref<10240x16xf32, #tpu.memory_space<vmem_shared>>) attributes {dimension_semantics = [#tpu.dimension_semantics<core_parallel>, #tpu.dimension_semantics<subcore_parallel>], iteration_bounds = array<i64: 2, 16>, scalar_prefetch = 0 : i64, scratch_operands = 19 : i64, tpu.core_type = #tpu.core_type<sc_vector_subcore>, window_params = [{transform_indices = #map}, {transform_indices = #map}, {transform_indices = #map}, {transform_indices = #map}, {transform_indices = #map1}]} {
    %mul3A = arith.constant 16 : i32
    %mul3A_0 = arith.muli %arg0, %mul3A : i32
    %add3A = arith.addi %mul3A_0, %arg1 : i32
    %mul3A_1 = arith.constant 80 : i32
    %mul3A_2 = arith.muli %add3A, %mul3A_1 : i32
    "tpu.region"() ({
      %run_scoped3A_137 = tpu.sem_alloc : memref<!tpu.dma_semaphore, #tpu.memory_space<semaphore_mem>>
      %dma_start3A_138 = arith.constant 0 : i32
      %dma_start3A_139 = tpu.memref_slice %arg3[%mul3A_2, %dma_start3A_138] : memref<2560x128xi32, #tpu.memory_space<hbm>> -> memref<80x128xi32, #tpu.memory_space<hbm>>
      %dma_start3A_140 = arith.constant 0 : i32
      %dma_start3A_141 = tpu.memref_slice %arg3[%mul3A_2, %dma_start3A_140] : memref<2560x128xi32, #tpu.memory_space<hbm>> -> memref<80x128xi32, #tpu.memory_space<hbm>>
      tpu.enqueue_dma source(%dma_start3A_141 : memref<80x128xi32, #tpu.memory_space<hbm>>) target(%arg7 : memref<80x128xi32, #tpu.memory_space<vmem>>) target_semaphore(%run_scoped3A_137 : memref<!tpu.dma_semaphore, #tpu.memory_space<semaphore_mem>>)
      %dma_wait3A_142 = arith.constant 0 : i32
      %dma_wait3A_143 = tpu.memref_slice %arg3[%mul3A_2, %dma_wait3A_142] : memref<2560x128xi32, #tpu.memory_space<hbm>> -> memref<80x128xi32, #tpu.memory_space<hbm>>
      %dma_wait3A_144 = arith.constant 0 : i32
      %dma_wait3A_145 = tpu.memref_slice %arg3[%mul3A_2, %dma_wait3A_144] : memref<2560x128xi32, #tpu.memory_space<hbm>> -> memref<80x128xi32, #tpu.memory_space<hbm>>
      tpu.wait_dma2 semaphore(%run_scoped3A_137 : memref<!tpu.dma_semaphore, #tpu.memory_space<semaphore_mem>>) src(%dma_wait3A_145 : memref<80x128xi32, #tpu.memory_space<hbm>>) dst(%arg7 : memref<80x128xi32, #tpu.memory_space<vmem>>)
      tpu.yield
    }) : () -> ()
    %mul3A_3 = arith.constant 80 : i32
    %mul3A_4 = arith.muli %add3A, %mul3A_3 : i32
    "tpu.region"() ({
      %run_scoped3A_137 = tpu.sem_alloc : memref<!tpu.dma_semaphore, #tpu.memory_space<semaphore_mem>>
      %dma_start3A_138 = arith.constant 0 : i32
      %dma_start3A_139 = tpu.memref_slice %arg4[%mul3A_4, %dma_start3A_138] : memref<2560x128xi32, #tpu.memory_space<hbm>> -> memref<80x128xi32, #tpu.memory_space<hbm>>
      %dma_start3A_140 = arith.constant 0 : i32
      %dma_start3A_141 = tpu.memref_slice %arg4[%mul3A_4, %dma_start3A_140] : memref<2560x128xi32, #tpu.memory_space<hbm>> -> memref<80x128xi32, #tpu.memory_space<hbm>>
      tpu.enqueue_dma source(%dma_start3A_141 : memref<80x128xi32, #tpu.memory_space<hbm>>) target(%arg8 : memref<80x128xi32, #tpu.memory_space<vmem>>) target_semaphore(%run_scoped3A_137 : memref<!tpu.dma_semaphore, #tpu.memory_space<semaphore_mem>>)
      %dma_wait3A_142 = arith.constant 0 : i32
      %dma_wait3A_143 = tpu.memref_slice %arg4[%mul3A_4, %dma_wait3A_142] : memref<2560x128xi32, #tpu.memory_space<hbm>> -> memref<80x128xi32, #tpu.memory_space<hbm>>
      %dma_wait3A_144 = arith.constant 0 : i32
      %dma_wait3A_145 = tpu.memref_slice %arg4[%mul3A_4, %dma_wait3A_144] : memref<2560x128xi32, #tpu.memory_space<hbm>> -> memref<80x128xi32, #tpu.memory_space<hbm>>
      tpu.wait_dma2 semaphore(%run_scoped3A_137 : memref<!tpu.dma_semaphore, #tpu.memory_space<semaphore_mem>>) src(%dma_wait3A_145 : memref<80x128xi32, #tpu.memory_space<hbm>>) dst(%arg8 : memref<80x128xi32, #tpu.memory_space<vmem>>)
      tpu.yield
    }) : () -> ()
    %mul3A_5 = arith.constant 640 : i32
    %mul3A_6 = arith.muli %arg1, %mul3A_5 : i32
    %mul3A_7 = arith.constant 640 : i32
    %mul3A_8 = arith.muli %arg1, %mul3A_7 : i32
    "tpu.region"() ({
      %run_scoped3A_137 = tpu.sem_alloc : memref<!tpu.dma_semaphore, #tpu.memory_space<semaphore_mem>>
      %dma_start3A_138 = arith.constant 0 : i32
      %dma_start3A_139 = tpu.memref_slice %arg25[%mul3A_8, %dma_start3A_138] : memref<10240x16xf32, #tpu.memory_space<vmem_shared>> -> memref<640x16xf32, #tpu.memory_space<vmem_shared>>
      %dma_start3A_140 = arith.constant 0 : i32
      %dma_start3A_141 = tpu.memref_slice %arg5[%mul3A_6, %dma_start3A_140] : memref<10240x16xf32, #tpu.memory_space<hbm>> -> memref<640x16xf32, #tpu.memory_space<hbm>>
      tpu.enqueue_dma source(%dma_start3A_141 : memref<640x16xf32, #tpu.memory_space<hbm>>) target(%dma_start3A_139 : memref<640x16xf32, #tpu.memory_space<vmem_shared>>) target_semaphore(%run_scoped3A_137 : memref<!tpu.dma_semaphore, #tpu.memory_space<semaphore_mem>>)
      %dma_wait3A_142 = arith.constant 0 : i32
      %dma_wait3A_143 = tpu.memref_slice %arg25[%mul3A_8, %dma_wait3A_142] : memref<10240x16xf32, #tpu.memory_space<vmem_shared>> -> memref<640x16xf32, #tpu.memory_space<vmem_shared>>
      %dma_wait3A_144 = arith.constant 0 : i32
      %dma_wait3A_145 = tpu.memref_slice %arg5[%mul3A_6, %dma_wait3A_144] : memref<10240x16xf32, #tpu.memory_space<hbm>> -> memref<640x16xf32, #tpu.memory_space<hbm>>
      tpu.wait_dma2 semaphore(%run_scoped3A_137 : memref<!tpu.dma_semaphore, #tpu.memory_space<semaphore_mem>>) src(%dma_wait3A_145 : memref<640x16xf32, #tpu.memory_space<hbm>>) dst(%dma_wait3A_143 : memref<640x16xf32, #tpu.memory_space<vmem_shared>>)
      tpu.yield
    }) : () -> ()
    %barrier3A = arith.constant 0 : index
    tpu.barrier barrier_id(%barrier3A)
    %dma_start3A = arith.constant 0 : i32
    %dma_start3A_9 = arith.constant 0 : i32
    %dma_start3A_10 = tpu.memref_slice %arg7[%dma_start3A, %dma_start3A_9] : memref<80x128xi32, #tpu.memory_space<vmem>> -> memref<1x128xi32, #tpu.memory_space<vmem>>
    %dma_start3A_11 = tpu.memref_squeeze %dma_start3A_10 : memref<1x128xi32, #tpu.memory_space<vmem>> -> memref<128xi32, #tpu.memory_space<vmem>>
    %dma_start3A_12 = arith.constant 0 : i32
    %dma_start3A_13 = arith.constant 0 : i32
    %dma_start3A_14 = tpu.memref_slice %arg2[%dma_start3A_12, %dma_start3A_13] : memref<10000x16xf32, #tpu.memory_space<hbm>> -> memref<10000x16xf32, #tpu.memory_space<hbm>>
    tpu.enqueue_indirect_dma source(%dma_start3A_14 : memref<10000x16xf32, #tpu.memory_space<hbm>>) target(%arg9 : memref<128x16xf32, #tpu.memory_space<vmem>>) offsets(%dma_start3A_11 : memref<128xi32, #tpu.memory_space<vmem>>) semaphore(%arg17 : memref<!tpu.dma_semaphore, #tpu.memory_space<semaphore_mem>>)
    %dma_start3A_15 = arith.constant 1 : i32
    %dma_start3A_16 = arith.constant 0 : i32
    %dma_start3A_17 = tpu.memref_slice %arg7[%dma_start3A_15, %dma_start3A_16] : memref<80x128xi32, #tpu.memory_space<vmem>> -> memref<1x128xi32, #tpu.memory_space<vmem>>
    %dma_start3A_18 = tpu.memref_squeeze %dma_start3A_17 : memref<1x128xi32, #tpu.memory_space<vmem>> -> memref<128xi32, #tpu.memory_space<vmem>>
    %dma_start3A_19 = arith.constant 0 : i32
    %dma_start3A_20 = arith.constant 0 : i32
    %dma_start3A_21 = tpu.memref_slice %arg2[%dma_start3A_19, %dma_start3A_20] : memref<10000x16xf32, #tpu.memory_space<hbm>> -> memref<10000x16xf32, #tpu.memory_space<hbm>>
    tpu.enqueue_indirect_dma source(%dma_start3A_21 : memref<10000x16xf32, #tpu.memory_space<hbm>>) target(%arg10 : memref<128x16xf32, #tpu.memory_space<vmem>>) offsets(%dma_start3A_18 : memref<128xi32, #tpu.memory_space<vmem>>) semaphore(%arg18 : memref<!tpu.dma_semaphore, #tpu.memory_space<semaphore_mem>>)
    %dma_start3A_22 = arith.constant 2 : i32
    %dma_start3A_23 = arith.constant 0 : i32
    %dma_start3A_24 = tpu.memref_slice %arg7[%dma_start3A_22, %dma_start3A_23] : memref<80x128xi32, #tpu.memory_space<vmem>> -> memref<1x128xi32, #tpu.memory_space<vmem>>
    %dma_start3A_25 = tpu.memref_squeeze %dma_start3A_24 : memref<1x128xi32, #tpu.memory_space<vmem>> -> memref<128xi32, #tpu.memory_space<vmem>>
    %dma_start3A_26 = arith.constant 0 : i32
    %dma_start3A_27 = arith.constant 0 : i32
    %dma_start3A_28 = tpu.memref_slice %arg2[%dma_start3A_26, %dma_start3A_27] : memref<10000x16xf32, #tpu.memory_space<hbm>> -> memref<10000x16xf32, #tpu.memory_space<hbm>>
    tpu.enqueue_indirect_dma source(%dma_start3A_28 : memref<10000x16xf32, #tpu.memory_space<hbm>>) target(%arg11 : memref<128x16xf32, #tpu.memory_space<vmem>>) offsets(%dma_start3A_25 : memref<128xi32, #tpu.memory_space<vmem>>) semaphore(%arg19 : memref<!tpu.dma_semaphore, #tpu.memory_space<semaphore_mem>>)
    %dma_start3A_29 = arith.constant 3 : i32
    %dma_start3A_30 = arith.constant 0 : i32
    %dma_start3A_31 = tpu.memref_slice %arg7[%dma_start3A_29, %dma_start3A_30] : memref<80x128xi32, #tpu.memory_space<vmem>> -> memref<1x128xi32, #tpu.memory_space<vmem>>
    %dma_start3A_32 = tpu.memref_squeeze %dma_start3A_31 : memref<1x128xi32, #tpu.memory_space<vmem>> -> memref<128xi32, #tpu.memory_space<vmem>>
    %dma_start3A_33 = arith.constant 0 : i32
    %dma_start3A_34 = arith.constant 0 : i32
    %dma_start3A_35 = tpu.memref_slice %arg2[%dma_start3A_33, %dma_start3A_34] : memref<10000x16xf32, #tpu.memory_space<hbm>> -> memref<10000x16xf32, #tpu.memory_space<hbm>>
    tpu.enqueue_indirect_dma source(%dma_start3A_35 : memref<10000x16xf32, #tpu.memory_space<hbm>>) target(%arg12 : memref<128x16xf32, #tpu.memory_space<vmem>>) offsets(%dma_start3A_32 : memref<128xi32, #tpu.memory_space<vmem>>) semaphore(%arg20 : memref<!tpu.dma_semaphore, #tpu.memory_space<semaphore_mem>>)
    %dma_start3A_36 = arith.constant 4 : i32
    %dma_start3A_37 = arith.constant 0 : i32
    %dma_start3A_38 = tpu.memref_slice %arg7[%dma_start3A_36, %dma_start3A_37] : memref<80x128xi32, #tpu.memory_space<vmem>> -> memref<1x128xi32, #tpu.memory_space<vmem>>
    %dma_start3A_39 = tpu.memref_squeeze %dma_start3A_38 : memref<1x128xi32, #tpu.memory_space<vmem>> -> memref<128xi32, #tpu.memory_space<vmem>>
    %dma_start3A_40 = arith.constant 0 : i32
    %dma_start3A_41 = arith.constant 0 : i32
    %dma_start3A_42 = tpu.memref_slice %arg2[%dma_start3A_40, %dma_start3A_41] : memref<10000x16xf32, #tpu.memory_space<hbm>> -> memref<10000x16xf32, #tpu.memory_space<hbm>>
    tpu.enqueue_indirect_dma source(%dma_start3A_42 : memref<10000x16xf32, #tpu.memory_space<hbm>>) target(%arg13 : memref<128x16xf32, #tpu.memory_space<vmem>>) offsets(%dma_start3A_39 : memref<128xi32, #tpu.memory_space<vmem>>) semaphore(%arg21 : memref<!tpu.dma_semaphore, #tpu.memory_space<semaphore_mem>>)
    %dma_start3A_43 = arith.constant 5 : i32
    %dma_start3A_44 = arith.constant 0 : i32
    %dma_start3A_45 = tpu.memref_slice %arg7[%dma_start3A_43, %dma_start3A_44] : memref<80x128xi32, #tpu.memory_space<vmem>> -> memref<1x128xi32, #tpu.memory_space<vmem>>
    %dma_start3A_46 = tpu.memref_squeeze %dma_start3A_45 : memref<1x128xi32, #tpu.memory_space<vmem>> -> memref<128xi32, #tpu.memory_space<vmem>>
    %dma_start3A_47 = arith.constant 0 : i32
    %dma_start3A_48 = arith.constant 0 : i32
    %dma_start3A_49 = tpu.memref_slice %arg2[%dma_start3A_47, %dma_start3A_48] : memref<10000x16xf32, #tpu.memory_space<hbm>> -> memref<10000x16xf32, #tpu.memory_space<hbm>>
    tpu.enqueue_indirect_dma source(%dma_start3A_49 : memref<10000x16xf32, #tpu.memory_space<hbm>>) target(%arg14 : memref<128x16xf32, #tpu.memory_space<vmem>>) offsets(%dma_start3A_46 : memref<128xi32, #tpu.memory_space<vmem>>) semaphore(%arg22 : memref<!tpu.dma_semaphore, #tpu.memory_space<semaphore_mem>>)
    %dma_start3A_50 = arith.constant 6 : i32
    %dma_start3A_51 = arith.constant 0 : i32
    %dma_start3A_52 = tpu.memref_slice %arg7[%dma_start3A_50, %dma_start3A_51] : memref<80x128xi32, #tpu.memory_space<vmem>> -> memref<1x128xi32, #tpu.memory_space<vmem>>
    %dma_start3A_53 = tpu.memref_squeeze %dma_start3A_52 : memref<1x128xi32, #tpu.memory_space<vmem>> -> memref<128xi32, #tpu.memory_space<vmem>>
    %dma_start3A_54 = arith.constant 0 : i32
    %dma_start3A_55 = arith.constant 0 : i32
    %dma_start3A_56 = tpu.memref_slice %arg2[%dma_start3A_54, %dma_start3A_55] : memref<10000x16xf32, #tpu.memory_space<hbm>> -> memref<10000x16xf32, #tpu.memory_space<hbm>>
    tpu.enqueue_indirect_dma source(%dma_start3A_56 : memref<10000x16xf32, #tpu.memory_space<hbm>>) target(%arg15 : memref<128x16xf32, #tpu.memory_space<vmem>>) offsets(%dma_start3A_53 : memref<128xi32, #tpu.memory_space<vmem>>) semaphore(%arg23 : memref<!tpu.dma_semaphore, #tpu.memory_space<semaphore_mem>>)
    %dma_start3A_57 = arith.constant 7 : i32
    %dma_start3A_58 = arith.constant 0 : i32
    %dma_start3A_59 = tpu.memref_slice %arg7[%dma_start3A_57, %dma_start3A_58] : memref<80x128xi32, #tpu.memory_space<vmem>> -> memref<1x128xi32, #tpu.memory_space<vmem>>
    %dma_start3A_60 = tpu.memref_squeeze %dma_start3A_59 : memref<1x128xi32, #tpu.memory_space<vmem>> -> memref<128xi32, #tpu.memory_space<vmem>>
    %dma_start3A_61 = arith.constant 0 : i32
    %dma_start3A_62 = arith.constant 0 : i32
    %dma_start3A_63 = tpu.memref_slice %arg2[%dma_start3A_61, %dma_start3A_62] : memref<10000x16xf32, #tpu.memory_space<hbm>> -> memref<10000x16xf32, #tpu.memory_space<hbm>>
    tpu.enqueue_indirect_dma source(%dma_start3A_63 : memref<10000x16xf32, #tpu.memory_space<hbm>>) target(%arg16 : memref<128x16xf32, #tpu.memory_space<vmem>>) offsets(%dma_start3A_60 : memref<128xi32, #tpu.memory_space<vmem>>) semaphore(%arg24 : memref<!tpu.dma_semaphore, #tpu.memory_space<semaphore_mem>>)
    %scan3A = arith.constant 0 : i32
    %scan3A_64 = arith.constant 0 : i32
    %scan3A_65 = arith.constant 9 : i32
    %scan3A_66 = arith.addi %scan3A_64, %scan3A_65 : i32
    %scan3A_67 = arith.constant 1 : i32
    %scan3A_68 = scf.for %scan3A_137 = %scan3A_64 to %scan3A_66 step %scan3A_67 iter_args(%scan3A_138 = %scan3A) -> (i32)  : i32 {
      %mul3A_139 = arith.constant 8 : i32
      %mul3A_140 = arith.muli %mul3A_139, %scan3A_137 : i32
      %add3A_141 = arith.constant 0 : i32
      %add3A_142 = arith.addi %mul3A_140, %add3A_141 : i32
      %dma_wait3A_143 = arith.constant 0 : i32
      %dma_wait3A_144 = tpu.memref_slice %arg7[%add3A_142, %dma_wait3A_143] : memref<80x128xi32, #tpu.memory_space<vmem>> -> memref<1x128xi32, #tpu.memory_space<vmem>>
      %dma_wait3A_145 = tpu.memref_squeeze %dma_wait3A_144 : memref<1x128xi32, #tpu.memory_space<vmem>> -> memref<128xi32, #tpu.memory_space<vmem>>
      %dma_wait3A_146 = arith.constant 0 : i32
      %dma_wait3A_147 = arith.constant 0 : i32
      %dma_wait3A_148 = tpu.memref_slice %arg2[%dma_wait3A_146, %dma_wait3A_147] : memref<10000x16xf32, #tpu.memory_space<hbm>> -> memref<10000x16xf32, #tpu.memory_space<hbm>>
      tpu.wait_indirect_dma semaphore(%arg17 : memref<!tpu.dma_semaphore, #tpu.memory_space<semaphore_mem>>) src(%dma_wait3A_148 : memref<10000x16xf32, #tpu.memory_space<hbm>>) dst(%arg9 : memref<128x16xf32, #tpu.memory_space<vmem>>)
      %add3A_149 = arith.constant 0 : i32
      %add3A_150 = arith.addi %mul3A_140, %add3A_149 : i32
      "tpu.region"() ({
        %run_scoped3A_302 = tpu.sem_alloc : memref<!tpu.dma_semaphore, #tpu.memory_space<semaphore_mem>>
        %dma_start3A_303 = arith.constant 0 : i32
        %dma_start3A_304 = tpu.memref_slice %arg8[%add3A_150, %dma_start3A_303] : memref<80x128xi32, #tpu.memory_space<vmem>> -> memref<1x128xi32, #tpu.memory_space<vmem>>
        %dma_start3A_305 = tpu.memref_squeeze %dma_start3A_304 : memref<1x128xi32, #tpu.memory_space<vmem>> -> memref<128xi32, #tpu.memory_space<vmem>>
        %dma_start3A_306 = arith.constant 0 : i32
        %dma_start3A_307 = arith.constant 0 : i32
        %dma_start3A_308 = tpu.memref_slice %arg25[%dma_start3A_306, %dma_start3A_307] : memref<10240x16xf32, #tpu.memory_space<vmem_shared>> -> memref<10240x16xf32, #tpu.memory_space<vmem_shared>>
        tpu.enqueue_indirect_dma source(%arg9 : memref<128x16xf32, #tpu.memory_space<vmem>>) target(%dma_start3A_308 : memref<10240x16xf32, #tpu.memory_space<vmem_shared>>) offsets(%dma_start3A_305 : memref<128xi32, #tpu.memory_space<vmem>>) semaphore(%run_scoped3A_302 : memref<!tpu.dma_semaphore, #tpu.memory_space<semaphore_mem>>) {add = true}
        %dma_wait3A_309 = arith.constant 0 : i32
        %dma_wait3A_310 = tpu.memref_slice %arg8[%add3A_150, %dma_wait3A_309] : memref<80x128xi32, #tpu.memory_space<vmem>> -> memref<1x128xi32, #tpu.memory_space<vmem>>
        %dma_wait3A_311 = tpu.memref_squeeze %dma_wait3A_310 : memref<1x128xi32, #tpu.memory_space<vmem>> -> memref<128xi32, #tpu.memory_space<vmem>>
        %dma_wait3A_312 = arith.constant 0 : i32
        %dma_wait3A_313 = arith.constant 0 : i32
        %dma_wait3A_314 = tpu.memref_slice %arg25[%dma_wait3A_312, %dma_wait3A_313] : memref<10240x16xf32, #tpu.memory_space<vmem_shared>> -> memref<10240x16xf32, #tpu.memory_space<vmem_shared>>
        tpu.wait_indirect_dma semaphore(%run_scoped3A_302 : memref<!tpu.dma_semaphore, #tpu.memory_space<semaphore_mem>>) src(%arg9 : memref<128x16xf32, #tpu.memory_space<vmem>>) dst(%dma_wait3A_314 : memref<10240x16xf32, #tpu.memory_space<vmem_shared>>)
        tpu.yield
      }) : () -> ()
      %add3A_151 = arith.constant 8 : i32
      %add3A_152 = arith.addi %mul3A_140, %add3A_151 : i32
      %add3A_153 = arith.constant 0 : i32
      %add3A_154 = arith.addi %add3A_152, %add3A_153 : i32
      %dma_start3A_155 = arith.constant 0 : i32
      %dma_start3A_156 = tpu.memref_slice %arg7[%add3A_154, %dma_start3A_155] : memref<80x128xi32, #tpu.memory_space<vmem>> -> memref<1x128xi32, #tpu.memory_space<vmem>>
      %dma_start3A_157 = tpu.memref_squeeze %dma_start3A_156 : memref<1x128xi32, #tpu.memory_space<vmem>> -> memref<128xi32, #tpu.memory_space<vmem>>
      %dma_start3A_158 = arith.constant 0 : i32
      %dma_start3A_159 = arith.constant 0 : i32
      %dma_start3A_160 = tpu.memref_slice %arg2[%dma_start3A_158, %dma_start3A_159] : memref<10000x16xf32, #tpu.memory_space<hbm>> -> memref<10000x16xf32, #tpu.memory_space<hbm>>
      tpu.enqueue_indirect_dma source(%dma_start3A_160 : memref<10000x16xf32, #tpu.memory_space<hbm>>) target(%arg9 : memref<128x16xf32, #tpu.memory_space<vmem>>) offsets(%dma_start3A_157 : memref<128xi32, #tpu.memory_space<vmem>>) semaphore(%arg17 : memref<!tpu.dma_semaphore, #tpu.memory_space<semaphore_mem>>)
      %add3A_161 = arith.constant 1 : i32
      %add3A_162 = arith.addi %mul3A_140, %add3A_161 : i32
      %dma_wait3A_163 = arith.constant 0 : i32
      %dma_wait3A_164 = tpu.memref_slice %arg7[%add3A_162, %dma_wait3A_163] : memref<80x128xi32, #tpu.memory_space<vmem>> -> memref<1x128xi32, #tpu.memory_space<vmem>>
      %dma_wait3A_165 = tpu.memref_squeeze %dma_wait3A_164 : memref<1x128xi32, #tpu.memory_space<vmem>> -> memref<128xi32, #tpu.memory_space<vmem>>
      %dma_wait3A_166 = arith.constant 0 : i32
      %dma_wait3A_167 = arith.constant 0 : i32
      %dma_wait3A_168 = tpu.memref_slice %arg2[%dma_wait3A_166, %dma_wait3A_167] : memref<10000x16xf32, #tpu.memory_space<hbm>> -> memref<10000x16xf32, #tpu.memory_space<hbm>>
      tpu.wait_indirect_dma semaphore(%arg18 : memref<!tpu.dma_semaphore, #tpu.memory_space<semaphore_mem>>) src(%dma_wait3A_168 : memref<10000x16xf32, #tpu.memory_space<hbm>>) dst(%arg10 : memref<128x16xf32, #tpu.memory_space<vmem>>)
      %add3A_169 = arith.constant 1 : i32
      %add3A_170 = arith.addi %mul3A_140, %add3A_169 : i32
      "tpu.region"() ({
        %run_scoped3A_302 = tpu.sem_alloc : memref<!tpu.dma_semaphore, #tpu.memory_space<semaphore_mem>>
        %dma_start3A_303 = arith.constant 0 : i32
        %dma_start3A_304 = tpu.memref_slice %arg8[%add3A_170, %dma_start3A_303] : memref<80x128xi32, #tpu.memory_space<vmem>> -> memref<1x128xi32, #tpu.memory_space<vmem>>
        %dma_start3A_305 = tpu.memref_squeeze %dma_start3A_304 : memref<1x128xi32, #tpu.memory_space<vmem>> -> memref<128xi32, #tpu.memory_space<vmem>>
        %dma_start3A_306 = arith.constant 0 : i32
        %dma_start3A_307 = arith.constant 0 : i32
        %dma_start3A_308 = tpu.memref_slice %arg25[%dma_start3A_306, %dma_start3A_307] : memref<10240x16xf32, #tpu.memory_space<vmem_shared>> -> memref<10240x16xf32, #tpu.memory_space<vmem_shared>>
        tpu.enqueue_indirect_dma source(%arg10 : memref<128x16xf32, #tpu.memory_space<vmem>>) target(%dma_start3A_308 : memref<10240x16xf32, #tpu.memory_space<vmem_shared>>) offsets(%dma_start3A_305 : memref<128xi32, #tpu.memory_space<vmem>>) semaphore(%run_scoped3A_302 : memref<!tpu.dma_semaphore, #tpu.memory_space<semaphore_mem>>) {add = true}
        %dma_wait3A_309 = arith.constant 0 : i32
        %dma_wait3A_310 = tpu.memref_slice %arg8[%add3A_170, %dma_wait3A_309] : memref<80x128xi32, #tpu.memory_space<vmem>> -> memref<1x128xi32, #tpu.memory_space<vmem>>
        %dma_wait3A_311 = tpu.memref_squeeze %dma_wait3A_310 : memref<1x128xi32, #tpu.memory_space<vmem>> -> memref<128xi32, #tpu.memory_space<vmem>>
        %dma_wait3A_312 = arith.constant 0 : i32
        %dma_wait3A_313 = arith.constant 0 : i32
        %dma_wait3A_314 = tpu.memref_slice %arg25[%dma_wait3A_312, %dma_wait3A_313] : memref<10240x16xf32, #tpu.memory_space<vmem_shared>> -> memref<10240x16xf32, #tpu.memory_space<vmem_shared>>
        tpu.wait_indirect_dma semaphore(%run_scoped3A_302 : memref<!tpu.dma_semaphore, #tpu.memory_space<semaphore_mem>>) src(%arg10 : memref<128x16xf32, #tpu.memory_space<vmem>>) dst(%dma_wait3A_314 : memref<10240x16xf32, #tpu.memory_space<vmem_shared>>)
        tpu.yield
      }) : () -> ()
      %add3A_171 = arith.constant 8 : i32
      %add3A_172 = arith.addi %mul3A_140, %add3A_171 : i32
      %add3A_173 = arith.constant 1 : i32
      %add3A_174 = arith.addi %add3A_172, %add3A_173 : i32
      %dma_start3A_175 = arith.constant 0 : i32
      %dma_start3A_176 = tpu.memref_slice %arg7[%add3A_174, %dma_start3A_175] : memref<80x128xi32, #tpu.memory_space<vmem>> -> memref<1x128xi32, #tpu.memory_space<vmem>>
      %dma_start3A_177 = tpu.memref_squeeze %dma_start3A_176 : memref<1x128xi32, #tpu.memory_space<vmem>> -> memref<128xi32, #tpu.memory_space<vmem>>
      %dma_start3A_178 = arith.constant 0 : i32
      %dma_start3A_179 = arith.constant 0 : i32
      %dma_start3A_180 = tpu.memref_slice %arg2[%dma_start3A_178, %dma_start3A_179] : memref<10000x16xf32, #tpu.memory_space<hbm>> -> memref<10000x16xf32, #tpu.memory_space<hbm>>
      tpu.enqueue_indirect_dma source(%dma_start3A_180 : memref<10000x16xf32, #tpu.memory_space<hbm>>) target(%arg10 : memref<128x16xf32, #tpu.memory_space<vmem>>) offsets(%dma_start3A_177 : memref<128xi32, #tpu.memory_space<vmem>>) semaphore(%arg18 : memref<!tpu.dma_semaphore, #tpu.memory_space<semaphore_mem>>)
      %add3A_181 = arith.constant 2 : i32
      %add3A_182 = arith.addi %mul3A_140, %add3A_181 : i32
      %dma_wait3A_183 = arith.constant 0 : i32
      %dma_wait3A_184 = tpu.memref_slice %arg7[%add3A_182, %dma_wait3A_183] : memref<80x128xi32, #tpu.memory_space<vmem>> -> memref<1x128xi32, #tpu.memory_space<vmem>>
      %dma_wait3A_185 = tpu.memref_squeeze %dma_wait3A_184 : memref<1x128xi32, #tpu.memory_space<vmem>> -> memref<128xi32, #tpu.memory_space<vmem>>
      %dma_wait3A_186 = arith.constant 0 : i32
      %dma_wait3A_187 = arith.constant 0 : i32
      %dma_wait3A_188 = tpu.memref_slice %arg2[%dma_wait3A_186, %dma_wait3A_187] : memref<10000x16xf32, #tpu.memory_space<hbm>> -> memref<10000x16xf32, #tpu.memory_space<hbm>>
      tpu.wait_indirect_dma semaphore(%arg19 : memref<!tpu.dma_semaphore, #tpu.memory_space<semaphore_mem>>) src(%dma_wait3A_188 : memref<10000x16xf32, #tpu.memory_space<hbm>>) dst(%arg11 : memref<128x16xf32, #tpu.memory_space<vmem>>)
      %add3A_189 = arith.constant 2 : i32
      %add3A_190 = arith.addi %mul3A_140, %add3A_189 : i32
      "tpu.region"() ({
        %run_scoped3A_302 = tpu.sem_alloc : memref<!tpu.dma_semaphore, #tpu.memory_space<semaphore_mem>>
        %dma_start3A_303 = arith.constant 0 : i32
        %dma_start3A_304 = tpu.memref_slice %arg8[%add3A_190, %dma_start3A_303] : memref<80x128xi32, #tpu.memory_space<vmem>> -> memref<1x128xi32, #tpu.memory_space<vmem>>
        %dma_start3A_305 = tpu.memref_squeeze %dma_start3A_304 : memref<1x128xi32, #tpu.memory_space<vmem>> -> memref<128xi32, #tpu.memory_space<vmem>>
        %dma_start3A_306 = arith.constant 0 : i32
        %dma_start3A_307 = arith.constant 0 : i32
        %dma_start3A_308 = tpu.memref_slice %arg25[%dma_start3A_306, %dma_start3A_307] : memref<10240x16xf32, #tpu.memory_space<vmem_shared>> -> memref<10240x16xf32, #tpu.memory_space<vmem_shared>>
        tpu.enqueue_indirect_dma source(%arg11 : memref<128x16xf32, #tpu.memory_space<vmem>>) target(%dma_start3A_308 : memref<10240x16xf32, #tpu.memory_space<vmem_shared>>) offsets(%dma_start3A_305 : memref<128xi32, #tpu.memory_space<vmem>>) semaphore(%run_scoped3A_302 : memref<!tpu.dma_semaphore, #tpu.memory_space<semaphore_mem>>) {add = true}
        %dma_wait3A_309 = arith.constant 0 : i32
        %dma_wait3A_310 = tpu.memref_slice %arg8[%add3A_190, %dma_wait3A_309] : memref<80x128xi32, #tpu.memory_space<vmem>> -> memref<1x128xi32, #tpu.memory_space<vmem>>
        %dma_wait3A_311 = tpu.memref_squeeze %dma_wait3A_310 : memref<1x128xi32, #tpu.memory_space<vmem>> -> memref<128xi32, #tpu.memory_space<vmem>>
        %dma_wait3A_312 = arith.constant 0 : i32
        %dma_wait3A_313 = arith.constant 0 : i32
        %dma_wait3A_314 = tpu.memref_slice %arg25[%dma_wait3A_312, %dma_wait3A_313] : memref<10240x16xf32, #tpu.memory_space<vmem_shared>> -> memref<10240x16xf32, #tpu.memory_space<vmem_shared>>
        tpu.wait_indirect_dma semaphore(%run_scoped3A_302 : memref<!tpu.dma_semaphore, #tpu.memory_space<semaphore_mem>>) src(%arg11 : memref<128x16xf32, #tpu.memory_space<vmem>>) dst(%dma_wait3A_314 : memref<10240x16xf32, #tpu.memory_space<vmem_shared>>)
        tpu.yield
      }) : () -> ()
      %add3A_191 = arith.constant 8 : i32
      %add3A_192 = arith.addi %mul3A_140, %add3A_191 : i32
      %add3A_193 = arith.constant 2 : i32
      %add3A_194 = arith.addi %add3A_192, %add3A_193 : i32
      %dma_start3A_195 = arith.constant 0 : i32
      %dma_start3A_196 = tpu.memref_slice %arg7[%add3A_194, %dma_start3A_195] : memref<80x128xi32, #tpu.memory_space<vmem>> -> memref<1x128xi32, #tpu.memory_space<vmem>>
      %dma_start3A_197 = tpu.memref_squeeze %dma_start3A_196 : memref<1x128xi32, #tpu.memory_space<vmem>> -> memref<128xi32, #tpu.memory_space<vmem>>
      %dma_start3A_198 = arith.constant 0 : i32
      %dma_start3A_199 = arith.constant 0 : i32
      %dma_start3A_200 = tpu.memref_slice %arg2[%dma_start3A_198, %dma_start3A_199] : memref<10000x16xf32, #tpu.memory_space<hbm>> -> memref<10000x16xf32, #tpu.memory_space<hbm>>
      tpu.enqueue_indirect_dma source(%dma_start3A_200 : memref<10000x16xf32, #tpu.memory_space<hbm>>) target(%arg11 : memref<128x16xf32, #tpu.memory_space<vmem>>) offsets(%dma_start3A_197 : memref<128xi32, #tpu.memory_space<vmem>>) semaphore(%arg19 : memref<!tpu.dma_semaphore, #tpu.memory_space<semaphore_mem>>)
      %add3A_201 = arith.constant 3 : i32
      %add3A_202 = arith.addi %mul3A_140, %add3A_201 : i32
      %dma_wait3A_203 = arith.constant 0 : i32
      %dma_wait3A_204 = tpu.memref_slice %arg7[%add3A_202, %dma_wait3A_203] : memref<80x128xi32, #tpu.memory_space<vmem>> -> memref<1x128xi32, #tpu.memory_space<vmem>>
      %dma_wait3A_205 = tpu.memref_squeeze %dma_wait3A_204 : memref<1x128xi32, #tpu.memory_space<vmem>> -> memref<128xi32, #tpu.memory_space<vmem>>
      %dma_wait3A_206 = arith.constant 0 : i32
      %dma_wait3A_207 = arith.constant 0 : i32
      %dma_wait3A_208 = tpu.memref_slice %arg2[%dma_wait3A_206, %dma_wait3A_207] : memref<10000x16xf32, #tpu.memory_space<hbm>> -> memref<10000x16xf32, #tpu.memory_space<hbm>>
      tpu.wait_indirect_dma semaphore(%arg20 : memref<!tpu.dma_semaphore, #tpu.memory_space<semaphore_mem>>) src(%dma_wait3A_208 : memref<10000x16xf32, #tpu.memory_space<hbm>>) dst(%arg12 : memref<128x16xf32, #tpu.memory_space<vmem>>)
      %add3A_209 = arith.constant 3 : i32
      %add3A_210 = arith.addi %mul3A_140, %add3A_209 : i32
      "tpu.region"() ({
        %run_scoped3A_302 = tpu.sem_alloc : memref<!tpu.dma_semaphore, #tpu.memory_space<semaphore_mem>>
        %dma_start3A_303 = arith.constant 0 : i32
        %dma_start3A_304 = tpu.memref_slice %arg8[%add3A_210, %dma_start3A_303] : memref<80x128xi32, #tpu.memory_space<vmem>> -> memref<1x128xi32, #tpu.memory_space<vmem>>
        %dma_start3A_305 = tpu.memref_squeeze %dma_start3A_304 : memref<1x128xi32, #tpu.memory_space<vmem>> -> memref<128xi32, #tpu.memory_space<vmem>>
        %dma_start3A_306 = arith.constant 0 : i32
        %dma_start3A_307 = arith.constant 0 : i32
        %dma_start3A_308 = tpu.memref_slice %arg25[%dma_start3A_306, %dma_start3A_307] : memref<10240x16xf32, #tpu.memory_space<vmem_shared>> -> memref<10240x16xf32, #tpu.memory_space<vmem_shared>>
        tpu.enqueue_indirect_dma source(%arg12 : memref<128x16xf32, #tpu.memory_space<vmem>>) target(%dma_start3A_308 : memref<10240x16xf32, #tpu.memory_space<vmem_shared>>) offsets(%dma_start3A_305 : memref<128xi32, #tpu.memory_space<vmem>>) semaphore(%run_scoped3A_302 : memref<!tpu.dma_semaphore, #tpu.memory_space<semaphore_mem>>) {add = true}
        %dma_wait3A_309 = arith.constant 0 : i32
        %dma_wait3A_310 = tpu.memref_slice %arg8[%add3A_210, %dma_wait3A_309] : memref<80x128xi32, #tpu.memory_space<vmem>> -> memref<1x128xi32, #tpu.memory_space<vmem>>
        %dma_wait3A_311 = tpu.memref_squeeze %dma_wait3A_310 : memref<1x128xi32, #tpu.memory_space<vmem>> -> memref<128xi32, #tpu.memory_space<vmem>>
        %dma_wait3A_312 = arith.constant 0 : i32
        %dma_wait3A_313 = arith.constant 0 : i32
        %dma_wait3A_314 = tpu.memref_slice %arg25[%dma_wait3A_312, %dma_wait3A_313] : memref<10240x16xf32, #tpu.memory_space<vmem_shared>> -> memref<10240x16xf32, #tpu.memory_space<vmem_shared>>
        tpu.wait_indirect_dma semaphore(%run_scoped3A_302 : memref<!tpu.dma_semaphore, #tpu.memory_space<semaphore_mem>>) src(%arg12 : memref<128x16xf32, #tpu.memory_space<vmem>>) dst(%dma_wait3A_314 : memref<10240x16xf32, #tpu.memory_space<vmem_shared>>)
        tpu.yield
      }) : () -> ()
      %add3A_211 = arith.constant 8 : i32
      %add3A_212 = arith.addi %mul3A_140, %add3A_211 : i32
      %add3A_213 = arith.constant 3 : i32
      %add3A_214 = arith.addi %add3A_212, %add3A_213 : i32
      %dma_start3A_215 = arith.constant 0 : i32
      %dma_start3A_216 = tpu.memref_slice %arg7[%add3A_214, %dma_start3A_215] : memref<80x128xi32, #tpu.memory_space<vmem>> -> memref<1x128xi32, #tpu.memory_space<vmem>>
      %dma_start3A_217 = tpu.memref_squeeze %dma_start3A_216 : memref<1x128xi32, #tpu.memory_space<vmem>> -> memref<128xi32, #tpu.memory_space<vmem>>
      %dma_start3A_218 = arith.constant 0 : i32
      %dma_start3A_219 = arith.constant 0 : i32
      %dma_start3A_220 = tpu.memref_slice %arg2[%dma_start3A_218, %dma_start3A_219] : memref<10000x16xf32, #tpu.memory_space<hbm>> -> memref<10000x16xf32, #tpu.memory_space<hbm>>
      tpu.enqueue_indirect_dma source(%dma_start3A_220 : memref<10000x16xf32, #tpu.memory_space<hbm>>) target(%arg12 : memref<128x16xf32, #tpu.memory_space<vmem>>) offsets(%dma_start3A_217 : memref<128xi32, #tpu.memory_space<vmem>>) semaphore(%arg20 : memref<!tpu.dma_semaphore, #tpu.memory_space<semaphore_mem>>)
      %add3A_221 = arith.constant 4 : i32
      %add3A_222 = arith.addi %mul3A_140, %add3A_221 : i32
      %dma_wait3A_223 = arith.constant 0 : i32
      %dma_wait3A_224 = tpu.memref_slice %arg7[%add3A_222, %dma_wait3A_223] : memref<80x128xi32, #tpu.memory_space<vmem>> -> memref<1x128xi32, #tpu.memory_space<vmem>>
      %dma_wait3A_225 = tpu.memref_squeeze %dma_wait3A_224 : memref<1x128xi32, #tpu.memory_space<vmem>> -> memref<128xi32, #tpu.memory_space<vmem>>
      %dma_wait3A_226 = arith.constant 0 : i32
      %dma_wait3A_227 = arith.constant 0 : i32
      %dma_wait3A_228 = tpu.memref_slice %arg2[%dma_wait3A_226, %dma_wait3A_227] : memref<10000x16xf32, #tpu.memory_space<hbm>> -> memref<10000x16xf32, #tpu.memory_space<hbm>>
      tpu.wait_indirect_dma semaphore(%arg21 : memref<!tpu.dma_semaphore, #tpu.memory_space<semaphore_mem>>) src(%dma_wait3A_228 : memref<10000x16xf32, #tpu.memory_space<hbm>>) dst(%arg13 : memref<128x16xf32, #tpu.memory_space<vmem>>)
      %add3A_229 = arith.constant 4 : i32
      %add3A_230 = arith.addi %mul3A_140, %add3A_229 : i32
      "tpu.region"() ({
        %run_scoped3A_302 = tpu.sem_alloc : memref<!tpu.dma_semaphore, #tpu.memory_space<semaphore_mem>>
        %dma_start3A_303 = arith.constant 0 : i32
        %dma_start3A_304 = tpu.memref_slice %arg8[%add3A_230, %dma_start3A_303] : memref<80x128xi32, #tpu.memory_space<vmem>> -> memref<1x128xi32, #tpu.memory_space<vmem>>
        %dma_start3A_305 = tpu.memref_squeeze %dma_start3A_304 : memref<1x128xi32, #tpu.memory_space<vmem>> -> memref<128xi32, #tpu.memory_space<vmem>>
        %dma_start3A_306 = arith.constant 0 : i32
        %dma_start3A_307 = arith.constant 0 : i32
        %dma_start3A_308 = tpu.memref_slice %arg25[%dma_start3A_306, %dma_start3A_307] : memref<10240x16xf32, #tpu.memory_space<vmem_shared>> -> memref<10240x16xf32, #tpu.memory_space<vmem_shared>>
        tpu.enqueue_indirect_dma source(%arg13 : memref<128x16xf32, #tpu.memory_space<vmem>>) target(%dma_start3A_308 : memref<10240x16xf32, #tpu.memory_space<vmem_shared>>) offsets(%dma_start3A_305 : memref<128xi32, #tpu.memory_space<vmem>>) semaphore(%run_scoped3A_302 : memref<!tpu.dma_semaphore, #tpu.memory_space<semaphore_mem>>) {add = true}
        %dma_wait3A_309 = arith.constant 0 : i32
        %dma_wait3A_310 = tpu.memref_slice %arg8[%add3A_230, %dma_wait3A_309] : memref<80x128xi32, #tpu.memory_space<vmem>> -> memref<1x128xi32, #tpu.memory_space<vmem>>
        %dma_wait3A_311 = tpu.memref_squeeze %dma_wait3A_310 : memref<1x128xi32, #tpu.memory_space<vmem>> -> memref<128xi32, #tpu.memory_space<vmem>>
        %dma_wait3A_312 = arith.constant 0 : i32
        %dma_wait3A_313 = arith.constant 0 : i32
        %dma_wait3A_314 = tpu.memref_slice %arg25[%dma_wait3A_312, %dma_wait3A_313] : memref<10240x16xf32, #tpu.memory_space<vmem_shared>> -> memref<10240x16xf32, #tpu.memory_space<vmem_shared>>
        tpu.wait_indirect_dma semaphore(%run_scoped3A_302 : memref<!tpu.dma_semaphore, #tpu.memory_space<semaphore_mem>>) src(%arg13 : memref<128x16xf32, #tpu.memory_space<vmem>>) dst(%dma_wait3A_314 : memref<10240x16xf32, #tpu.memory_space<vmem_shared>>)
        tpu.yield
      }) : () -> ()
      %add3A_231 = arith.constant 8 : i32
      %add3A_232 = arith.addi %mul3A_140, %add3A_231 : i32
      %add3A_233 = arith.constant 4 : i32
      %add3A_234 = arith.addi %add3A_232, %add3A_233 : i32
      %dma_start3A_235 = arith.constant 0 : i32
      %dma_start3A_236 = tpu.memref_slice %arg7[%add3A_234, %dma_start3A_235] : memref<80x128xi32, #tpu.memory_space<vmem>> -> memref<1x128xi32, #tpu.memory_space<vmem>>
      %dma_start3A_237 = tpu.memref_squeeze %dma_start3A_236 : memref<1x128xi32, #tpu.memory_space<vmem>> -> memref<128xi32, #tpu.memory_space<vmem>>
      %dma_start3A_238 = arith.constant 0 : i32
      %dma_start3A_239 = arith.constant 0 : i32
      %dma_start3A_240 = tpu.memref_slice %arg2[%dma_start3A_238, %dma_start3A_239] : memref<10000x16xf32, #tpu.memory_space<hbm>> -> memref<10000x16xf32, #tpu.memory_space<hbm>>
      tpu.enqueue_indirect_dma source(%dma_start3A_240 : memref<10000x16xf32, #tpu.memory_space<hbm>>) target(%arg13 : memref<128x16xf32, #tpu.memory_space<vmem>>) offsets(%dma_start3A_237 : memref<128xi32, #tpu.memory_space<vmem>>) semaphore(%arg21 : memref<!tpu.dma_semaphore, #tpu.memory_space<semaphore_mem>>)
      %add3A_241 = arith.constant 5 : i32
      %add3A_242 = arith.addi %mul3A_140, %add3A_241 : i32
      %dma_wait3A_243 = arith.constant 0 : i32
      %dma_wait3A_244 = tpu.memref_slice %arg7[%add3A_242, %dma_wait3A_243] : memref<80x128xi32, #tpu.memory_space<vmem>> -> memref<1x128xi32, #tpu.memory_space<vmem>>
      %dma_wait3A_245 = tpu.memref_squeeze %dma_wait3A_244 : memref<1x128xi32, #tpu.memory_space<vmem>> -> memref<128xi32, #tpu.memory_space<vmem>>
      %dma_wait3A_246 = arith.constant 0 : i32
      %dma_wait3A_247 = arith.constant 0 : i32
      %dma_wait3A_248 = tpu.memref_slice %arg2[%dma_wait3A_246, %dma_wait3A_247] : memref<10000x16xf32, #tpu.memory_space<hbm>> -> memref<10000x16xf32, #tpu.memory_space<hbm>>
      tpu.wait_indirect_dma semaphore(%arg22 : memref<!tpu.dma_semaphore, #tpu.memory_space<semaphore_mem>>) src(%dma_wait3A_248 : memref<10000x16xf32, #tpu.memory_space<hbm>>) dst(%arg14 : memref<128x16xf32, #tpu.memory_space<vmem>>)
      %add3A_249 = arith.constant 5 : i32
      %add3A_250 = arith.addi %mul3A_140, %add3A_249 : i32
      "tpu.region"() ({
        %run_scoped3A_302 = tpu.sem_alloc : memref<!tpu.dma_semaphore, #tpu.memory_space<semaphore_mem>>
        %dma_start3A_303 = arith.constant 0 : i32
        %dma_start3A_304 = tpu.memref_slice %arg8[%add3A_250, %dma_start3A_303] : memref<80x128xi32, #tpu.memory_space<vmem>> -> memref<1x128xi32, #tpu.memory_space<vmem>>
        %dma_start3A_305 = tpu.memref_squeeze %dma_start3A_304 : memref<1x128xi32, #tpu.memory_space<vmem>> -> memref<128xi32, #tpu.memory_space<vmem>>
        %dma_start3A_306 = arith.constant 0 : i32
        %dma_start3A_307 = arith.constant 0 : i32
        %dma_start3A_308 = tpu.memref_slice %arg25[%dma_start3A_306, %dma_start3A_307] : memref<10240x16xf32, #tpu.memory_space<vmem_shared>> -> memref<10240x16xf32, #tpu.memory_space<vmem_shared>>
        tpu.enqueue_indirect_dma source(%arg14 : memref<128x16xf32, #tpu.memory_space<vmem>>) target(%dma_start3A_308 : memref<10240x16xf32, #tpu.memory_space<vmem_shared>>) offsets(%dma_start3A_305 : memref<128xi32, #tpu.memory_space<vmem>>) semaphore(%run_scoped3A_302 : memref<!tpu.dma_semaphore, #tpu.memory_space<semaphore_mem>>) {add = true}
        %dma_wait3A_309 = arith.constant 0 : i32
        %dma_wait3A_310 = tpu.memref_slice %arg8[%add3A_250, %dma_wait3A_309] : memref<80x128xi32, #tpu.memory_space<vmem>> -> memref<1x128xi32, #tpu.memory_space<vmem>>
        %dma_wait3A_311 = tpu.memref_squeeze %dma_wait3A_310 : memref<1x128xi32, #tpu.memory_space<vmem>> -> memref<128xi32, #tpu.memory_space<vmem>>
        %dma_wait3A_312 = arith.constant 0 : i32
        %dma_wait3A_313 = arith.constant 0 : i32
        %dma_wait3A_314 = tpu.memref_slice %arg25[%dma_wait3A_312, %dma_wait3A_313] : memref<10240x16xf32, #tpu.memory_space<vmem_shared>> -> memref<10240x16xf32, #tpu.memory_space<vmem_shared>>
        tpu.wait_indirect_dma semaphore(%run_scoped3A_302 : memref<!tpu.dma_semaphore, #tpu.memory_space<semaphore_mem>>) src(%arg14 : memref<128x16xf32, #tpu.memory_space<vmem>>) dst(%dma_wait3A_314 : memref<10240x16xf32, #tpu.memory_space<vmem_shared>>)
        tpu.yield
      }) : () -> ()
      %add3A_251 = arith.constant 8 : i32
      %add3A_252 = arith.addi %mul3A_140, %add3A_251 : i32
      %add3A_253 = arith.constant 5 : i32
      %add3A_254 = arith.addi %add3A_252, %add3A_253 : i32
      %dma_start3A_255 = arith.constant 0 : i32
      %dma_start3A_256 = tpu.memref_slice %arg7[%add3A_254, %dma_start3A_255] : memref<80x128xi32, #tpu.memory_space<vmem>> -> memref<1x128xi32, #tpu.memory_space<vmem>>
      %dma_start3A_257 = tpu.memref_squeeze %dma_start3A_256 : memref<1x128xi32, #tpu.memory_space<vmem>> -> memref<128xi32, #tpu.memory_space<vmem>>
      %dma_start3A_258 = arith.constant 0 : i32
      %dma_start3A_259 = arith.constant 0 : i32
      %dma_start3A_260 = tpu.memref_slice %arg2[%dma_start3A_258, %dma_start3A_259] : memref<10000x16xf32, #tpu.memory_space<hbm>> -> memref<10000x16xf32, #tpu.memory_space<hbm>>
      tpu.enqueue_indirect_dma source(%dma_start3A_260 : memref<10000x16xf32, #tpu.memory_space<hbm>>) target(%arg14 : memref<128x16xf32, #tpu.memory_space<vmem>>) offsets(%dma_start3A_257 : memref<128xi32, #tpu.memory_space<vmem>>) semaphore(%arg22 : memref<!tpu.dma_semaphore, #tpu.memory_space<semaphore_mem>>)
      %add3A_261 = arith.constant 6 : i32
      %add3A_262 = arith.addi %mul3A_140, %add3A_261 : i32
      %dma_wait3A_263 = arith.constant 0 : i32
      %dma_wait3A_264 = tpu.memref_slice %arg7[%add3A_262, %dma_wait3A_263] : memref<80x128xi32, #tpu.memory_space<vmem>> -> memref<1x128xi32, #tpu.memory_space<vmem>>
      %dma_wait3A_265 = tpu.memref_squeeze %dma_wait3A_264 : memref<1x128xi32, #tpu.memory_space<vmem>> -> memref<128xi32, #tpu.memory_space<vmem>>
      %dma_wait3A_266 = arith.constant 0 : i32
      %dma_wait3A_267 = arith.constant 0 : i32
      %dma_wait3A_268 = tpu.memref_slice %arg2[%dma_wait3A_266, %dma_wait3A_267] : memref<10000x16xf32, #tpu.memory_space<hbm>> -> memref<10000x16xf32, #tpu.memory_space<hbm>>
      tpu.wait_indirect_dma semaphore(%arg23 : memref<!tpu.dma_semaphore, #tpu.memory_space<semaphore_mem>>) src(%dma_wait3A_268 : memref<10000x16xf32, #tpu.memory_space<hbm>>) dst(%arg15 : memref<128x16xf32, #tpu.memory_space<vmem>>)
      %add3A_269 = arith.constant 6 : i32
      %add3A_270 = arith.addi %mul3A_140, %add3A_269 : i32
      "tpu.region"() ({
        %run_scoped3A_302 = tpu.sem_alloc : memref<!tpu.dma_semaphore, #tpu.memory_space<semaphore_mem>>
        %dma_start3A_303 = arith.constant 0 : i32
        %dma_start3A_304 = tpu.memref_slice %arg8[%add3A_270, %dma_start3A_303] : memref<80x128xi32, #tpu.memory_space<vmem>> -> memref<1x128xi32, #tpu.memory_space<vmem>>
        %dma_start3A_305 = tpu.memref_squeeze %dma_start3A_304 : memref<1x128xi32, #tpu.memory_space<vmem>> -> memref<128xi32, #tpu.memory_space<vmem>>
        %dma_start3A_306 = arith.constant 0 : i32
        %dma_start3A_307 = arith.constant 0 : i32
        %dma_start3A_308 = tpu.memref_slice %arg25[%dma_start3A_306, %dma_start3A_307] : memref<10240x16xf32, #tpu.memory_space<vmem_shared>> -> memref<10240x16xf32, #tpu.memory_space<vmem_shared>>
        tpu.enqueue_indirect_dma source(%arg15 : memref<128x16xf32, #tpu.memory_space<vmem>>) target(%dma_start3A_308 : memref<10240x16xf32, #tpu.memory_space<vmem_shared>>) offsets(%dma_start3A_305 : memref<128xi32, #tpu.memory_space<vmem>>) semaphore(%run_scoped3A_302 : memref<!tpu.dma_semaphore, #tpu.memory_space<semaphore_mem>>) {add = true}
        %dma_wait3A_309 = arith.constant 0 : i32
        %dma_wait3A_310 = tpu.memref_slice %arg8[%add3A_270, %dma_wait3A_309] : memref<80x128xi32, #tpu.memory_space<vmem>> -> memref<1x128xi32, #tpu.memory_space<vmem>>
        %dma_wait3A_311 = tpu.memref_squeeze %dma_wait3A_310 : memref<1x128xi32, #tpu.memory_space<vmem>> -> memref<128xi32, #tpu.memory_space<vmem>>
        %dma_wait3A_312 = arith.constant 0 : i32
        %dma_wait3A_313 = arith.constant 0 : i32
        %dma_wait3A_314 = tpu.memref_slice %arg25[%dma_wait3A_312, %dma_wait3A_313] : memref<10240x16xf32, #tpu.memory_space<vmem_shared>> -> memref<10240x16xf32, #tpu.memory_space<vmem_shared>>
        tpu.wait_indirect_dma semaphore(%run_scoped3A_302 : memref<!tpu.dma_semaphore, #tpu.memory_space<semaphore_mem>>) src(%arg15 : memref<128x16xf32, #tpu.memory_space<vmem>>) dst(%dma_wait3A_314 : memref<10240x16xf32, #tpu.memory_space<vmem_shared>>)
        tpu.yield
      }) : () -> ()
      %add3A_271 = arith.constant 8 : i32
      %add3A_272 = arith.addi %mul3A_140, %add3A_271 : i32
      %add3A_273 = arith.constant 6 : i32
      %add3A_274 = arith.addi %add3A_272, %add3A_273 : i32
      %dma_start3A_275 = arith.constant 0 : i32
      %dma_start3A_276 = tpu.memref_slice %arg7[%add3A_274, %dma_start3A_275] : memref<80x128xi32, #tpu.memory_space<vmem>> -> memref<1x128xi32, #tpu.memory_space<vmem>>
      %dma_start3A_277 = tpu.memref_squeeze %dma_start3A_276 : memref<1x128xi32, #tpu.memory_space<vmem>> -> memref<128xi32, #tpu.memory_space<vmem>>
      %dma_start3A_278 = arith.constant 0 : i32
      %dma_start3A_279 = arith.constant 0 : i32
      %dma_start3A_280 = tpu.memref_slice %arg2[%dma_start3A_278, %dma_start3A_279] : memref<10000x16xf32, #tpu.memory_space<hbm>> -> memref<10000x16xf32, #tpu.memory_space<hbm>>
      tpu.enqueue_indirect_dma source(%dma_start3A_280 : memref<10000x16xf32, #tpu.memory_space<hbm>>) target(%arg15 : memref<128x16xf32, #tpu.memory_space<vmem>>) offsets(%dma_start3A_277 : memref<128xi32, #tpu.memory_space<vmem>>) semaphore(%arg23 : memref<!tpu.dma_semaphore, #tpu.memory_space<semaphore_mem>>)
      %add3A_281 = arith.constant 7 : i32
      %add3A_282 = arith.addi %mul3A_140, %add3A_281 : i32
      %dma_wait3A_283 = arith.constant 0 : i32
      %dma_wait3A_284 = tpu.memref_slice %arg7[%add3A_282, %dma_wait3A_283] : memref<80x128xi32, #tpu.memory_space<vmem>> -> memref<1x128xi32, #tpu.memory_space<vmem>>
      %dma_wait3A_285 = tpu.memref_squeeze %dma_wait3A_284 : memref<1x128xi32, #tpu.memory_space<vmem>> -> memref<128xi32, #tpu.memory_space<vmem>>
      %dma_wait3A_286 = arith.constant 0 : i32
      %dma_wait3A_287 = arith.constant 0 : i32
      %dma_wait3A_288 = tpu.memref_slice %arg2[%dma_wait3A_286, %dma_wait3A_287] : memref<10000x16xf32, #tpu.memory_space<hbm>> -> memref<10000x16xf32, #tpu.memory_space<hbm>>
      tpu.wait_indirect_dma semaphore(%arg24 : memref<!tpu.dma_semaphore, #tpu.memory_space<semaphore_mem>>) src(%dma_wait3A_288 : memref<10000x16xf32, #tpu.memory_space<hbm>>) dst(%arg16 : memref<128x16xf32, #tpu.memory_space<vmem>>)
      %add3A_289 = arith.constant 7 : i32
      %add3A_290 = arith.addi %mul3A_140, %add3A_289 : i32
      "tpu.region"() ({
        %run_scoped3A_302 = tpu.sem_alloc : memref<!tpu.dma_semaphore, #tpu.memory_space<semaphore_mem>>
        %dma_start3A_303 = arith.constant 0 : i32
        %dma_start3A_304 = tpu.memref_slice %arg8[%add3A_290, %dma_start3A_303] : memref<80x128xi32, #tpu.memory_space<vmem>> -> memref<1x128xi32, #tpu.memory_space<vmem>>
        %dma_start3A_305 = tpu.memref_squeeze %dma_start3A_304 : memref<1x128xi32, #tpu.memory_space<vmem>> -> memref<128xi32, #tpu.memory_space<vmem>>
        %dma_start3A_306 = arith.constant 0 : i32
        %dma_start3A_307 = arith.constant 0 : i32
        %dma_start3A_308 = tpu.memref_slice %arg25[%dma_start3A_306, %dma_start3A_307] : memref<10240x16xf32, #tpu.memory_space<vmem_shared>> -> memref<10240x16xf32, #tpu.memory_space<vmem_shared>>
        tpu.enqueue_indirect_dma source(%arg16 : memref<128x16xf32, #tpu.memory_space<vmem>>) target(%dma_start3A_308 : memref<10240x16xf32, #tpu.memory_space<vmem_shared>>) offsets(%dma_start3A_305 : memref<128xi32, #tpu.memory_space<vmem>>) semaphore(%run_scoped3A_302 : memref<!tpu.dma_semaphore, #tpu.memory_space<semaphore_mem>>) {add = true}
        %dma_wait3A_309 = arith.constant 0 : i32
        %dma_wait3A_310 = tpu.memref_slice %arg8[%add3A_290, %dma_wait3A_309] : memref<80x128xi32, #tpu.memory_space<vmem>> -> memref<1x128xi32, #tpu.memory_space<vmem>>
        %dma_wait3A_311 = tpu.memref_squeeze %dma_wait3A_310 : memref<1x128xi32, #tpu.memory_space<vmem>> -> memref<128xi32, #tpu.memory_space<vmem>>
        %dma_wait3A_312 = arith.constant 0 : i32
        %dma_wait3A_313 = arith.constant 0 : i32
        %dma_wait3A_314 = tpu.memref_slice %arg25[%dma_wait3A_312, %dma_wait3A_313] : memref<10240x16xf32, #tpu.memory_space<vmem_shared>> -> memref<10240x16xf32, #tpu.memory_space<vmem_shared>>
        tpu.wait_indirect_dma semaphore(%run_scoped3A_302 : memref<!tpu.dma_semaphore, #tpu.memory_space<semaphore_mem>>) src(%arg16 : memref<128x16xf32, #tpu.memory_space<vmem>>) dst(%dma_wait3A_314 : memref<10240x16xf32, #tpu.memory_space<vmem_shared>>)
        tpu.yield
      }) : () -> ()
      %add3A_291 = arith.constant 8 : i32
      %add3A_292 = arith.addi %mul3A_140, %add3A_291 : i32
      %add3A_293 = arith.constant 7 : i32
      %add3A_294 = arith.addi %add3A_292, %add3A_293 : i32
      %dma_start3A_295 = arith.constant 0 : i32
      %dma_start3A_296 = tpu.memref_slice %arg7[%add3A_294, %dma_start3A_295] : memref<80x128xi32, #tpu.memory_space<vmem>> -> memref<1x128xi32, #tpu.memory_space<vmem>>
      %dma_start3A_297 = tpu.memref_squeeze %dma_start3A_296 : memref<1x128xi32, #tpu.memory_space<vmem>> -> memref<128xi32, #tpu.memory_space<vmem>>
      %dma_start3A_298 = arith.constant 0 : i32
      %dma_start3A_299 = arith.constant 0 : i32
      %dma_start3A_300 = tpu.memref_slice %arg2[%dma_start3A_298, %dma_start3A_299] : memref<10000x16xf32, #tpu.memory_space<hbm>> -> memref<10000x16xf32, #tpu.memory_space<hbm>>
      tpu.enqueue_indirect_dma source(%dma_start3A_300 : memref<10000x16xf32, #tpu.memory_space<hbm>>) target(%arg16 : memref<128x16xf32, #tpu.memory_space<vmem>>) offsets(%dma_start3A_297 : memref<128xi32, #tpu.memory_space<vmem>>) semaphore(%arg24 : memref<!tpu.dma_semaphore, #tpu.memory_space<semaphore_mem>>)
      %scan3A_301 = arith.constant 0 : i32
      scf.yield %scan3A_301 : i32
    }
    %scan3A_69 = arith.constant 9 : i32
    %dma_wait3A = arith.constant 72 : i32
    %dma_wait3A_70 = arith.constant 0 : i32
    %dma_wait3A_71 = tpu.memref_slice %arg7[%dma_wait3A, %dma_wait3A_70] : memref<80x128xi32, #tpu.memory_space<vmem>> -> memref<1x128xi32, #tpu.memory_space<vmem>>
    %dma_wait3A_72 = tpu.memref_squeeze %dma_wait3A_71 : memref<1x128xi32, #tpu.memory_space<vmem>> -> memref<128xi32, #tpu.memory_space<vmem>>
    %dma_wait3A_73 = arith.constant 0 : i32
    %dma_wait3A_74 = arith.constant 0 : i32
    %dma_wait3A_75 = tpu.memref_slice %arg2[%dma_wait3A_73, %dma_wait3A_74] : memref<10000x16xf32, #tpu.memory_space<hbm>> -> memref<10000x16xf32, #tpu.memory_space<hbm>>
    tpu.wait_indirect_dma semaphore(%arg17 : memref<!tpu.dma_semaphore, #tpu.memory_space<semaphore_mem>>) src(%dma_wait3A_75 : memref<10000x16xf32, #tpu.memory_space<hbm>>) dst(%arg9 : memref<128x16xf32, #tpu.memory_space<vmem>>)
    %run_scoped3A = arith.constant 72 : i32
    "tpu.region"() ({
      %run_scoped3A_137 = tpu.sem_alloc : memref<!tpu.dma_semaphore, #tpu.memory_space<semaphore_mem>>
      %dma_start3A_138 = arith.constant 0 : i32
      %dma_start3A_139 = tpu.memref_slice %arg8[%run_scoped3A, %dma_start3A_138] : memref<80x128xi32, #tpu.memory_space<vmem>> -> memref<1x128xi32, #tpu.memory_space<vmem>>
      %dma_start3A_140 = tpu.memref_squeeze %dma_start3A_139 : memref<1x128xi32, #tpu.memory_space<vmem>> -> memref<128xi32, #tpu.memory_space<vmem>>
      %dma_start3A_141 = arith.constant 0 : i32
      %dma_start3A_142 = arith.constant 0 : i32
      %dma_start3A_143 = tpu.memref_slice %arg25[%dma_start3A_141, %dma_start3A_142] : memref<10240x16xf32, #tpu.memory_space<vmem_shared>> -> memref<10240x16xf32, #tpu.memory_space<vmem_shared>>
      tpu.enqueue_indirect_dma source(%arg9 : memref<128x16xf32, #tpu.memory_space<vmem>>) target(%dma_start3A_143 : memref<10240x16xf32, #tpu.memory_space<vmem_shared>>) offsets(%dma_start3A_140 : memref<128xi32, #tpu.memory_space<vmem>>) semaphore(%run_scoped3A_137 : memref<!tpu.dma_semaphore, #tpu.memory_space<semaphore_mem>>) {add = true}
      %dma_wait3A_144 = arith.constant 0 : i32
      %dma_wait3A_145 = tpu.memref_slice %arg8[%run_scoped3A, %dma_wait3A_144] : memref<80x128xi32, #tpu.memory_space<vmem>> -> memref<1x128xi32, #tpu.memory_space<vmem>>
      %dma_wait3A_146 = tpu.memref_squeeze %dma_wait3A_145 : memref<1x128xi32, #tpu.memory_space<vmem>> -> memref<128xi32, #tpu.memory_space<vmem>>
      %dma_wait3A_147 = arith.constant 0 : i32
      %dma_wait3A_148 = arith.constant 0 : i32
      %dma_wait3A_149 = tpu.memref_slice %arg25[%dma_wait3A_147, %dma_wait3A_148] : memref<10240x16xf32, #tpu.memory_space<vmem_shared>> -> memref<10240x16xf32, #tpu.memory_space<vmem_shared>>
      tpu.wait_indirect_dma semaphore(%run_scoped3A_137 : memref<!tpu.dma_semaphore, #tpu.memory_space<semaphore_mem>>) src(%arg9 : memref<128x16xf32, #tpu.memory_space<vmem>>) dst(%dma_wait3A_149 : memref<10240x16xf32, #tpu.memory_space<vmem_shared>>)
      tpu.yield
    }) : () -> ()
    %dma_wait3A_76 = arith.constant 73 : i32
    %dma_wait3A_77 = arith.constant 0 : i32
    %dma_wait3A_78 = tpu.memref_slice %arg7[%dma_wait3A_76, %dma_wait3A_77] : memref<80x128xi32, #tpu.memory_space<vmem>> -> memref<1x128xi32, #tpu.memory_space<vmem>>
    %dma_wait3A_79 = tpu.memref_squeeze %dma_wait3A_78 : memref<1x128xi32, #tpu.memory_space<vmem>> -> memref<128xi32, #tpu.memory_space<vmem>>
    %dma_wait3A_80 = arith.constant 0 : i32
    %dma_wait3A_81 = arith.constant 0 : i32
    %dma_wait3A_82 = tpu.memref_slice %arg2[%dma_wait3A_80, %dma_wait3A_81] : memref<10000x16xf32, #tpu.memory_space<hbm>> -> memref<10000x16xf32, #tpu.memory_space<hbm>>
    tpu.wait_indirect_dma semaphore(%arg18 : memref<!tpu.dma_semaphore, #tpu.memory_space<semaphore_mem>>) src(%dma_wait3A_82 : memref<10000x16xf32, #tpu.memory_space<hbm>>) dst(%arg10 : memref<128x16xf32, #tpu.memory_space<vmem>>)
    %run_scoped3A_83 = arith.constant 73 : i32
    "tpu.region"() ({
      %run_scoped3A_137 = tpu.sem_alloc : memref<!tpu.dma_semaphore, #tpu.memory_space<semaphore_mem>>
      %dma_start3A_138 = arith.constant 0 : i32
      %dma_start3A_139 = tpu.memref_slice %arg8[%run_scoped3A_83, %dma_start3A_138] : memref<80x128xi32, #tpu.memory_space<vmem>> -> memref<1x128xi32, #tpu.memory_space<vmem>>
      %dma_start3A_140 = tpu.memref_squeeze %dma_start3A_139 : memref<1x128xi32, #tpu.memory_space<vmem>> -> memref<128xi32, #tpu.memory_space<vmem>>
      %dma_start3A_141 = arith.constant 0 : i32
      %dma_start3A_142 = arith.constant 0 : i32
      %dma_start3A_143 = tpu.memref_slice %arg25[%dma_start3A_141, %dma_start3A_142] : memref<10240x16xf32, #tpu.memory_space<vmem_shared>> -> memref<10240x16xf32, #tpu.memory_space<vmem_shared>>
      tpu.enqueue_indirect_dma source(%arg10 : memref<128x16xf32, #tpu.memory_space<vmem>>) target(%dma_start3A_143 : memref<10240x16xf32, #tpu.memory_space<vmem_shared>>) offsets(%dma_start3A_140 : memref<128xi32, #tpu.memory_space<vmem>>) semaphore(%run_scoped3A_137 : memref<!tpu.dma_semaphore, #tpu.memory_space<semaphore_mem>>) {add = true}
      %dma_wait3A_144 = arith.constant 0 : i32
      %dma_wait3A_145 = tpu.memref_slice %arg8[%run_scoped3A_83, %dma_wait3A_144] : memref<80x128xi32, #tpu.memory_space<vmem>> -> memref<1x128xi32, #tpu.memory_space<vmem>>
      %dma_wait3A_146 = tpu.memref_squeeze %dma_wait3A_145 : memref<1x128xi32, #tpu.memory_space<vmem>> -> memref<128xi32, #tpu.memory_space<vmem>>
      %dma_wait3A_147 = arith.constant 0 : i32
      %dma_wait3A_148 = arith.constant 0 : i32
      %dma_wait3A_149 = tpu.memref_slice %arg25[%dma_wait3A_147, %dma_wait3A_148] : memref<10240x16xf32, #tpu.memory_space<vmem_shared>> -> memref<10240x16xf32, #tpu.memory_space<vmem_shared>>
      tpu.wait_indirect_dma semaphore(%run_scoped3A_137 : memref<!tpu.dma_semaphore, #tpu.memory_space<semaphore_mem>>) src(%arg10 : memref<128x16xf32, #tpu.memory_space<vmem>>) dst(%dma_wait3A_149 : memref<10240x16xf32, #tpu.memory_space<vmem_shared>>)
      tpu.yield
    }) : () -> ()
    %dma_wait3A_84 = arith.constant 74 : i32
    %dma_wait3A_85 = arith.constant 0 : i32
    %dma_wait3A_86 = tpu.memref_slice %arg7[%dma_wait3A_84, %dma_wait3A_85] : memref<80x128xi32, #tpu.memory_space<vmem>> -> memref<1x128xi32, #tpu.memory_space<vmem>>
    %dma_wait3A_87 = tpu.memref_squeeze %dma_wait3A_86 : memref<1x128xi32, #tpu.memory_space<vmem>> -> memref<128xi32, #tpu.memory_space<vmem>>
    %dma_wait3A_88 = arith.constant 0 : i32
    %dma_wait3A_89 = arith.constant 0 : i32
    %dma_wait3A_90 = tpu.memref_slice %arg2[%dma_wait3A_88, %dma_wait3A_89] : memref<10000x16xf32, #tpu.memory_space<hbm>> -> memref<10000x16xf32, #tpu.memory_space<hbm>>
    tpu.wait_indirect_dma semaphore(%arg19 : memref<!tpu.dma_semaphore, #tpu.memory_space<semaphore_mem>>) src(%dma_wait3A_90 : memref<10000x16xf32, #tpu.memory_space<hbm>>) dst(%arg11 : memref<128x16xf32, #tpu.memory_space<vmem>>)
    %run_scoped3A_91 = arith.constant 74 : i32
    "tpu.region"() ({
      %run_scoped3A_137 = tpu.sem_alloc : memref<!tpu.dma_semaphore, #tpu.memory_space<semaphore_mem>>
      %dma_start3A_138 = arith.constant 0 : i32
      %dma_start3A_139 = tpu.memref_slice %arg8[%run_scoped3A_91, %dma_start3A_138] : memref<80x128xi32, #tpu.memory_space<vmem>> -> memref<1x128xi32, #tpu.memory_space<vmem>>
      %dma_start3A_140 = tpu.memref_squeeze %dma_start3A_139 : memref<1x128xi32, #tpu.memory_space<vmem>> -> memref<128xi32, #tpu.memory_space<vmem>>
      %dma_start3A_141 = arith.constant 0 : i32
      %dma_start3A_142 = arith.constant 0 : i32
      %dma_start3A_143 = tpu.memref_slice %arg25[%dma_start3A_141, %dma_start3A_142] : memref<10240x16xf32, #tpu.memory_space<vmem_shared>> -> memref<10240x16xf32, #tpu.memory_space<vmem_shared>>
      tpu.enqueue_indirect_dma source(%arg11 : memref<128x16xf32, #tpu.memory_space<vmem>>) target(%dma_start3A_143 : memref<10240x16xf32, #tpu.memory_space<vmem_shared>>) offsets(%dma_start3A_140 : memref<128xi32, #tpu.memory_space<vmem>>) semaphore(%run_scoped3A_137 : memref<!tpu.dma_semaphore, #tpu.memory_space<semaphore_mem>>) {add = true}
      %dma_wait3A_144 = arith.constant 0 : i32
      %dma_wait3A_145 = tpu.memref_slice %arg8[%run_scoped3A_91, %dma_wait3A_144] : memref<80x128xi32, #tpu.memory_space<vmem>> -> memref<1x128xi32, #tpu.memory_space<vmem>>
      %dma_wait3A_146 = tpu.memref_squeeze %dma_wait3A_145 : memref<1x128xi32, #tpu.memory_space<vmem>> -> memref<128xi32, #tpu.memory_space<vmem>>
      %dma_wait3A_147 = arith.constant 0 : i32
      %dma_wait3A_148 = arith.constant 0 : i32
      %dma_wait3A_149 = tpu.memref_slice %arg25[%dma_wait3A_147, %dma_wait3A_148] : memref<10240x16xf32, #tpu.memory_space<vmem_shared>> -> memref<10240x16xf32, #tpu.memory_space<vmem_shared>>
      tpu.wait_indirect_dma semaphore(%run_scoped3A_137 : memref<!tpu.dma_semaphore, #tpu.memory_space<semaphore_mem>>) src(%arg11 : memref<128x16xf32, #tpu.memory_space<vmem>>) dst(%dma_wait3A_149 : memref<10240x16xf32, #tpu.memory_space<vmem_shared>>)
      tpu.yield
    }) : () -> ()
    %dma_wait3A_92 = arith.constant 75 : i32
    %dma_wait3A_93 = arith.constant 0 : i32
    %dma_wait3A_94 = tpu.memref_slice %arg7[%dma_wait3A_92, %dma_wait3A_93] : memref<80x128xi32, #tpu.memory_space<vmem>> -> memref<1x128xi32, #tpu.memory_space<vmem>>
    %dma_wait3A_95 = tpu.memref_squeeze %dma_wait3A_94 : memref<1x128xi32, #tpu.memory_space<vmem>> -> memref<128xi32, #tpu.memory_space<vmem>>
    %dma_wait3A_96 = arith.constant 0 : i32
    %dma_wait3A_97 = arith.constant 0 : i32
    %dma_wait3A_98 = tpu.memref_slice %arg2[%dma_wait3A_96, %dma_wait3A_97] : memref<10000x16xf32, #tpu.memory_space<hbm>> -> memref<10000x16xf32, #tpu.memory_space<hbm>>
    tpu.wait_indirect_dma semaphore(%arg20 : memref<!tpu.dma_semaphore, #tpu.memory_space<semaphore_mem>>) src(%dma_wait3A_98 : memref<10000x16xf32, #tpu.memory_space<hbm>>) dst(%arg12 : memref<128x16xf32, #tpu.memory_space<vmem>>)
    %run_scoped3A_99 = arith.constant 75 : i32
    "tpu.region"() ({
      %run_scoped3A_137 = tpu.sem_alloc : memref<!tpu.dma_semaphore, #tpu.memory_space<semaphore_mem>>
      %dma_start3A_138 = arith.constant 0 : i32
      %dma_start3A_139 = tpu.memref_slice %arg8[%run_scoped3A_99, %dma_start3A_138] : memref<80x128xi32, #tpu.memory_space<vmem>> -> memref<1x128xi32, #tpu.memory_space<vmem>>
      %dma_start3A_140 = tpu.memref_squeeze %dma_start3A_139 : memref<1x128xi32, #tpu.memory_space<vmem>> -> memref<128xi32, #tpu.memory_space<vmem>>
      %dma_start3A_141 = arith.constant 0 : i32
      %dma_start3A_142 = arith.constant 0 : i32
      %dma_start3A_143 = tpu.memref_slice %arg25[%dma_start3A_141, %dma_start3A_142] : memref<10240x16xf32, #tpu.memory_space<vmem_shared>> -> memref<10240x16xf32, #tpu.memory_space<vmem_shared>>
      tpu.enqueue_indirect_dma source(%arg12 : memref<128x16xf32, #tpu.memory_space<vmem>>) target(%dma_start3A_143 : memref<10240x16xf32, #tpu.memory_space<vmem_shared>>) offsets(%dma_start3A_140 : memref<128xi32, #tpu.memory_space<vmem>>) semaphore(%run_scoped3A_137 : memref<!tpu.dma_semaphore, #tpu.memory_space<semaphore_mem>>) {add = true}
      %dma_wait3A_144 = arith.constant 0 : i32
      %dma_wait3A_145 = tpu.memref_slice %arg8[%run_scoped3A_99, %dma_wait3A_144] : memref<80x128xi32, #tpu.memory_space<vmem>> -> memref<1x128xi32, #tpu.memory_space<vmem>>
      %dma_wait3A_146 = tpu.memref_squeeze %dma_wait3A_145 : memref<1x128xi32, #tpu.memory_space<vmem>> -> memref<128xi32, #tpu.memory_space<vmem>>
      %dma_wait3A_147 = arith.constant 0 : i32
      %dma_wait3A_148 = arith.constant 0 : i32
      %dma_wait3A_149 = tpu.memref_slice %arg25[%dma_wait3A_147, %dma_wait3A_148] : memref<10240x16xf32, #tpu.memory_space<vmem_shared>> -> memref<10240x16xf32, #tpu.memory_space<vmem_shared>>
      tpu.wait_indirect_dma semaphore(%run_scoped3A_137 : memref<!tpu.dma_semaphore, #tpu.memory_space<semaphore_mem>>) src(%arg12 : memref<128x16xf32, #tpu.memory_space<vmem>>) dst(%dma_wait3A_149 : memref<10240x16xf32, #tpu.memory_space<vmem_shared>>)
      tpu.yield
    }) : () -> ()
    %dma_wait3A_100 = arith.constant 76 : i32
    %dma_wait3A_101 = arith.constant 0 : i32
    %dma_wait3A_102 = tpu.memref_slice %arg7[%dma_wait3A_100, %dma_wait3A_101] : memref<80x128xi32, #tpu.memory_space<vmem>> -> memref<1x128xi32, #tpu.memory_space<vmem>>
    %dma_wait3A_103 = tpu.memref_squeeze %dma_wait3A_102 : memref<1x128xi32, #tpu.memory_space<vmem>> -> memref<128xi32, #tpu.memory_space<vmem>>
    %dma_wait3A_104 = arith.constant 0 : i32
    %dma_wait3A_105 = arith.constant 0 : i32
    %dma_wait3A_106 = tpu.memref_slice %arg2[%dma_wait3A_104, %dma_wait3A_105] : memref<10000x16xf32, #tpu.memory_space<hbm>> -> memref<10000x16xf32, #tpu.memory_space<hbm>>
    tpu.wait_indirect_dma semaphore(%arg21 : memref<!tpu.dma_semaphore, #tpu.memory_space<semaphore_mem>>) src(%dma_wait3A_106 : memref<10000x16xf32, #tpu.memory_space<hbm>>) dst(%arg13 : memref<128x16xf32, #tpu.memory_space<vmem>>)
    %run_scoped3A_107 = arith.constant 76 : i32
    "tpu.region"() ({
      %run_scoped3A_137 = tpu.sem_alloc : memref<!tpu.dma_semaphore, #tpu.memory_space<semaphore_mem>>
      %dma_start3A_138 = arith.constant 0 : i32
      %dma_start3A_139 = tpu.memref_slice %arg8[%run_scoped3A_107, %dma_start3A_138] : memref<80x128xi32, #tpu.memory_space<vmem>> -> memref<1x128xi32, #tpu.memory_space<vmem>>
      %dma_start3A_140 = tpu.memref_squeeze %dma_start3A_139 : memref<1x128xi32, #tpu.memory_space<vmem>> -> memref<128xi32, #tpu.memory_space<vmem>>
      %dma_start3A_141 = arith.constant 0 : i32
      %dma_start3A_142 = arith.constant 0 : i32
      %dma_start3A_143 = tpu.memref_slice %arg25[%dma_start3A_141, %dma_start3A_142] : memref<10240x16xf32, #tpu.memory_space<vmem_shared>> -> memref<10240x16xf32, #tpu.memory_space<vmem_shared>>
      tpu.enqueue_indirect_dma source(%arg13 : memref<128x16xf32, #tpu.memory_space<vmem>>) target(%dma_start3A_143 : memref<10240x16xf32, #tpu.memory_space<vmem_shared>>) offsets(%dma_start3A_140 : memref<128xi32, #tpu.memory_space<vmem>>) semaphore(%run_scoped3A_137 : memref<!tpu.dma_semaphore, #tpu.memory_space<semaphore_mem>>) {add = true}
      %dma_wait3A_144 = arith.constant 0 : i32
      %dma_wait3A_145 = tpu.memref_slice %arg8[%run_scoped3A_107, %dma_wait3A_144] : memref<80x128xi32, #tpu.memory_space<vmem>> -> memref<1x128xi32, #tpu.memory_space<vmem>>
      %dma_wait3A_146 = tpu.memref_squeeze %dma_wait3A_145 : memref<1x128xi32, #tpu.memory_space<vmem>> -> memref<128xi32, #tpu.memory_space<vmem>>
      %dma_wait3A_147 = arith.constant 0 : i32
      %dma_wait3A_148 = arith.constant 0 : i32
      %dma_wait3A_149 = tpu.memref_slice %arg25[%dma_wait3A_147, %dma_wait3A_148] : memref<10240x16xf32, #tpu.memory_space<vmem_shared>> -> memref<10240x16xf32, #tpu.memory_space<vmem_shared>>
      tpu.wait_indirect_dma semaphore(%run_scoped3A_137 : memref<!tpu.dma_semaphore, #tpu.memory_space<semaphore_mem>>) src(%arg13 : memref<128x16xf32, #tpu.memory_space<vmem>>) dst(%dma_wait3A_149 : memref<10240x16xf32, #tpu.memory_space<vmem_shared>>)
      tpu.yield
    }) : () -> ()
    %dma_wait3A_108 = arith.constant 77 : i32
    %dma_wait3A_109 = arith.constant 0 : i32
    %dma_wait3A_110 = tpu.memref_slice %arg7[%dma_wait3A_108, %dma_wait3A_109] : memref<80x128xi32, #tpu.memory_space<vmem>> -> memref<1x128xi32, #tpu.memory_space<vmem>>
    %dma_wait3A_111 = tpu.memref_squeeze %dma_wait3A_110 : memref<1x128xi32, #tpu.memory_space<vmem>> -> memref<128xi32, #tpu.memory_space<vmem>>
    %dma_wait3A_112 = arith.constant 0 : i32
    %dma_wait3A_113 = arith.constant 0 : i32
    %dma_wait3A_114 = tpu.memref_slice %arg2[%dma_wait3A_112, %dma_wait3A_113] : memref<10000x16xf32, #tpu.memory_space<hbm>> -> memref<10000x16xf32, #tpu.memory_space<hbm>>
    tpu.wait_indirect_dma semaphore(%arg22 : memref<!tpu.dma_semaphore, #tpu.memory_space<semaphore_mem>>) src(%dma_wait3A_114 : memref<10000x16xf32, #tpu.memory_space<hbm>>) dst(%arg14 : memref<128x16xf32, #tpu.memory_space<vmem>>)
    %run_scoped3A_115 = arith.constant 77 : i32
    "tpu.region"() ({
      %run_scoped3A_137 = tpu.sem_alloc : memref<!tpu.dma_semaphore, #tpu.memory_space<semaphore_mem>>
      %dma_start3A_138 = arith.constant 0 : i32
      %dma_start3A_139 = tpu.memref_slice %arg8[%run_scoped3A_115, %dma_start3A_138] : memref<80x128xi32, #tpu.memory_space<vmem>> -> memref<1x128xi32, #tpu.memory_space<vmem>>
      %dma_start3A_140 = tpu.memref_squeeze %dma_start3A_139 : memref<1x128xi32, #tpu.memory_space<vmem>> -> memref<128xi32, #tpu.memory_space<vmem>>
      %dma_start3A_141 = arith.constant 0 : i32
      %dma_start3A_142 = arith.constant 0 : i32
      %dma_start3A_143 = tpu.memref_slice %arg25[%dma_start3A_141, %dma_start3A_142] : memref<10240x16xf32, #tpu.memory_space<vmem_shared>> -> memref<10240x16xf32, #tpu.memory_space<vmem_shared>>
      tpu.enqueue_indirect_dma source(%arg14 : memref<128x16xf32, #tpu.memory_space<vmem>>) target(%dma_start3A_143 : memref<10240x16xf32, #tpu.memory_space<vmem_shared>>) offsets(%dma_start3A_140 : memref<128xi32, #tpu.memory_space<vmem>>) semaphore(%run_scoped3A_137 : memref<!tpu.dma_semaphore, #tpu.memory_space<semaphore_mem>>) {add = true}
      %dma_wait3A_144 = arith.constant 0 : i32
      %dma_wait3A_145 = tpu.memref_slice %arg8[%run_scoped3A_115, %dma_wait3A_144] : memref<80x128xi32, #tpu.memory_space<vmem>> -> memref<1x128xi32, #tpu.memory_space<vmem>>
      %dma_wait3A_146 = tpu.memref_squeeze %dma_wait3A_145 : memref<1x128xi32, #tpu.memory_space<vmem>> -> memref<128xi32, #tpu.memory_space<vmem>>
      %dma_wait3A_147 = arith.constant 0 : i32
      %dma_wait3A_148 = arith.constant 0 : i32
      %dma_wait3A_149 = tpu.memref_slice %arg25[%dma_wait3A_147, %dma_wait3A_148] : memref<10240x16xf32, #tpu.memory_space<vmem_shared>> -> memref<10240x16xf32, #tpu.memory_space<vmem_shared>>
      tpu.wait_indirect_dma semaphore(%run_scoped3A_137 : memref<!tpu.dma_semaphore, #tpu.memory_space<semaphore_mem>>) src(%arg14 : memref<128x16xf32, #tpu.memory_space<vmem>>) dst(%dma_wait3A_149 : memref<10240x16xf32, #tpu.memory_space<vmem_shared>>)
      tpu.yield
    }) : () -> ()
    %dma_wait3A_116 = arith.constant 78 : i32
    %dma_wait3A_117 = arith.constant 0 : i32
    %dma_wait3A_118 = tpu.memref_slice %arg7[%dma_wait3A_116, %dma_wait3A_117] : memref<80x128xi32, #tpu.memory_space<vmem>> -> memref<1x128xi32, #tpu.memory_space<vmem>>
    %dma_wait3A_119 = tpu.memref_squeeze %dma_wait3A_118 : memref<1x128xi32, #tpu.memory_space<vmem>> -> memref<128xi32, #tpu.memory_space<vmem>>
    %dma_wait3A_120 = arith.constant 0 : i32
    %dma_wait3A_121 = arith.constant 0 : i32
    %dma_wait3A_122 = tpu.memref_slice %arg2[%dma_wait3A_120, %dma_wait3A_121] : memref<10000x16xf32, #tpu.memory_space<hbm>> -> memref<10000x16xf32, #tpu.memory_space<hbm>>
    tpu.wait_indirect_dma semaphore(%arg23 : memref<!tpu.dma_semaphore, #tpu.memory_space<semaphore_mem>>) src(%dma_wait3A_122 : memref<10000x16xf32, #tpu.memory_space<hbm>>) dst(%arg15 : memref<128x16xf32, #tpu.memory_space<vmem>>)
    %run_scoped3A_123 = arith.constant 78 : i32
    "tpu.region"() ({
      %run_scoped3A_137 = tpu.sem_alloc : memref<!tpu.dma_semaphore, #tpu.memory_space<semaphore_mem>>
      %dma_start3A_138 = arith.constant 0 : i32
      %dma_start3A_139 = tpu.memref_slice %arg8[%run_scoped3A_123, %dma_start3A_138] : memref<80x128xi32, #tpu.memory_space<vmem>> -> memref<1x128xi32, #tpu.memory_space<vmem>>
      %dma_start3A_140 = tpu.memref_squeeze %dma_start3A_139 : memref<1x128xi32, #tpu.memory_space<vmem>> -> memref<128xi32, #tpu.memory_space<vmem>>
      %dma_start3A_141 = arith.constant 0 : i32
      %dma_start3A_142 = arith.constant 0 : i32
      %dma_start3A_143 = tpu.memref_slice %arg25[%dma_start3A_141, %dma_start3A_142] : memref<10240x16xf32, #tpu.memory_space<vmem_shared>> -> memref<10240x16xf32, #tpu.memory_space<vmem_shared>>
      tpu.enqueue_indirect_dma source(%arg15 : memref<128x16xf32, #tpu.memory_space<vmem>>) target(%dma_start3A_143 : memref<10240x16xf32, #tpu.memory_space<vmem_shared>>) offsets(%dma_start3A_140 : memref<128xi32, #tpu.memory_space<vmem>>) semaphore(%run_scoped3A_137 : memref<!tpu.dma_semaphore, #tpu.memory_space<semaphore_mem>>) {add = true}
      %dma_wait3A_144 = arith.constant 0 : i32
      %dma_wait3A_145 = tpu.memref_slice %arg8[%run_scoped3A_123, %dma_wait3A_144] : memref<80x128xi32, #tpu.memory_space<vmem>> -> memref<1x128xi32, #tpu.memory_space<vmem>>
      %dma_wait3A_146 = tpu.memref_squeeze %dma_wait3A_145 : memref<1x128xi32, #tpu.memory_space<vmem>> -> memref<128xi32, #tpu.memory_space<vmem>>
      %dma_wait3A_147 = arith.constant 0 : i32
      %dma_wait3A_148 = arith.constant 0 : i32
      %dma_wait3A_149 = tpu.memref_slice %arg25[%dma_wait3A_147, %dma_wait3A_148] : memref<10240x16xf32, #tpu.memory_space<vmem_shared>> -> memref<10240x16xf32, #tpu.memory_space<vmem_shared>>
      tpu.wait_indirect_dma semaphore(%run_scoped3A_137 : memref<!tpu.dma_semaphore, #tpu.memory_space<semaphore_mem>>) src(%arg15 : memref<128x16xf32, #tpu.memory_space<vmem>>) dst(%dma_wait3A_149 : memref<10240x16xf32, #tpu.memory_space<vmem_shared>>)
      tpu.yield
    }) : () -> ()
    %dma_wait3A_124 = arith.constant 79 : i32
    %dma_wait3A_125 = arith.constant 0 : i32
    %dma_wait3A_126 = tpu.memref_slice %arg7[%dma_wait3A_124, %dma_wait3A_125] : memref<80x128xi32, #tpu.memory_space<vmem>> -> memref<1x128xi32, #tpu.memory_space<vmem>>
    %dma_wait3A_127 = tpu.memref_squeeze %dma_wait3A_126 : memref<1x128xi32, #tpu.memory_space<vmem>> -> memref<128xi32, #tpu.memory_space<vmem>>
    %dma_wait3A_128 = arith.constant 0 : i32
    %dma_wait3A_129 = arith.constant 0 : i32
    %dma_wait3A_130 = tpu.memref_slice %arg2[%dma_wait3A_128, %dma_wait3A_129] : memref<10000x16xf32, #tpu.memory_space<hbm>> -> memref<10000x16xf32, #tpu.memory_space<hbm>>
    tpu.wait_indirect_dma semaphore(%arg24 : memref<!tpu.dma_semaphore, #tpu.memory_space<semaphore_mem>>) src(%dma_wait3A_130 : memref<10000x16xf32, #tpu.memory_space<hbm>>) dst(%arg16 : memref<128x16xf32, #tpu.memory_space<vmem>>)
    %run_scoped3A_131 = arith.constant 79 : i32
    "tpu.region"() ({
      %run_scoped3A_137 = tpu.sem_alloc : memref<!tpu.dma_semaphore, #tpu.memory_space<semaphore_mem>>
      %dma_start3A_138 = arith.constant 0 : i32
      %dma_start3A_139 = tpu.memref_slice %arg8[%run_scoped3A_131, %dma_start3A_138] : memref<80x128xi32, #tpu.memory_space<vmem>> -> memref<1x128xi32, #tpu.memory_space<vmem>>
      %dma_start3A_140 = tpu.memref_squeeze %dma_start3A_139 : memref<1x128xi32, #tpu.memory_space<vmem>> -> memref<128xi32, #tpu.memory_space<vmem>>
      %dma_start3A_141 = arith.constant 0 : i32
      %dma_start3A_142 = arith.constant 0 : i32
      %dma_start3A_143 = tpu.memref_slice %arg25[%dma_start3A_141, %dma_start3A_142] : memref<10240x16xf32, #tpu.memory_space<vmem_shared>> -> memref<10240x16xf32, #tpu.memory_space<vmem_shared>>
      tpu.enqueue_indirect_dma source(%arg16 : memref<128x16xf32, #tpu.memory_space<vmem>>) target(%dma_start3A_143 : memref<10240x16xf32, #tpu.memory_space<vmem_shared>>) offsets(%dma_start3A_140 : memref<128xi32, #tpu.memory_space<vmem>>) semaphore(%run_scoped3A_137 : memref<!tpu.dma_semaphore, #tpu.memory_space<semaphore_mem>>) {add = true}
      %dma_wait3A_144 = arith.constant 0 : i32
      %dma_wait3A_145 = tpu.memref_slice %arg8[%run_scoped3A_131, %dma_wait3A_144] : memref<80x128xi32, #tpu.memory_space<vmem>> -> memref<1x128xi32, #tpu.memory_space<vmem>>
      %dma_wait3A_146 = tpu.memref_squeeze %dma_wait3A_145 : memref<1x128xi32, #tpu.memory_space<vmem>> -> memref<128xi32, #tpu.memory_space<vmem>>
      %dma_wait3A_147 = arith.constant 0 : i32
      %dma_wait3A_148 = arith.constant 0 : i32
      %dma_wait3A_149 = tpu.memref_slice %arg25[%dma_wait3A_147, %dma_wait3A_148] : memref<10240x16xf32, #tpu.memory_space<vmem_shared>> -> memref<10240x16xf32, #tpu.memory_space<vmem_shared>>
      tpu.wait_indirect_dma semaphore(%run_scoped3A_137 : memref<!tpu.dma_semaphore, #tpu.memory_space<semaphore_mem>>) src(%arg16 : memref<128x16xf32, #tpu.memory_space<vmem>>) dst(%dma_wait3A_149 : memref<10240x16xf32, #tpu.memory_space<vmem_shared>>)
      tpu.yield
    }) : () -> ()
    %barrier3A_132 = arith.constant 0 : index
    tpu.barrier barrier_id(%barrier3A_132)
    %mul3A_133 = arith.constant 640 : i32
    %mul3A_134 = arith.muli %arg1, %mul3A_133 : i32
    %mul3A_135 = arith.constant 640 : i32
    %mul3A_136 = arith.muli %arg1, %mul3A_135 : i32
    "tpu.region"() ({
      %run_scoped3A_137 = tpu.sem_alloc : memref<!tpu.dma_semaphore, #tpu.memory_space<semaphore_mem>>
      %dma_start3A_138 = arith.constant 0 : i32
      %dma_start3A_139 = tpu.memref_slice %arg6[%arg0, %mul3A_136, %dma_start3A_138] : memref<2x10240x16xf32, #tpu.memory_space<hbm>> -> memref<1x640x16xf32, #tpu.memory_space<hbm>>
      %dma_start3A_140 = tpu.memref_squeeze %dma_start3A_139 : memref<1x640x16xf32, #tpu.memory_space<hbm>> -> memref<640x16xf32, #tpu.memory_space<hbm>>
      %dma_start3A_141 = arith.constant 0 : i32
      %dma_start3A_142 = tpu.memref_slice %arg25[%mul3A_134, %dma_start3A_141] : memref<10240x16xf32, #tpu.memory_space<vmem_shared>> -> memref<640x16xf32, #tpu.memory_space<vmem_shared>>
      tpu.enqueue_dma source(%dma_start3A_142 : memref<640x16xf32, #tpu.memory_space<vmem_shared>>) target(%dma_start3A_140 : memref<640x16xf32, #tpu.memory_space<hbm>>) target_semaphore(%run_scoped3A_137 : memref<!tpu.dma_semaphore, #tpu.memory_space<semaphore_mem>>)
      %dma_wait3A_143 = arith.constant 0 : i32
      %dma_wait3A_144 = tpu.memref_slice %arg6[%arg0, %mul3A_136, %dma_wait3A_143] : memref<2x10240x16xf32, #tpu.memory_space<hbm>> -> memref<1x640x16xf32, #tpu.memory_space<hbm>>
      %dma_wait3A_145 = tpu.memref_squeeze %dma_wait3A_144 : memref<1x640x16xf32, #tpu.memory_space<hbm>> -> memref<640x16xf32, #tpu.memory_space<hbm>>
      %dma_wait3A_146 = arith.constant 0 : i32
      %dma_wait3A_147 = tpu.memref_slice %arg25[%mul3A_134, %dma_wait3A_146] : memref<10240x16xf32, #tpu.memory_space<vmem_shared>> -> memref<640x16xf32, #tpu.memory_space<vmem_shared>>
      tpu.wait_dma2 semaphore(%run_scoped3A_137 : memref<!tpu.dma_semaphore, #tpu.memory_space<semaphore_mem>>) src(%dma_wait3A_147 : memref<640x16xf32, #tpu.memory_space<vmem_shared>>) dst(%dma_wait3A_145 : memref<640x16xf32, #tpu.memory_space<hbm>>)
      tpu.yield
    }) : () -> ()
    return
  }
}

#map = affine_map<(d0, d1) -> (0, 0)>
#map1 = affine_map<(d0, d1) -> (0, 0, 0)>
module attributes {stable_mosaic.version = 14 : i64} {
  func.func @agg_k(%arg0: i32, %arg1: i32, %arg2: memref<10000x64xf32, #tpu.memory_space<hbm>>, %arg3: memref<2560x128xi32, #tpu.memory_space<hbm>>, %arg4: memref<2560x128xi32, #tpu.memory_space<hbm>>, %arg5: memref<10240x64xf32, #tpu.memory_space<hbm>>, %arg6: memref<2x10240x64xf32, #tpu.memory_space<hbm>>, %arg7: memref<80x128xi32, #tpu.memory_space<vmem>>, %arg8: memref<80x128xi32, #tpu.memory_space<vmem>>, %arg9: memref<128x64xf32, #tpu.memory_space<vmem>>, %arg10: memref<128x64xf32, #tpu.memory_space<vmem>>, %arg11: memref<128x64xf32, #tpu.memory_space<vmem>>, %arg12: memref<128x64xf32, #tpu.memory_space<vmem>>, %arg13: memref<128x64xf32, #tpu.memory_space<vmem>>, %arg14: memref<128x64xf32, #tpu.memory_space<vmem>>, %arg15: memref<128x64xf32, #tpu.memory_space<vmem>>, %arg16: memref<128x64xf32, #tpu.memory_space<vmem>>, %arg17: memref<!tpu.dma_semaphore, #tpu.memory_space<semaphore_mem>>, %arg18: memref<!tpu.dma_semaphore, #tpu.memory_space<semaphore_mem>>, %arg19: memref<!tpu.dma_semaphore, #tpu.memory_space<semaphore_mem>>, %arg20: memref<!tpu.dma_semaphore, #tpu.memory_space<semaphore_mem>>, %arg21: memref<!tpu.dma_semaphore, #tpu.memory_space<semaphore_mem>>, %arg22: memref<!tpu.dma_semaphore, #tpu.memory_space<semaphore_mem>>, %arg23: memref<!tpu.dma_semaphore, #tpu.memory_space<semaphore_mem>>, %arg24: memref<!tpu.dma_semaphore, #tpu.memory_space<semaphore_mem>>, %arg25: memref<10240x64xf32, #tpu.memory_space<vmem_shared>>) attributes {dimension_semantics = [#tpu.dimension_semantics<core_parallel>, #tpu.dimension_semantics<subcore_parallel>], iteration_bounds = array<i64: 2, 16>, scalar_prefetch = 0 : i64, scratch_operands = 19 : i64, tpu.core_type = #tpu.core_type<sc_vector_subcore>, window_params = [{transform_indices = #map}, {transform_indices = #map}, {transform_indices = #map}, {transform_indices = #map}, {transform_indices = #map1}]} {
    %mul3A = arith.constant 16 : i32
    %mul3A_0 = arith.muli %arg0, %mul3A : i32
    %add3A = arith.addi %mul3A_0, %arg1 : i32
    %mul3A_1 = arith.constant 80 : i32
    %mul3A_2 = arith.muli %add3A, %mul3A_1 : i32
    "tpu.region"() ({
      %run_scoped3A_137 = tpu.sem_alloc : memref<!tpu.dma_semaphore, #tpu.memory_space<semaphore_mem>>
      %dma_start3A_138 = arith.constant 0 : i32
      %dma_start3A_139 = tpu.memref_slice %arg3[%mul3A_2, %dma_start3A_138] : memref<2560x128xi32, #tpu.memory_space<hbm>> -> memref<80x128xi32, #tpu.memory_space<hbm>>
      %dma_start3A_140 = arith.constant 0 : i32
      %dma_start3A_141 = tpu.memref_slice %arg3[%mul3A_2, %dma_start3A_140] : memref<2560x128xi32, #tpu.memory_space<hbm>> -> memref<80x128xi32, #tpu.memory_space<hbm>>
      tpu.enqueue_dma source(%dma_start3A_141 : memref<80x128xi32, #tpu.memory_space<hbm>>) target(%arg7 : memref<80x128xi32, #tpu.memory_space<vmem>>) target_semaphore(%run_scoped3A_137 : memref<!tpu.dma_semaphore, #tpu.memory_space<semaphore_mem>>)
      %dma_wait3A_142 = arith.constant 0 : i32
      %dma_wait3A_143 = tpu.memref_slice %arg3[%mul3A_2, %dma_wait3A_142] : memref<2560x128xi32, #tpu.memory_space<hbm>> -> memref<80x128xi32, #tpu.memory_space<hbm>>
      %dma_wait3A_144 = arith.constant 0 : i32
      %dma_wait3A_145 = tpu.memref_slice %arg3[%mul3A_2, %dma_wait3A_144] : memref<2560x128xi32, #tpu.memory_space<hbm>> -> memref<80x128xi32, #tpu.memory_space<hbm>>
      tpu.wait_dma2 semaphore(%run_scoped3A_137 : memref<!tpu.dma_semaphore, #tpu.memory_space<semaphore_mem>>) src(%dma_wait3A_145 : memref<80x128xi32, #tpu.memory_space<hbm>>) dst(%arg7 : memref<80x128xi32, #tpu.memory_space<vmem>>)
      tpu.yield
    }) : () -> ()
    %mul3A_3 = arith.constant 80 : i32
    %mul3A_4 = arith.muli %add3A, %mul3A_3 : i32
    "tpu.region"() ({
      %run_scoped3A_137 = tpu.sem_alloc : memref<!tpu.dma_semaphore, #tpu.memory_space<semaphore_mem>>
      %dma_start3A_138 = arith.constant 0 : i32
      %dma_start3A_139 = tpu.memref_slice %arg4[%mul3A_4, %dma_start3A_138] : memref<2560x128xi32, #tpu.memory_space<hbm>> -> memref<80x128xi32, #tpu.memory_space<hbm>>
      %dma_start3A_140 = arith.constant 0 : i32
      %dma_start3A_141 = tpu.memref_slice %arg4[%mul3A_4, %dma_start3A_140] : memref<2560x128xi32, #tpu.memory_space<hbm>> -> memref<80x128xi32, #tpu.memory_space<hbm>>
      tpu.enqueue_dma source(%dma_start3A_141 : memref<80x128xi32, #tpu.memory_space<hbm>>) target(%arg8 : memref<80x128xi32, #tpu.memory_space<vmem>>) target_semaphore(%run_scoped3A_137 : memref<!tpu.dma_semaphore, #tpu.memory_space<semaphore_mem>>)
      %dma_wait3A_142 = arith.constant 0 : i32
      %dma_wait3A_143 = tpu.memref_slice %arg4[%mul3A_4, %dma_wait3A_142] : memref<2560x128xi32, #tpu.memory_space<hbm>> -> memref<80x128xi32, #tpu.memory_space<hbm>>
      %dma_wait3A_144 = arith.constant 0 : i32
      %dma_wait3A_145 = tpu.memref_slice %arg4[%mul3A_4, %dma_wait3A_144] : memref<2560x128xi32, #tpu.memory_space<hbm>> -> memref<80x128xi32, #tpu.memory_space<hbm>>
      tpu.wait_dma2 semaphore(%run_scoped3A_137 : memref<!tpu.dma_semaphore, #tpu.memory_space<semaphore_mem>>) src(%dma_wait3A_145 : memref<80x128xi32, #tpu.memory_space<hbm>>) dst(%arg8 : memref<80x128xi32, #tpu.memory_space<vmem>>)
      tpu.yield
    }) : () -> ()
    %mul3A_5 = arith.constant 640 : i32
    %mul3A_6 = arith.muli %arg1, %mul3A_5 : i32
    %mul3A_7 = arith.constant 640 : i32
    %mul3A_8 = arith.muli %arg1, %mul3A_7 : i32
    "tpu.region"() ({
      %run_scoped3A_137 = tpu.sem_alloc : memref<!tpu.dma_semaphore, #tpu.memory_space<semaphore_mem>>
      %dma_start3A_138 = arith.constant 0 : i32
      %dma_start3A_139 = tpu.memref_slice %arg25[%mul3A_8, %dma_start3A_138] : memref<10240x64xf32, #tpu.memory_space<vmem_shared>> -> memref<640x64xf32, #tpu.memory_space<vmem_shared>>
      %dma_start3A_140 = arith.constant 0 : i32
      %dma_start3A_141 = tpu.memref_slice %arg5[%mul3A_6, %dma_start3A_140] : memref<10240x64xf32, #tpu.memory_space<hbm>> -> memref<640x64xf32, #tpu.memory_space<hbm>>
      tpu.enqueue_dma source(%dma_start3A_141 : memref<640x64xf32, #tpu.memory_space<hbm>>) target(%dma_start3A_139 : memref<640x64xf32, #tpu.memory_space<vmem_shared>>) target_semaphore(%run_scoped3A_137 : memref<!tpu.dma_semaphore, #tpu.memory_space<semaphore_mem>>)
      %dma_wait3A_142 = arith.constant 0 : i32
      %dma_wait3A_143 = tpu.memref_slice %arg25[%mul3A_8, %dma_wait3A_142] : memref<10240x64xf32, #tpu.memory_space<vmem_shared>> -> memref<640x64xf32, #tpu.memory_space<vmem_shared>>
      %dma_wait3A_144 = arith.constant 0 : i32
      %dma_wait3A_145 = tpu.memref_slice %arg5[%mul3A_6, %dma_wait3A_144] : memref<10240x64xf32, #tpu.memory_space<hbm>> -> memref<640x64xf32, #tpu.memory_space<hbm>>
      tpu.wait_dma2 semaphore(%run_scoped3A_137 : memref<!tpu.dma_semaphore, #tpu.memory_space<semaphore_mem>>) src(%dma_wait3A_145 : memref<640x64xf32, #tpu.memory_space<hbm>>) dst(%dma_wait3A_143 : memref<640x64xf32, #tpu.memory_space<vmem_shared>>)
      tpu.yield
    }) : () -> ()
    %barrier3A = arith.constant 0 : index
    tpu.barrier barrier_id(%barrier3A)
    %dma_start3A = arith.constant 0 : i32
    %dma_start3A_9 = arith.constant 0 : i32
    %dma_start3A_10 = tpu.memref_slice %arg7[%dma_start3A, %dma_start3A_9] : memref<80x128xi32, #tpu.memory_space<vmem>> -> memref<1x128xi32, #tpu.memory_space<vmem>>
    %dma_start3A_11 = tpu.memref_squeeze %dma_start3A_10 : memref<1x128xi32, #tpu.memory_space<vmem>> -> memref<128xi32, #tpu.memory_space<vmem>>
    %dma_start3A_12 = arith.constant 0 : i32
    %dma_start3A_13 = arith.constant 0 : i32
    %dma_start3A_14 = tpu.memref_slice %arg2[%dma_start3A_12, %dma_start3A_13] : memref<10000x64xf32, #tpu.memory_space<hbm>> -> memref<10000x64xf32, #tpu.memory_space<hbm>>
    tpu.enqueue_indirect_dma source(%dma_start3A_14 : memref<10000x64xf32, #tpu.memory_space<hbm>>) target(%arg9 : memref<128x64xf32, #tpu.memory_space<vmem>>) offsets(%dma_start3A_11 : memref<128xi32, #tpu.memory_space<vmem>>) semaphore(%arg17 : memref<!tpu.dma_semaphore, #tpu.memory_space<semaphore_mem>>)
    %dma_start3A_15 = arith.constant 1 : i32
    %dma_start3A_16 = arith.constant 0 : i32
    %dma_start3A_17 = tpu.memref_slice %arg7[%dma_start3A_15, %dma_start3A_16] : memref<80x128xi32, #tpu.memory_space<vmem>> -> memref<1x128xi32, #tpu.memory_space<vmem>>
    %dma_start3A_18 = tpu.memref_squeeze %dma_start3A_17 : memref<1x128xi32, #tpu.memory_space<vmem>> -> memref<128xi32, #tpu.memory_space<vmem>>
    %dma_start3A_19 = arith.constant 0 : i32
    %dma_start3A_20 = arith.constant 0 : i32
    %dma_start3A_21 = tpu.memref_slice %arg2[%dma_start3A_19, %dma_start3A_20] : memref<10000x64xf32, #tpu.memory_space<hbm>> -> memref<10000x64xf32, #tpu.memory_space<hbm>>
    tpu.enqueue_indirect_dma source(%dma_start3A_21 : memref<10000x64xf32, #tpu.memory_space<hbm>>) target(%arg10 : memref<128x64xf32, #tpu.memory_space<vmem>>) offsets(%dma_start3A_18 : memref<128xi32, #tpu.memory_space<vmem>>) semaphore(%arg18 : memref<!tpu.dma_semaphore, #tpu.memory_space<semaphore_mem>>)
    %dma_start3A_22 = arith.constant 2 : i32
    %dma_start3A_23 = arith.constant 0 : i32
    %dma_start3A_24 = tpu.memref_slice %arg7[%dma_start3A_22, %dma_start3A_23] : memref<80x128xi32, #tpu.memory_space<vmem>> -> memref<1x128xi32, #tpu.memory_space<vmem>>
    %dma_start3A_25 = tpu.memref_squeeze %dma_start3A_24 : memref<1x128xi32, #tpu.memory_space<vmem>> -> memref<128xi32, #tpu.memory_space<vmem>>
    %dma_start3A_26 = arith.constant 0 : i32
    %dma_start3A_27 = arith.constant 0 : i32
    %dma_start3A_28 = tpu.memref_slice %arg2[%dma_start3A_26, %dma_start3A_27] : memref<10000x64xf32, #tpu.memory_space<hbm>> -> memref<10000x64xf32, #tpu.memory_space<hbm>>
    tpu.enqueue_indirect_dma source(%dma_start3A_28 : memref<10000x64xf32, #tpu.memory_space<hbm>>) target(%arg11 : memref<128x64xf32, #tpu.memory_space<vmem>>) offsets(%dma_start3A_25 : memref<128xi32, #tpu.memory_space<vmem>>) semaphore(%arg19 : memref<!tpu.dma_semaphore, #tpu.memory_space<semaphore_mem>>)
    %dma_start3A_29 = arith.constant 3 : i32
    %dma_start3A_30 = arith.constant 0 : i32
    %dma_start3A_31 = tpu.memref_slice %arg7[%dma_start3A_29, %dma_start3A_30] : memref<80x128xi32, #tpu.memory_space<vmem>> -> memref<1x128xi32, #tpu.memory_space<vmem>>
    %dma_start3A_32 = tpu.memref_squeeze %dma_start3A_31 : memref<1x128xi32, #tpu.memory_space<vmem>> -> memref<128xi32, #tpu.memory_space<vmem>>
    %dma_start3A_33 = arith.constant 0 : i32
    %dma_start3A_34 = arith.constant 0 : i32
    %dma_start3A_35 = tpu.memref_slice %arg2[%dma_start3A_33, %dma_start3A_34] : memref<10000x64xf32, #tpu.memory_space<hbm>> -> memref<10000x64xf32, #tpu.memory_space<hbm>>
    tpu.enqueue_indirect_dma source(%dma_start3A_35 : memref<10000x64xf32, #tpu.memory_space<hbm>>) target(%arg12 : memref<128x64xf32, #tpu.memory_space<vmem>>) offsets(%dma_start3A_32 : memref<128xi32, #tpu.memory_space<vmem>>) semaphore(%arg20 : memref<!tpu.dma_semaphore, #tpu.memory_space<semaphore_mem>>)
    %dma_start3A_36 = arith.constant 4 : i32
    %dma_start3A_37 = arith.constant 0 : i32
    %dma_start3A_38 = tpu.memref_slice %arg7[%dma_start3A_36, %dma_start3A_37] : memref<80x128xi32, #tpu.memory_space<vmem>> -> memref<1x128xi32, #tpu.memory_space<vmem>>
    %dma_start3A_39 = tpu.memref_squeeze %dma_start3A_38 : memref<1x128xi32, #tpu.memory_space<vmem>> -> memref<128xi32, #tpu.memory_space<vmem>>
    %dma_start3A_40 = arith.constant 0 : i32
    %dma_start3A_41 = arith.constant 0 : i32
    %dma_start3A_42 = tpu.memref_slice %arg2[%dma_start3A_40, %dma_start3A_41] : memref<10000x64xf32, #tpu.memory_space<hbm>> -> memref<10000x64xf32, #tpu.memory_space<hbm>>
    tpu.enqueue_indirect_dma source(%dma_start3A_42 : memref<10000x64xf32, #tpu.memory_space<hbm>>) target(%arg13 : memref<128x64xf32, #tpu.memory_space<vmem>>) offsets(%dma_start3A_39 : memref<128xi32, #tpu.memory_space<vmem>>) semaphore(%arg21 : memref<!tpu.dma_semaphore, #tpu.memory_space<semaphore_mem>>)
    %dma_start3A_43 = arith.constant 5 : i32
    %dma_start3A_44 = arith.constant 0 : i32
    %dma_start3A_45 = tpu.memref_slice %arg7[%dma_start3A_43, %dma_start3A_44] : memref<80x128xi32, #tpu.memory_space<vmem>> -> memref<1x128xi32, #tpu.memory_space<vmem>>
    %dma_start3A_46 = tpu.memref_squeeze %dma_start3A_45 : memref<1x128xi32, #tpu.memory_space<vmem>> -> memref<128xi32, #tpu.memory_space<vmem>>
    %dma_start3A_47 = arith.constant 0 : i32
    %dma_start3A_48 = arith.constant 0 : i32
    %dma_start3A_49 = tpu.memref_slice %arg2[%dma_start3A_47, %dma_start3A_48] : memref<10000x64xf32, #tpu.memory_space<hbm>> -> memref<10000x64xf32, #tpu.memory_space<hbm>>
    tpu.enqueue_indirect_dma source(%dma_start3A_49 : memref<10000x64xf32, #tpu.memory_space<hbm>>) target(%arg14 : memref<128x64xf32, #tpu.memory_space<vmem>>) offsets(%dma_start3A_46 : memref<128xi32, #tpu.memory_space<vmem>>) semaphore(%arg22 : memref<!tpu.dma_semaphore, #tpu.memory_space<semaphore_mem>>)
    %dma_start3A_50 = arith.constant 6 : i32
    %dma_start3A_51 = arith.constant 0 : i32
    %dma_start3A_52 = tpu.memref_slice %arg7[%dma_start3A_50, %dma_start3A_51] : memref<80x128xi32, #tpu.memory_space<vmem>> -> memref<1x128xi32, #tpu.memory_space<vmem>>
    %dma_start3A_53 = tpu.memref_squeeze %dma_start3A_52 : memref<1x128xi32, #tpu.memory_space<vmem>> -> memref<128xi32, #tpu.memory_space<vmem>>
    %dma_start3A_54 = arith.constant 0 : i32
    %dma_start3A_55 = arith.constant 0 : i32
    %dma_start3A_56 = tpu.memref_slice %arg2[%dma_start3A_54, %dma_start3A_55] : memref<10000x64xf32, #tpu.memory_space<hbm>> -> memref<10000x64xf32, #tpu.memory_space<hbm>>
    tpu.enqueue_indirect_dma source(%dma_start3A_56 : memref<10000x64xf32, #tpu.memory_space<hbm>>) target(%arg15 : memref<128x64xf32, #tpu.memory_space<vmem>>) offsets(%dma_start3A_53 : memref<128xi32, #tpu.memory_space<vmem>>) semaphore(%arg23 : memref<!tpu.dma_semaphore, #tpu.memory_space<semaphore_mem>>)
    %dma_start3A_57 = arith.constant 7 : i32
    %dma_start3A_58 = arith.constant 0 : i32
    %dma_start3A_59 = tpu.memref_slice %arg7[%dma_start3A_57, %dma_start3A_58] : memref<80x128xi32, #tpu.memory_space<vmem>> -> memref<1x128xi32, #tpu.memory_space<vmem>>
    %dma_start3A_60 = tpu.memref_squeeze %dma_start3A_59 : memref<1x128xi32, #tpu.memory_space<vmem>> -> memref<128xi32, #tpu.memory_space<vmem>>
    %dma_start3A_61 = arith.constant 0 : i32
    %dma_start3A_62 = arith.constant 0 : i32
    %dma_start3A_63 = tpu.memref_slice %arg2[%dma_start3A_61, %dma_start3A_62] : memref<10000x64xf32, #tpu.memory_space<hbm>> -> memref<10000x64xf32, #tpu.memory_space<hbm>>
    tpu.enqueue_indirect_dma source(%dma_start3A_63 : memref<10000x64xf32, #tpu.memory_space<hbm>>) target(%arg16 : memref<128x64xf32, #tpu.memory_space<vmem>>) offsets(%dma_start3A_60 : memref<128xi32, #tpu.memory_space<vmem>>) semaphore(%arg24 : memref<!tpu.dma_semaphore, #tpu.memory_space<semaphore_mem>>)
    %scan3A = arith.constant 0 : i32
    %scan3A_64 = arith.constant 0 : i32
    %scan3A_65 = arith.constant 9 : i32
    %scan3A_66 = arith.addi %scan3A_64, %scan3A_65 : i32
    %scan3A_67 = arith.constant 1 : i32
    %scan3A_68 = scf.for %scan3A_137 = %scan3A_64 to %scan3A_66 step %scan3A_67 iter_args(%scan3A_138 = %scan3A) -> (i32)  : i32 {
      %mul3A_139 = arith.constant 8 : i32
      %mul3A_140 = arith.muli %mul3A_139, %scan3A_137 : i32
      %add3A_141 = arith.constant 0 : i32
      %add3A_142 = arith.addi %mul3A_140, %add3A_141 : i32
      %dma_wait3A_143 = arith.constant 0 : i32
      %dma_wait3A_144 = tpu.memref_slice %arg7[%add3A_142, %dma_wait3A_143] : memref<80x128xi32, #tpu.memory_space<vmem>> -> memref<1x128xi32, #tpu.memory_space<vmem>>
      %dma_wait3A_145 = tpu.memref_squeeze %dma_wait3A_144 : memref<1x128xi32, #tpu.memory_space<vmem>> -> memref<128xi32, #tpu.memory_space<vmem>>
      %dma_wait3A_146 = arith.constant 0 : i32
      %dma_wait3A_147 = arith.constant 0 : i32
      %dma_wait3A_148 = tpu.memref_slice %arg2[%dma_wait3A_146, %dma_wait3A_147] : memref<10000x64xf32, #tpu.memory_space<hbm>> -> memref<10000x64xf32, #tpu.memory_space<hbm>>
      tpu.wait_indirect_dma semaphore(%arg17 : memref<!tpu.dma_semaphore, #tpu.memory_space<semaphore_mem>>) src(%dma_wait3A_148 : memref<10000x64xf32, #tpu.memory_space<hbm>>) dst(%arg9 : memref<128x64xf32, #tpu.memory_space<vmem>>)
      %add3A_149 = arith.constant 0 : i32
      %add3A_150 = arith.addi %mul3A_140, %add3A_149 : i32
      "tpu.region"() ({
        %run_scoped3A_302 = tpu.sem_alloc : memref<!tpu.dma_semaphore, #tpu.memory_space<semaphore_mem>>
        %dma_start3A_303 = arith.constant 0 : i32
        %dma_start3A_304 = tpu.memref_slice %arg8[%add3A_150, %dma_start3A_303] : memref<80x128xi32, #tpu.memory_space<vmem>> -> memref<1x128xi32, #tpu.memory_space<vmem>>
        %dma_start3A_305 = tpu.memref_squeeze %dma_start3A_304 : memref<1x128xi32, #tpu.memory_space<vmem>> -> memref<128xi32, #tpu.memory_space<vmem>>
        %dma_start3A_306 = arith.constant 0 : i32
        %dma_start3A_307 = arith.constant 0 : i32
        %dma_start3A_308 = tpu.memref_slice %arg25[%dma_start3A_306, %dma_start3A_307] : memref<10240x64xf32, #tpu.memory_space<vmem_shared>> -> memref<10240x64xf32, #tpu.memory_space<vmem_shared>>
        tpu.enqueue_indirect_dma source(%arg9 : memref<128x64xf32, #tpu.memory_space<vmem>>) target(%dma_start3A_308 : memref<10240x64xf32, #tpu.memory_space<vmem_shared>>) offsets(%dma_start3A_305 : memref<128xi32, #tpu.memory_space<vmem>>) semaphore(%run_scoped3A_302 : memref<!tpu.dma_semaphore, #tpu.memory_space<semaphore_mem>>) {add = true}
        %dma_wait3A_309 = arith.constant 0 : i32
        %dma_wait3A_310 = tpu.memref_slice %arg8[%add3A_150, %dma_wait3A_309] : memref<80x128xi32, #tpu.memory_space<vmem>> -> memref<1x128xi32, #tpu.memory_space<vmem>>
        %dma_wait3A_311 = tpu.memref_squeeze %dma_wait3A_310 : memref<1x128xi32, #tpu.memory_space<vmem>> -> memref<128xi32, #tpu.memory_space<vmem>>
        %dma_wait3A_312 = arith.constant 0 : i32
        %dma_wait3A_313 = arith.constant 0 : i32
        %dma_wait3A_314 = tpu.memref_slice %arg25[%dma_wait3A_312, %dma_wait3A_313] : memref<10240x64xf32, #tpu.memory_space<vmem_shared>> -> memref<10240x64xf32, #tpu.memory_space<vmem_shared>>
        tpu.wait_indirect_dma semaphore(%run_scoped3A_302 : memref<!tpu.dma_semaphore, #tpu.memory_space<semaphore_mem>>) src(%arg9 : memref<128x64xf32, #tpu.memory_space<vmem>>) dst(%dma_wait3A_314 : memref<10240x64xf32, #tpu.memory_space<vmem_shared>>)
        tpu.yield
      }) : () -> ()
      %add3A_151 = arith.constant 8 : i32
      %add3A_152 = arith.addi %mul3A_140, %add3A_151 : i32
      %add3A_153 = arith.constant 0 : i32
      %add3A_154 = arith.addi %add3A_152, %add3A_153 : i32
      %dma_start3A_155 = arith.constant 0 : i32
      %dma_start3A_156 = tpu.memref_slice %arg7[%add3A_154, %dma_start3A_155] : memref<80x128xi32, #tpu.memory_space<vmem>> -> memref<1x128xi32, #tpu.memory_space<vmem>>
      %dma_start3A_157 = tpu.memref_squeeze %dma_start3A_156 : memref<1x128xi32, #tpu.memory_space<vmem>> -> memref<128xi32, #tpu.memory_space<vmem>>
      %dma_start3A_158 = arith.constant 0 : i32
      %dma_start3A_159 = arith.constant 0 : i32
      %dma_start3A_160 = tpu.memref_slice %arg2[%dma_start3A_158, %dma_start3A_159] : memref<10000x64xf32, #tpu.memory_space<hbm>> -> memref<10000x64xf32, #tpu.memory_space<hbm>>
      tpu.enqueue_indirect_dma source(%dma_start3A_160 : memref<10000x64xf32, #tpu.memory_space<hbm>>) target(%arg9 : memref<128x64xf32, #tpu.memory_space<vmem>>) offsets(%dma_start3A_157 : memref<128xi32, #tpu.memory_space<vmem>>) semaphore(%arg17 : memref<!tpu.dma_semaphore, #tpu.memory_space<semaphore_mem>>)
      %add3A_161 = arith.constant 1 : i32
      %add3A_162 = arith.addi %mul3A_140, %add3A_161 : i32
      %dma_wait3A_163 = arith.constant 0 : i32
      %dma_wait3A_164 = tpu.memref_slice %arg7[%add3A_162, %dma_wait3A_163] : memref<80x128xi32, #tpu.memory_space<vmem>> -> memref<1x128xi32, #tpu.memory_space<vmem>>
      %dma_wait3A_165 = tpu.memref_squeeze %dma_wait3A_164 : memref<1x128xi32, #tpu.memory_space<vmem>> -> memref<128xi32, #tpu.memory_space<vmem>>
      %dma_wait3A_166 = arith.constant 0 : i32
      %dma_wait3A_167 = arith.constant 0 : i32
      %dma_wait3A_168 = tpu.memref_slice %arg2[%dma_wait3A_166, %dma_wait3A_167] : memref<10000x64xf32, #tpu.memory_space<hbm>> -> memref<10000x64xf32, #tpu.memory_space<hbm>>
      tpu.wait_indirect_dma semaphore(%arg18 : memref<!tpu.dma_semaphore, #tpu.memory_space<semaphore_mem>>) src(%dma_wait3A_168 : memref<10000x64xf32, #tpu.memory_space<hbm>>) dst(%arg10 : memref<128x64xf32, #tpu.memory_space<vmem>>)
      %add3A_169 = arith.constant 1 : i32
      %add3A_170 = arith.addi %mul3A_140, %add3A_169 : i32
      "tpu.region"() ({
        %run_scoped3A_302 = tpu.sem_alloc : memref<!tpu.dma_semaphore, #tpu.memory_space<semaphore_mem>>
        %dma_start3A_303 = arith.constant 0 : i32
        %dma_start3A_304 = tpu.memref_slice %arg8[%add3A_170, %dma_start3A_303] : memref<80x128xi32, #tpu.memory_space<vmem>> -> memref<1x128xi32, #tpu.memory_space<vmem>>
        %dma_start3A_305 = tpu.memref_squeeze %dma_start3A_304 : memref<1x128xi32, #tpu.memory_space<vmem>> -> memref<128xi32, #tpu.memory_space<vmem>>
        %dma_start3A_306 = arith.constant 0 : i32
        %dma_start3A_307 = arith.constant 0 : i32
        %dma_start3A_308 = tpu.memref_slice %arg25[%dma_start3A_306, %dma_start3A_307] : memref<10240x64xf32, #tpu.memory_space<vmem_shared>> -> memref<10240x64xf32, #tpu.memory_space<vmem_shared>>
        tpu.enqueue_indirect_dma source(%arg10 : memref<128x64xf32, #tpu.memory_space<vmem>>) target(%dma_start3A_308 : memref<10240x64xf32, #tpu.memory_space<vmem_shared>>) offsets(%dma_start3A_305 : memref<128xi32, #tpu.memory_space<vmem>>) semaphore(%run_scoped3A_302 : memref<!tpu.dma_semaphore, #tpu.memory_space<semaphore_mem>>) {add = true}
        %dma_wait3A_309 = arith.constant 0 : i32
        %dma_wait3A_310 = tpu.memref_slice %arg8[%add3A_170, %dma_wait3A_309] : memref<80x128xi32, #tpu.memory_space<vmem>> -> memref<1x128xi32, #tpu.memory_space<vmem>>
        %dma_wait3A_311 = tpu.memref_squeeze %dma_wait3A_310 : memref<1x128xi32, #tpu.memory_space<vmem>> -> memref<128xi32, #tpu.memory_space<vmem>>
        %dma_wait3A_312 = arith.constant 0 : i32
        %dma_wait3A_313 = arith.constant 0 : i32
        %dma_wait3A_314 = tpu.memref_slice %arg25[%dma_wait3A_312, %dma_wait3A_313] : memref<10240x64xf32, #tpu.memory_space<vmem_shared>> -> memref<10240x64xf32, #tpu.memory_space<vmem_shared>>
        tpu.wait_indirect_dma semaphore(%run_scoped3A_302 : memref<!tpu.dma_semaphore, #tpu.memory_space<semaphore_mem>>) src(%arg10 : memref<128x64xf32, #tpu.memory_space<vmem>>) dst(%dma_wait3A_314 : memref<10240x64xf32, #tpu.memory_space<vmem_shared>>)
        tpu.yield
      }) : () -> ()
      %add3A_171 = arith.constant 8 : i32
      %add3A_172 = arith.addi %mul3A_140, %add3A_171 : i32
      %add3A_173 = arith.constant 1 : i32
      %add3A_174 = arith.addi %add3A_172, %add3A_173 : i32
      %dma_start3A_175 = arith.constant 0 : i32
      %dma_start3A_176 = tpu.memref_slice %arg7[%add3A_174, %dma_start3A_175] : memref<80x128xi32, #tpu.memory_space<vmem>> -> memref<1x128xi32, #tpu.memory_space<vmem>>
      %dma_start3A_177 = tpu.memref_squeeze %dma_start3A_176 : memref<1x128xi32, #tpu.memory_space<vmem>> -> memref<128xi32, #tpu.memory_space<vmem>>
      %dma_start3A_178 = arith.constant 0 : i32
      %dma_start3A_179 = arith.constant 0 : i32
      %dma_start3A_180 = tpu.memref_slice %arg2[%dma_start3A_178, %dma_start3A_179] : memref<10000x64xf32, #tpu.memory_space<hbm>> -> memref<10000x64xf32, #tpu.memory_space<hbm>>
      tpu.enqueue_indirect_dma source(%dma_start3A_180 : memref<10000x64xf32, #tpu.memory_space<hbm>>) target(%arg10 : memref<128x64xf32, #tpu.memory_space<vmem>>) offsets(%dma_start3A_177 : memref<128xi32, #tpu.memory_space<vmem>>) semaphore(%arg18 : memref<!tpu.dma_semaphore, #tpu.memory_space<semaphore_mem>>)
      %add3A_181 = arith.constant 2 : i32
      %add3A_182 = arith.addi %mul3A_140, %add3A_181 : i32
      %dma_wait3A_183 = arith.constant 0 : i32
      %dma_wait3A_184 = tpu.memref_slice %arg7[%add3A_182, %dma_wait3A_183] : memref<80x128xi32, #tpu.memory_space<vmem>> -> memref<1x128xi32, #tpu.memory_space<vmem>>
      %dma_wait3A_185 = tpu.memref_squeeze %dma_wait3A_184 : memref<1x128xi32, #tpu.memory_space<vmem>> -> memref<128xi32, #tpu.memory_space<vmem>>
      %dma_wait3A_186 = arith.constant 0 : i32
      %dma_wait3A_187 = arith.constant 0 : i32
      %dma_wait3A_188 = tpu.memref_slice %arg2[%dma_wait3A_186, %dma_wait3A_187] : memref<10000x64xf32, #tpu.memory_space<hbm>> -> memref<10000x64xf32, #tpu.memory_space<hbm>>
      tpu.wait_indirect_dma semaphore(%arg19 : memref<!tpu.dma_semaphore, #tpu.memory_space<semaphore_mem>>) src(%dma_wait3A_188 : memref<10000x64xf32, #tpu.memory_space<hbm>>) dst(%arg11 : memref<128x64xf32, #tpu.memory_space<vmem>>)
      %add3A_189 = arith.constant 2 : i32
      %add3A_190 = arith.addi %mul3A_140, %add3A_189 : i32
      "tpu.region"() ({
        %run_scoped3A_302 = tpu.sem_alloc : memref<!tpu.dma_semaphore, #tpu.memory_space<semaphore_mem>>
        %dma_start3A_303 = arith.constant 0 : i32
        %dma_start3A_304 = tpu.memref_slice %arg8[%add3A_190, %dma_start3A_303] : memref<80x128xi32, #tpu.memory_space<vmem>> -> memref<1x128xi32, #tpu.memory_space<vmem>>
        %dma_start3A_305 = tpu.memref_squeeze %dma_start3A_304 : memref<1x128xi32, #tpu.memory_space<vmem>> -> memref<128xi32, #tpu.memory_space<vmem>>
        %dma_start3A_306 = arith.constant 0 : i32
        %dma_start3A_307 = arith.constant 0 : i32
        %dma_start3A_308 = tpu.memref_slice %arg25[%dma_start3A_306, %dma_start3A_307] : memref<10240x64xf32, #tpu.memory_space<vmem_shared>> -> memref<10240x64xf32, #tpu.memory_space<vmem_shared>>
        tpu.enqueue_indirect_dma source(%arg11 : memref<128x64xf32, #tpu.memory_space<vmem>>) target(%dma_start3A_308 : memref<10240x64xf32, #tpu.memory_space<vmem_shared>>) offsets(%dma_start3A_305 : memref<128xi32, #tpu.memory_space<vmem>>) semaphore(%run_scoped3A_302 : memref<!tpu.dma_semaphore, #tpu.memory_space<semaphore_mem>>) {add = true}
        %dma_wait3A_309 = arith.constant 0 : i32
        %dma_wait3A_310 = tpu.memref_slice %arg8[%add3A_190, %dma_wait3A_309] : memref<80x128xi32, #tpu.memory_space<vmem>> -> memref<1x128xi32, #tpu.memory_space<vmem>>
        %dma_wait3A_311 = tpu.memref_squeeze %dma_wait3A_310 : memref<1x128xi32, #tpu.memory_space<vmem>> -> memref<128xi32, #tpu.memory_space<vmem>>
        %dma_wait3A_312 = arith.constant 0 : i32
        %dma_wait3A_313 = arith.constant 0 : i32
        %dma_wait3A_314 = tpu.memref_slice %arg25[%dma_wait3A_312, %dma_wait3A_313] : memref<10240x64xf32, #tpu.memory_space<vmem_shared>> -> memref<10240x64xf32, #tpu.memory_space<vmem_shared>>
        tpu.wait_indirect_dma semaphore(%run_scoped3A_302 : memref<!tpu.dma_semaphore, #tpu.memory_space<semaphore_mem>>) src(%arg11 : memref<128x64xf32, #tpu.memory_space<vmem>>) dst(%dma_wait3A_314 : memref<10240x64xf32, #tpu.memory_space<vmem_shared>>)
        tpu.yield
      }) : () -> ()
      %add3A_191 = arith.constant 8 : i32
      %add3A_192 = arith.addi %mul3A_140, %add3A_191 : i32
      %add3A_193 = arith.constant 2 : i32
      %add3A_194 = arith.addi %add3A_192, %add3A_193 : i32
      %dma_start3A_195 = arith.constant 0 : i32
      %dma_start3A_196 = tpu.memref_slice %arg7[%add3A_194, %dma_start3A_195] : memref<80x128xi32, #tpu.memory_space<vmem>> -> memref<1x128xi32, #tpu.memory_space<vmem>>
      %dma_start3A_197 = tpu.memref_squeeze %dma_start3A_196 : memref<1x128xi32, #tpu.memory_space<vmem>> -> memref<128xi32, #tpu.memory_space<vmem>>
      %dma_start3A_198 = arith.constant 0 : i32
      %dma_start3A_199 = arith.constant 0 : i32
      %dma_start3A_200 = tpu.memref_slice %arg2[%dma_start3A_198, %dma_start3A_199] : memref<10000x64xf32, #tpu.memory_space<hbm>> -> memref<10000x64xf32, #tpu.memory_space<hbm>>
      tpu.enqueue_indirect_dma source(%dma_start3A_200 : memref<10000x64xf32, #tpu.memory_space<hbm>>) target(%arg11 : memref<128x64xf32, #tpu.memory_space<vmem>>) offsets(%dma_start3A_197 : memref<128xi32, #tpu.memory_space<vmem>>) semaphore(%arg19 : memref<!tpu.dma_semaphore, #tpu.memory_space<semaphore_mem>>)
      %add3A_201 = arith.constant 3 : i32
      %add3A_202 = arith.addi %mul3A_140, %add3A_201 : i32
      %dma_wait3A_203 = arith.constant 0 : i32
      %dma_wait3A_204 = tpu.memref_slice %arg7[%add3A_202, %dma_wait3A_203] : memref<80x128xi32, #tpu.memory_space<vmem>> -> memref<1x128xi32, #tpu.memory_space<vmem>>
      %dma_wait3A_205 = tpu.memref_squeeze %dma_wait3A_204 : memref<1x128xi32, #tpu.memory_space<vmem>> -> memref<128xi32, #tpu.memory_space<vmem>>
      %dma_wait3A_206 = arith.constant 0 : i32
      %dma_wait3A_207 = arith.constant 0 : i32
      %dma_wait3A_208 = tpu.memref_slice %arg2[%dma_wait3A_206, %dma_wait3A_207] : memref<10000x64xf32, #tpu.memory_space<hbm>> -> memref<10000x64xf32, #tpu.memory_space<hbm>>
      tpu.wait_indirect_dma semaphore(%arg20 : memref<!tpu.dma_semaphore, #tpu.memory_space<semaphore_mem>>) src(%dma_wait3A_208 : memref<10000x64xf32, #tpu.memory_space<hbm>>) dst(%arg12 : memref<128x64xf32, #tpu.memory_space<vmem>>)
      %add3A_209 = arith.constant 3 : i32
      %add3A_210 = arith.addi %mul3A_140, %add3A_209 : i32
      "tpu.region"() ({
        %run_scoped3A_302 = tpu.sem_alloc : memref<!tpu.dma_semaphore, #tpu.memory_space<semaphore_mem>>
        %dma_start3A_303 = arith.constant 0 : i32
        %dma_start3A_304 = tpu.memref_slice %arg8[%add3A_210, %dma_start3A_303] : memref<80x128xi32, #tpu.memory_space<vmem>> -> memref<1x128xi32, #tpu.memory_space<vmem>>
        %dma_start3A_305 = tpu.memref_squeeze %dma_start3A_304 : memref<1x128xi32, #tpu.memory_space<vmem>> -> memref<128xi32, #tpu.memory_space<vmem>>
        %dma_start3A_306 = arith.constant 0 : i32
        %dma_start3A_307 = arith.constant 0 : i32
        %dma_start3A_308 = tpu.memref_slice %arg25[%dma_start3A_306, %dma_start3A_307] : memref<10240x64xf32, #tpu.memory_space<vmem_shared>> -> memref<10240x64xf32, #tpu.memory_space<vmem_shared>>
        tpu.enqueue_indirect_dma source(%arg12 : memref<128x64xf32, #tpu.memory_space<vmem>>) target(%dma_start3A_308 : memref<10240x64xf32, #tpu.memory_space<vmem_shared>>) offsets(%dma_start3A_305 : memref<128xi32, #tpu.memory_space<vmem>>) semaphore(%run_scoped3A_302 : memref<!tpu.dma_semaphore, #tpu.memory_space<semaphore_mem>>) {add = true}
        %dma_wait3A_309 = arith.constant 0 : i32
        %dma_wait3A_310 = tpu.memref_slice %arg8[%add3A_210, %dma_wait3A_309] : memref<80x128xi32, #tpu.memory_space<vmem>> -> memref<1x128xi32, #tpu.memory_space<vmem>>
        %dma_wait3A_311 = tpu.memref_squeeze %dma_wait3A_310 : memref<1x128xi32, #tpu.memory_space<vmem>> -> memref<128xi32, #tpu.memory_space<vmem>>
        %dma_wait3A_312 = arith.constant 0 : i32
        %dma_wait3A_313 = arith.constant 0 : i32
        %dma_wait3A_314 = tpu.memref_slice %arg25[%dma_wait3A_312, %dma_wait3A_313] : memref<10240x64xf32, #tpu.memory_space<vmem_shared>> -> memref<10240x64xf32, #tpu.memory_space<vmem_shared>>
        tpu.wait_indirect_dma semaphore(%run_scoped3A_302 : memref<!tpu.dma_semaphore, #tpu.memory_space<semaphore_mem>>) src(%arg12 : memref<128x64xf32, #tpu.memory_space<vmem>>) dst(%dma_wait3A_314 : memref<10240x64xf32, #tpu.memory_space<vmem_shared>>)
        tpu.yield
      }) : () -> ()
      %add3A_211 = arith.constant 8 : i32
      %add3A_212 = arith.addi %mul3A_140, %add3A_211 : i32
      %add3A_213 = arith.constant 3 : i32
      %add3A_214 = arith.addi %add3A_212, %add3A_213 : i32
      %dma_start3A_215 = arith.constant 0 : i32
      %dma_start3A_216 = tpu.memref_slice %arg7[%add3A_214, %dma_start3A_215] : memref<80x128xi32, #tpu.memory_space<vmem>> -> memref<1x128xi32, #tpu.memory_space<vmem>>
      %dma_start3A_217 = tpu.memref_squeeze %dma_start3A_216 : memref<1x128xi32, #tpu.memory_space<vmem>> -> memref<128xi32, #tpu.memory_space<vmem>>
      %dma_start3A_218 = arith.constant 0 : i32
      %dma_start3A_219 = arith.constant 0 : i32
      %dma_start3A_220 = tpu.memref_slice %arg2[%dma_start3A_218, %dma_start3A_219] : memref<10000x64xf32, #tpu.memory_space<hbm>> -> memref<10000x64xf32, #tpu.memory_space<hbm>>
      tpu.enqueue_indirect_dma source(%dma_start3A_220 : memref<10000x64xf32, #tpu.memory_space<hbm>>) target(%arg12 : memref<128x64xf32, #tpu.memory_space<vmem>>) offsets(%dma_start3A_217 : memref<128xi32, #tpu.memory_space<vmem>>) semaphore(%arg20 : memref<!tpu.dma_semaphore, #tpu.memory_space<semaphore_mem>>)
      %add3A_221 = arith.constant 4 : i32
      %add3A_222 = arith.addi %mul3A_140, %add3A_221 : i32
      %dma_wait3A_223 = arith.constant 0 : i32
      %dma_wait3A_224 = tpu.memref_slice %arg7[%add3A_222, %dma_wait3A_223] : memref<80x128xi32, #tpu.memory_space<vmem>> -> memref<1x128xi32, #tpu.memory_space<vmem>>
      %dma_wait3A_225 = tpu.memref_squeeze %dma_wait3A_224 : memref<1x128xi32, #tpu.memory_space<vmem>> -> memref<128xi32, #tpu.memory_space<vmem>>
      %dma_wait3A_226 = arith.constant 0 : i32
      %dma_wait3A_227 = arith.constant 0 : i32
      %dma_wait3A_228 = tpu.memref_slice %arg2[%dma_wait3A_226, %dma_wait3A_227] : memref<10000x64xf32, #tpu.memory_space<hbm>> -> memref<10000x64xf32, #tpu.memory_space<hbm>>
      tpu.wait_indirect_dma semaphore(%arg21 : memref<!tpu.dma_semaphore, #tpu.memory_space<semaphore_mem>>) src(%dma_wait3A_228 : memref<10000x64xf32, #tpu.memory_space<hbm>>) dst(%arg13 : memref<128x64xf32, #tpu.memory_space<vmem>>)
      %add3A_229 = arith.constant 4 : i32
      %add3A_230 = arith.addi %mul3A_140, %add3A_229 : i32
      "tpu.region"() ({
        %run_scoped3A_302 = tpu.sem_alloc : memref<!tpu.dma_semaphore, #tpu.memory_space<semaphore_mem>>
        %dma_start3A_303 = arith.constant 0 : i32
        %dma_start3A_304 = tpu.memref_slice %arg8[%add3A_230, %dma_start3A_303] : memref<80x128xi32, #tpu.memory_space<vmem>> -> memref<1x128xi32, #tpu.memory_space<vmem>>
        %dma_start3A_305 = tpu.memref_squeeze %dma_start3A_304 : memref<1x128xi32, #tpu.memory_space<vmem>> -> memref<128xi32, #tpu.memory_space<vmem>>
        %dma_start3A_306 = arith.constant 0 : i32
        %dma_start3A_307 = arith.constant 0 : i32
        %dma_start3A_308 = tpu.memref_slice %arg25[%dma_start3A_306, %dma_start3A_307] : memref<10240x64xf32, #tpu.memory_space<vmem_shared>> -> memref<10240x64xf32, #tpu.memory_space<vmem_shared>>
        tpu.enqueue_indirect_dma source(%arg13 : memref<128x64xf32, #tpu.memory_space<vmem>>) target(%dma_start3A_308 : memref<10240x64xf32, #tpu.memory_space<vmem_shared>>) offsets(%dma_start3A_305 : memref<128xi32, #tpu.memory_space<vmem>>) semaphore(%run_scoped3A_302 : memref<!tpu.dma_semaphore, #tpu.memory_space<semaphore_mem>>) {add = true}
        %dma_wait3A_309 = arith.constant 0 : i32
        %dma_wait3A_310 = tpu.memref_slice %arg8[%add3A_230, %dma_wait3A_309] : memref<80x128xi32, #tpu.memory_space<vmem>> -> memref<1x128xi32, #tpu.memory_space<vmem>>
        %dma_wait3A_311 = tpu.memref_squeeze %dma_wait3A_310 : memref<1x128xi32, #tpu.memory_space<vmem>> -> memref<128xi32, #tpu.memory_space<vmem>>
        %dma_wait3A_312 = arith.constant 0 : i32
        %dma_wait3A_313 = arith.constant 0 : i32
        %dma_wait3A_314 = tpu.memref_slice %arg25[%dma_wait3A_312, %dma_wait3A_313] : memref<10240x64xf32, #tpu.memory_space<vmem_shared>> -> memref<10240x64xf32, #tpu.memory_space<vmem_shared>>
        tpu.wait_indirect_dma semaphore(%run_scoped3A_302 : memref<!tpu.dma_semaphore, #tpu.memory_space<semaphore_mem>>) src(%arg13 : memref<128x64xf32, #tpu.memory_space<vmem>>) dst(%dma_wait3A_314 : memref<10240x64xf32, #tpu.memory_space<vmem_shared>>)
        tpu.yield
      }) : () -> ()
      %add3A_231 = arith.constant 8 : i32
      %add3A_232 = arith.addi %mul3A_140, %add3A_231 : i32
      %add3A_233 = arith.constant 4 : i32
      %add3A_234 = arith.addi %add3A_232, %add3A_233 : i32
      %dma_start3A_235 = arith.constant 0 : i32
      %dma_start3A_236 = tpu.memref_slice %arg7[%add3A_234, %dma_start3A_235] : memref<80x128xi32, #tpu.memory_space<vmem>> -> memref<1x128xi32, #tpu.memory_space<vmem>>
      %dma_start3A_237 = tpu.memref_squeeze %dma_start3A_236 : memref<1x128xi32, #tpu.memory_space<vmem>> -> memref<128xi32, #tpu.memory_space<vmem>>
      %dma_start3A_238 = arith.constant 0 : i32
      %dma_start3A_239 = arith.constant 0 : i32
      %dma_start3A_240 = tpu.memref_slice %arg2[%dma_start3A_238, %dma_start3A_239] : memref<10000x64xf32, #tpu.memory_space<hbm>> -> memref<10000x64xf32, #tpu.memory_space<hbm>>
      tpu.enqueue_indirect_dma source(%dma_start3A_240 : memref<10000x64xf32, #tpu.memory_space<hbm>>) target(%arg13 : memref<128x64xf32, #tpu.memory_space<vmem>>) offsets(%dma_start3A_237 : memref<128xi32, #tpu.memory_space<vmem>>) semaphore(%arg21 : memref<!tpu.dma_semaphore, #tpu.memory_space<semaphore_mem>>)
      %add3A_241 = arith.constant 5 : i32
      %add3A_242 = arith.addi %mul3A_140, %add3A_241 : i32
      %dma_wait3A_243 = arith.constant 0 : i32
      %dma_wait3A_244 = tpu.memref_slice %arg7[%add3A_242, %dma_wait3A_243] : memref<80x128xi32, #tpu.memory_space<vmem>> -> memref<1x128xi32, #tpu.memory_space<vmem>>
      %dma_wait3A_245 = tpu.memref_squeeze %dma_wait3A_244 : memref<1x128xi32, #tpu.memory_space<vmem>> -> memref<128xi32, #tpu.memory_space<vmem>>
      %dma_wait3A_246 = arith.constant 0 : i32
      %dma_wait3A_247 = arith.constant 0 : i32
      %dma_wait3A_248 = tpu.memref_slice %arg2[%dma_wait3A_246, %dma_wait3A_247] : memref<10000x64xf32, #tpu.memory_space<hbm>> -> memref<10000x64xf32, #tpu.memory_space<hbm>>
      tpu.wait_indirect_dma semaphore(%arg22 : memref<!tpu.dma_semaphore, #tpu.memory_space<semaphore_mem>>) src(%dma_wait3A_248 : memref<10000x64xf32, #tpu.memory_space<hbm>>) dst(%arg14 : memref<128x64xf32, #tpu.memory_space<vmem>>)
      %add3A_249 = arith.constant 5 : i32
      %add3A_250 = arith.addi %mul3A_140, %add3A_249 : i32
      "tpu.region"() ({
        %run_scoped3A_302 = tpu.sem_alloc : memref<!tpu.dma_semaphore, #tpu.memory_space<semaphore_mem>>
        %dma_start3A_303 = arith.constant 0 : i32
        %dma_start3A_304 = tpu.memref_slice %arg8[%add3A_250, %dma_start3A_303] : memref<80x128xi32, #tpu.memory_space<vmem>> -> memref<1x128xi32, #tpu.memory_space<vmem>>
        %dma_start3A_305 = tpu.memref_squeeze %dma_start3A_304 : memref<1x128xi32, #tpu.memory_space<vmem>> -> memref<128xi32, #tpu.memory_space<vmem>>
        %dma_start3A_306 = arith.constant 0 : i32
        %dma_start3A_307 = arith.constant 0 : i32
        %dma_start3A_308 = tpu.memref_slice %arg25[%dma_start3A_306, %dma_start3A_307] : memref<10240x64xf32, #tpu.memory_space<vmem_shared>> -> memref<10240x64xf32, #tpu.memory_space<vmem_shared>>
        tpu.enqueue_indirect_dma source(%arg14 : memref<128x64xf32, #tpu.memory_space<vmem>>) target(%dma_start3A_308 : memref<10240x64xf32, #tpu.memory_space<vmem_shared>>) offsets(%dma_start3A_305 : memref<128xi32, #tpu.memory_space<vmem>>) semaphore(%run_scoped3A_302 : memref<!tpu.dma_semaphore, #tpu.memory_space<semaphore_mem>>) {add = true}
        %dma_wait3A_309 = arith.constant 0 : i32
        %dma_wait3A_310 = tpu.memref_slice %arg8[%add3A_250, %dma_wait3A_309] : memref<80x128xi32, #tpu.memory_space<vmem>> -> memref<1x128xi32, #tpu.memory_space<vmem>>
        %dma_wait3A_311 = tpu.memref_squeeze %dma_wait3A_310 : memref<1x128xi32, #tpu.memory_space<vmem>> -> memref<128xi32, #tpu.memory_space<vmem>>
        %dma_wait3A_312 = arith.constant 0 : i32
        %dma_wait3A_313 = arith.constant 0 : i32
        %dma_wait3A_314 = tpu.memref_slice %arg25[%dma_wait3A_312, %dma_wait3A_313] : memref<10240x64xf32, #tpu.memory_space<vmem_shared>> -> memref<10240x64xf32, #tpu.memory_space<vmem_shared>>
        tpu.wait_indirect_dma semaphore(%run_scoped3A_302 : memref<!tpu.dma_semaphore, #tpu.memory_space<semaphore_mem>>) src(%arg14 : memref<128x64xf32, #tpu.memory_space<vmem>>) dst(%dma_wait3A_314 : memref<10240x64xf32, #tpu.memory_space<vmem_shared>>)
        tpu.yield
      }) : () -> ()
      %add3A_251 = arith.constant 8 : i32
      %add3A_252 = arith.addi %mul3A_140, %add3A_251 : i32
      %add3A_253 = arith.constant 5 : i32
      %add3A_254 = arith.addi %add3A_252, %add3A_253 : i32
      %dma_start3A_255 = arith.constant 0 : i32
      %dma_start3A_256 = tpu.memref_slice %arg7[%add3A_254, %dma_start3A_255] : memref<80x128xi32, #tpu.memory_space<vmem>> -> memref<1x128xi32, #tpu.memory_space<vmem>>
      %dma_start3A_257 = tpu.memref_squeeze %dma_start3A_256 : memref<1x128xi32, #tpu.memory_space<vmem>> -> memref<128xi32, #tpu.memory_space<vmem>>
      %dma_start3A_258 = arith.constant 0 : i32
      %dma_start3A_259 = arith.constant 0 : i32
      %dma_start3A_260 = tpu.memref_slice %arg2[%dma_start3A_258, %dma_start3A_259] : memref<10000x64xf32, #tpu.memory_space<hbm>> -> memref<10000x64xf32, #tpu.memory_space<hbm>>
      tpu.enqueue_indirect_dma source(%dma_start3A_260 : memref<10000x64xf32, #tpu.memory_space<hbm>>) target(%arg14 : memref<128x64xf32, #tpu.memory_space<vmem>>) offsets(%dma_start3A_257 : memref<128xi32, #tpu.memory_space<vmem>>) semaphore(%arg22 : memref<!tpu.dma_semaphore, #tpu.memory_space<semaphore_mem>>)
      %add3A_261 = arith.constant 6 : i32
      %add3A_262 = arith.addi %mul3A_140, %add3A_261 : i32
      %dma_wait3A_263 = arith.constant 0 : i32
      %dma_wait3A_264 = tpu.memref_slice %arg7[%add3A_262, %dma_wait3A_263] : memref<80x128xi32, #tpu.memory_space<vmem>> -> memref<1x128xi32, #tpu.memory_space<vmem>>
      %dma_wait3A_265 = tpu.memref_squeeze %dma_wait3A_264 : memref<1x128xi32, #tpu.memory_space<vmem>> -> memref<128xi32, #tpu.memory_space<vmem>>
      %dma_wait3A_266 = arith.constant 0 : i32
      %dma_wait3A_267 = arith.constant 0 : i32
      %dma_wait3A_268 = tpu.memref_slice %arg2[%dma_wait3A_266, %dma_wait3A_267] : memref<10000x64xf32, #tpu.memory_space<hbm>> -> memref<10000x64xf32, #tpu.memory_space<hbm>>
      tpu.wait_indirect_dma semaphore(%arg23 : memref<!tpu.dma_semaphore, #tpu.memory_space<semaphore_mem>>) src(%dma_wait3A_268 : memref<10000x64xf32, #tpu.memory_space<hbm>>) dst(%arg15 : memref<128x64xf32, #tpu.memory_space<vmem>>)
      %add3A_269 = arith.constant 6 : i32
      %add3A_270 = arith.addi %mul3A_140, %add3A_269 : i32
      "tpu.region"() ({
        %run_scoped3A_302 = tpu.sem_alloc : memref<!tpu.dma_semaphore, #tpu.memory_space<semaphore_mem>>
        %dma_start3A_303 = arith.constant 0 : i32
        %dma_start3A_304 = tpu.memref_slice %arg8[%add3A_270, %dma_start3A_303] : memref<80x128xi32, #tpu.memory_space<vmem>> -> memref<1x128xi32, #tpu.memory_space<vmem>>
        %dma_start3A_305 = tpu.memref_squeeze %dma_start3A_304 : memref<1x128xi32, #tpu.memory_space<vmem>> -> memref<128xi32, #tpu.memory_space<vmem>>
        %dma_start3A_306 = arith.constant 0 : i32
        %dma_start3A_307 = arith.constant 0 : i32
        %dma_start3A_308 = tpu.memref_slice %arg25[%dma_start3A_306, %dma_start3A_307] : memref<10240x64xf32, #tpu.memory_space<vmem_shared>> -> memref<10240x64xf32, #tpu.memory_space<vmem_shared>>
        tpu.enqueue_indirect_dma source(%arg15 : memref<128x64xf32, #tpu.memory_space<vmem>>) target(%dma_start3A_308 : memref<10240x64xf32, #tpu.memory_space<vmem_shared>>) offsets(%dma_start3A_305 : memref<128xi32, #tpu.memory_space<vmem>>) semaphore(%run_scoped3A_302 : memref<!tpu.dma_semaphore, #tpu.memory_space<semaphore_mem>>) {add = true}
        %dma_wait3A_309 = arith.constant 0 : i32
        %dma_wait3A_310 = tpu.memref_slice %arg8[%add3A_270, %dma_wait3A_309] : memref<80x128xi32, #tpu.memory_space<vmem>> -> memref<1x128xi32, #tpu.memory_space<vmem>>
        %dma_wait3A_311 = tpu.memref_squeeze %dma_wait3A_310 : memref<1x128xi32, #tpu.memory_space<vmem>> -> memref<128xi32, #tpu.memory_space<vmem>>
        %dma_wait3A_312 = arith.constant 0 : i32
        %dma_wait3A_313 = arith.constant 0 : i32
        %dma_wait3A_314 = tpu.memref_slice %arg25[%dma_wait3A_312, %dma_wait3A_313] : memref<10240x64xf32, #tpu.memory_space<vmem_shared>> -> memref<10240x64xf32, #tpu.memory_space<vmem_shared>>
        tpu.wait_indirect_dma semaphore(%run_scoped3A_302 : memref<!tpu.dma_semaphore, #tpu.memory_space<semaphore_mem>>) src(%arg15 : memref<128x64xf32, #tpu.memory_space<vmem>>) dst(%dma_wait3A_314 : memref<10240x64xf32, #tpu.memory_space<vmem_shared>>)
        tpu.yield
      }) : () -> ()
      %add3A_271 = arith.constant 8 : i32
      %add3A_272 = arith.addi %mul3A_140, %add3A_271 : i32
      %add3A_273 = arith.constant 6 : i32
      %add3A_274 = arith.addi %add3A_272, %add3A_273 : i32
      %dma_start3A_275 = arith.constant 0 : i32
      %dma_start3A_276 = tpu.memref_slice %arg7[%add3A_274, %dma_start3A_275] : memref<80x128xi32, #tpu.memory_space<vmem>> -> memref<1x128xi32, #tpu.memory_space<vmem>>
      %dma_start3A_277 = tpu.memref_squeeze %dma_start3A_276 : memref<1x128xi32, #tpu.memory_space<vmem>> -> memref<128xi32, #tpu.memory_space<vmem>>
      %dma_start3A_278 = arith.constant 0 : i32
      %dma_start3A_279 = arith.constant 0 : i32
      %dma_start3A_280 = tpu.memref_slice %arg2[%dma_start3A_278, %dma_start3A_279] : memref<10000x64xf32, #tpu.memory_space<hbm>> -> memref<10000x64xf32, #tpu.memory_space<hbm>>
      tpu.enqueue_indirect_dma source(%dma_start3A_280 : memref<10000x64xf32, #tpu.memory_space<hbm>>) target(%arg15 : memref<128x64xf32, #tpu.memory_space<vmem>>) offsets(%dma_start3A_277 : memref<128xi32, #tpu.memory_space<vmem>>) semaphore(%arg23 : memref<!tpu.dma_semaphore, #tpu.memory_space<semaphore_mem>>)
      %add3A_281 = arith.constant 7 : i32
      %add3A_282 = arith.addi %mul3A_140, %add3A_281 : i32
      %dma_wait3A_283 = arith.constant 0 : i32
      %dma_wait3A_284 = tpu.memref_slice %arg7[%add3A_282, %dma_wait3A_283] : memref<80x128xi32, #tpu.memory_space<vmem>> -> memref<1x128xi32, #tpu.memory_space<vmem>>
      %dma_wait3A_285 = tpu.memref_squeeze %dma_wait3A_284 : memref<1x128xi32, #tpu.memory_space<vmem>> -> memref<128xi32, #tpu.memory_space<vmem>>
      %dma_wait3A_286 = arith.constant 0 : i32
      %dma_wait3A_287 = arith.constant 0 : i32
      %dma_wait3A_288 = tpu.memref_slice %arg2[%dma_wait3A_286, %dma_wait3A_287] : memref<10000x64xf32, #tpu.memory_space<hbm>> -> memref<10000x64xf32, #tpu.memory_space<hbm>>
      tpu.wait_indirect_dma semaphore(%arg24 : memref<!tpu.dma_semaphore, #tpu.memory_space<semaphore_mem>>) src(%dma_wait3A_288 : memref<10000x64xf32, #tpu.memory_space<hbm>>) dst(%arg16 : memref<128x64xf32, #tpu.memory_space<vmem>>)
      %add3A_289 = arith.constant 7 : i32
      %add3A_290 = arith.addi %mul3A_140, %add3A_289 : i32
      "tpu.region"() ({
        %run_scoped3A_302 = tpu.sem_alloc : memref<!tpu.dma_semaphore, #tpu.memory_space<semaphore_mem>>
        %dma_start3A_303 = arith.constant 0 : i32
        %dma_start3A_304 = tpu.memref_slice %arg8[%add3A_290, %dma_start3A_303] : memref<80x128xi32, #tpu.memory_space<vmem>> -> memref<1x128xi32, #tpu.memory_space<vmem>>
        %dma_start3A_305 = tpu.memref_squeeze %dma_start3A_304 : memref<1x128xi32, #tpu.memory_space<vmem>> -> memref<128xi32, #tpu.memory_space<vmem>>
        %dma_start3A_306 = arith.constant 0 : i32
        %dma_start3A_307 = arith.constant 0 : i32
        %dma_start3A_308 = tpu.memref_slice %arg25[%dma_start3A_306, %dma_start3A_307] : memref<10240x64xf32, #tpu.memory_space<vmem_shared>> -> memref<10240x64xf32, #tpu.memory_space<vmem_shared>>
        tpu.enqueue_indirect_dma source(%arg16 : memref<128x64xf32, #tpu.memory_space<vmem>>) target(%dma_start3A_308 : memref<10240x64xf32, #tpu.memory_space<vmem_shared>>) offsets(%dma_start3A_305 : memref<128xi32, #tpu.memory_space<vmem>>) semaphore(%run_scoped3A_302 : memref<!tpu.dma_semaphore, #tpu.memory_space<semaphore_mem>>) {add = true}
        %dma_wait3A_309 = arith.constant 0 : i32
        %dma_wait3A_310 = tpu.memref_slice %arg8[%add3A_290, %dma_wait3A_309] : memref<80x128xi32, #tpu.memory_space<vmem>> -> memref<1x128xi32, #tpu.memory_space<vmem>>
        %dma_wait3A_311 = tpu.memref_squeeze %dma_wait3A_310 : memref<1x128xi32, #tpu.memory_space<vmem>> -> memref<128xi32, #tpu.memory_space<vmem>>
        %dma_wait3A_312 = arith.constant 0 : i32
        %dma_wait3A_313 = arith.constant 0 : i32
        %dma_wait3A_314 = tpu.memref_slice %arg25[%dma_wait3A_312, %dma_wait3A_313] : memref<10240x64xf32, #tpu.memory_space<vmem_shared>> -> memref<10240x64xf32, #tpu.memory_space<vmem_shared>>
        tpu.wait_indirect_dma semaphore(%run_scoped3A_302 : memref<!tpu.dma_semaphore, #tpu.memory_space<semaphore_mem>>) src(%arg16 : memref<128x64xf32, #tpu.memory_space<vmem>>) dst(%dma_wait3A_314 : memref<10240x64xf32, #tpu.memory_space<vmem_shared>>)
        tpu.yield
      }) : () -> ()
      %add3A_291 = arith.constant 8 : i32
      %add3A_292 = arith.addi %mul3A_140, %add3A_291 : i32
      %add3A_293 = arith.constant 7 : i32
      %add3A_294 = arith.addi %add3A_292, %add3A_293 : i32
      %dma_start3A_295 = arith.constant 0 : i32
      %dma_start3A_296 = tpu.memref_slice %arg7[%add3A_294, %dma_start3A_295] : memref<80x128xi32, #tpu.memory_space<vmem>> -> memref<1x128xi32, #tpu.memory_space<vmem>>
      %dma_start3A_297 = tpu.memref_squeeze %dma_start3A_296 : memref<1x128xi32, #tpu.memory_space<vmem>> -> memref<128xi32, #tpu.memory_space<vmem>>
      %dma_start3A_298 = arith.constant 0 : i32
      %dma_start3A_299 = arith.constant 0 : i32
      %dma_start3A_300 = tpu.memref_slice %arg2[%dma_start3A_298, %dma_start3A_299] : memref<10000x64xf32, #tpu.memory_space<hbm>> -> memref<10000x64xf32, #tpu.memory_space<hbm>>
      tpu.enqueue_indirect_dma source(%dma_start3A_300 : memref<10000x64xf32, #tpu.memory_space<hbm>>) target(%arg16 : memref<128x64xf32, #tpu.memory_space<vmem>>) offsets(%dma_start3A_297 : memref<128xi32, #tpu.memory_space<vmem>>) semaphore(%arg24 : memref<!tpu.dma_semaphore, #tpu.memory_space<semaphore_mem>>)
      %scan3A_301 = arith.constant 0 : i32
      scf.yield %scan3A_301 : i32
    }
    %scan3A_69 = arith.constant 9 : i32
    %dma_wait3A = arith.constant 72 : i32
    %dma_wait3A_70 = arith.constant 0 : i32
    %dma_wait3A_71 = tpu.memref_slice %arg7[%dma_wait3A, %dma_wait3A_70] : memref<80x128xi32, #tpu.memory_space<vmem>> -> memref<1x128xi32, #tpu.memory_space<vmem>>
    %dma_wait3A_72 = tpu.memref_squeeze %dma_wait3A_71 : memref<1x128xi32, #tpu.memory_space<vmem>> -> memref<128xi32, #tpu.memory_space<vmem>>
    %dma_wait3A_73 = arith.constant 0 : i32
    %dma_wait3A_74 = arith.constant 0 : i32
    %dma_wait3A_75 = tpu.memref_slice %arg2[%dma_wait3A_73, %dma_wait3A_74] : memref<10000x64xf32, #tpu.memory_space<hbm>> -> memref<10000x64xf32, #tpu.memory_space<hbm>>
    tpu.wait_indirect_dma semaphore(%arg17 : memref<!tpu.dma_semaphore, #tpu.memory_space<semaphore_mem>>) src(%dma_wait3A_75 : memref<10000x64xf32, #tpu.memory_space<hbm>>) dst(%arg9 : memref<128x64xf32, #tpu.memory_space<vmem>>)
    %run_scoped3A = arith.constant 72 : i32
    "tpu.region"() ({
      %run_scoped3A_137 = tpu.sem_alloc : memref<!tpu.dma_semaphore, #tpu.memory_space<semaphore_mem>>
      %dma_start3A_138 = arith.constant 0 : i32
      %dma_start3A_139 = tpu.memref_slice %arg8[%run_scoped3A, %dma_start3A_138] : memref<80x128xi32, #tpu.memory_space<vmem>> -> memref<1x128xi32, #tpu.memory_space<vmem>>
      %dma_start3A_140 = tpu.memref_squeeze %dma_start3A_139 : memref<1x128xi32, #tpu.memory_space<vmem>> -> memref<128xi32, #tpu.memory_space<vmem>>
      %dma_start3A_141 = arith.constant 0 : i32
      %dma_start3A_142 = arith.constant 0 : i32
      %dma_start3A_143 = tpu.memref_slice %arg25[%dma_start3A_141, %dma_start3A_142] : memref<10240x64xf32, #tpu.memory_space<vmem_shared>> -> memref<10240x64xf32, #tpu.memory_space<vmem_shared>>
      tpu.enqueue_indirect_dma source(%arg9 : memref<128x64xf32, #tpu.memory_space<vmem>>) target(%dma_start3A_143 : memref<10240x64xf32, #tpu.memory_space<vmem_shared>>) offsets(%dma_start3A_140 : memref<128xi32, #tpu.memory_space<vmem>>) semaphore(%run_scoped3A_137 : memref<!tpu.dma_semaphore, #tpu.memory_space<semaphore_mem>>) {add = true}
      %dma_wait3A_144 = arith.constant 0 : i32
      %dma_wait3A_145 = tpu.memref_slice %arg8[%run_scoped3A, %dma_wait3A_144] : memref<80x128xi32, #tpu.memory_space<vmem>> -> memref<1x128xi32, #tpu.memory_space<vmem>>
      %dma_wait3A_146 = tpu.memref_squeeze %dma_wait3A_145 : memref<1x128xi32, #tpu.memory_space<vmem>> -> memref<128xi32, #tpu.memory_space<vmem>>
      %dma_wait3A_147 = arith.constant 0 : i32
      %dma_wait3A_148 = arith.constant 0 : i32
      %dma_wait3A_149 = tpu.memref_slice %arg25[%dma_wait3A_147, %dma_wait3A_148] : memref<10240x64xf32, #tpu.memory_space<vmem_shared>> -> memref<10240x64xf32, #tpu.memory_space<vmem_shared>>
      tpu.wait_indirect_dma semaphore(%run_scoped3A_137 : memref<!tpu.dma_semaphore, #tpu.memory_space<semaphore_mem>>) src(%arg9 : memref<128x64xf32, #tpu.memory_space<vmem>>) dst(%dma_wait3A_149 : memref<10240x64xf32, #tpu.memory_space<vmem_shared>>)
      tpu.yield
    }) : () -> ()
    %dma_wait3A_76 = arith.constant 73 : i32
    %dma_wait3A_77 = arith.constant 0 : i32
    %dma_wait3A_78 = tpu.memref_slice %arg7[%dma_wait3A_76, %dma_wait3A_77] : memref<80x128xi32, #tpu.memory_space<vmem>> -> memref<1x128xi32, #tpu.memory_space<vmem>>
    %dma_wait3A_79 = tpu.memref_squeeze %dma_wait3A_78 : memref<1x128xi32, #tpu.memory_space<vmem>> -> memref<128xi32, #tpu.memory_space<vmem>>
    %dma_wait3A_80 = arith.constant 0 : i32
    %dma_wait3A_81 = arith.constant 0 : i32
    %dma_wait3A_82 = tpu.memref_slice %arg2[%dma_wait3A_80, %dma_wait3A_81] : memref<10000x64xf32, #tpu.memory_space<hbm>> -> memref<10000x64xf32, #tpu.memory_space<hbm>>
    tpu.wait_indirect_dma semaphore(%arg18 : memref<!tpu.dma_semaphore, #tpu.memory_space<semaphore_mem>>) src(%dma_wait3A_82 : memref<10000x64xf32, #tpu.memory_space<hbm>>) dst(%arg10 : memref<128x64xf32, #tpu.memory_space<vmem>>)
    %run_scoped3A_83 = arith.constant 73 : i32
    "tpu.region"() ({
      %run_scoped3A_137 = tpu.sem_alloc : memref<!tpu.dma_semaphore, #tpu.memory_space<semaphore_mem>>
      %dma_start3A_138 = arith.constant 0 : i32
      %dma_start3A_139 = tpu.memref_slice %arg8[%run_scoped3A_83, %dma_start3A_138] : memref<80x128xi32, #tpu.memory_space<vmem>> -> memref<1x128xi32, #tpu.memory_space<vmem>>
      %dma_start3A_140 = tpu.memref_squeeze %dma_start3A_139 : memref<1x128xi32, #tpu.memory_space<vmem>> -> memref<128xi32, #tpu.memory_space<vmem>>
      %dma_start3A_141 = arith.constant 0 : i32
      %dma_start3A_142 = arith.constant 0 : i32
      %dma_start3A_143 = tpu.memref_slice %arg25[%dma_start3A_141, %dma_start3A_142] : memref<10240x64xf32, #tpu.memory_space<vmem_shared>> -> memref<10240x64xf32, #tpu.memory_space<vmem_shared>>
      tpu.enqueue_indirect_dma source(%arg10 : memref<128x64xf32, #tpu.memory_space<vmem>>) target(%dma_start3A_143 : memref<10240x64xf32, #tpu.memory_space<vmem_shared>>) offsets(%dma_start3A_140 : memref<128xi32, #tpu.memory_space<vmem>>) semaphore(%run_scoped3A_137 : memref<!tpu.dma_semaphore, #tpu.memory_space<semaphore_mem>>) {add = true}
      %dma_wait3A_144 = arith.constant 0 : i32
      %dma_wait3A_145 = tpu.memref_slice %arg8[%run_scoped3A_83, %dma_wait3A_144] : memref<80x128xi32, #tpu.memory_space<vmem>> -> memref<1x128xi32, #tpu.memory_space<vmem>>
      %dma_wait3A_146 = tpu.memref_squeeze %dma_wait3A_145 : memref<1x128xi32, #tpu.memory_space<vmem>> -> memref<128xi32, #tpu.memory_space<vmem>>
      %dma_wait3A_147 = arith.constant 0 : i32
      %dma_wait3A_148 = arith.constant 0 : i32
      %dma_wait3A_149 = tpu.memref_slice %arg25[%dma_wait3A_147, %dma_wait3A_148] : memref<10240x64xf32, #tpu.memory_space<vmem_shared>> -> memref<10240x64xf32, #tpu.memory_space<vmem_shared>>
      tpu.wait_indirect_dma semaphore(%run_scoped3A_137 : memref<!tpu.dma_semaphore, #tpu.memory_space<semaphore_mem>>) src(%arg10 : memref<128x64xf32, #tpu.memory_space<vmem>>) dst(%dma_wait3A_149 : memref<10240x64xf32, #tpu.memory_space<vmem_shared>>)
      tpu.yield
    }) : () -> ()
    %dma_wait3A_84 = arith.constant 74 : i32
    %dma_wait3A_85 = arith.constant 0 : i32
    %dma_wait3A_86 = tpu.memref_slice %arg7[%dma_wait3A_84, %dma_wait3A_85] : memref<80x128xi32, #tpu.memory_space<vmem>> -> memref<1x128xi32, #tpu.memory_space<vmem>>
    %dma_wait3A_87 = tpu.memref_squeeze %dma_wait3A_86 : memref<1x128xi32, #tpu.memory_space<vmem>> -> memref<128xi32, #tpu.memory_space<vmem>>
    %dma_wait3A_88 = arith.constant 0 : i32
    %dma_wait3A_89 = arith.constant 0 : i32
    %dma_wait3A_90 = tpu.memref_slice %arg2[%dma_wait3A_88, %dma_wait3A_89] : memref<10000x64xf32, #tpu.memory_space<hbm>> -> memref<10000x64xf32, #tpu.memory_space<hbm>>
    tpu.wait_indirect_dma semaphore(%arg19 : memref<!tpu.dma_semaphore, #tpu.memory_space<semaphore_mem>>) src(%dma_wait3A_90 : memref<10000x64xf32, #tpu.memory_space<hbm>>) dst(%arg11 : memref<128x64xf32, #tpu.memory_space<vmem>>)
    %run_scoped3A_91 = arith.constant 74 : i32
    "tpu.region"() ({
      %run_scoped3A_137 = tpu.sem_alloc : memref<!tpu.dma_semaphore, #tpu.memory_space<semaphore_mem>>
      %dma_start3A_138 = arith.constant 0 : i32
      %dma_start3A_139 = tpu.memref_slice %arg8[%run_scoped3A_91, %dma_start3A_138] : memref<80x128xi32, #tpu.memory_space<vmem>> -> memref<1x128xi32, #tpu.memory_space<vmem>>
      %dma_start3A_140 = tpu.memref_squeeze %dma_start3A_139 : memref<1x128xi32, #tpu.memory_space<vmem>> -> memref<128xi32, #tpu.memory_space<vmem>>
      %dma_start3A_141 = arith.constant 0 : i32
      %dma_start3A_142 = arith.constant 0 : i32
      %dma_start3A_143 = tpu.memref_slice %arg25[%dma_start3A_141, %dma_start3A_142] : memref<10240x64xf32, #tpu.memory_space<vmem_shared>> -> memref<10240x64xf32, #tpu.memory_space<vmem_shared>>
      tpu.enqueue_indirect_dma source(%arg11 : memref<128x64xf32, #tpu.memory_space<vmem>>) target(%dma_start3A_143 : memref<10240x64xf32, #tpu.memory_space<vmem_shared>>) offsets(%dma_start3A_140 : memref<128xi32, #tpu.memory_space<vmem>>) semaphore(%run_scoped3A_137 : memref<!tpu.dma_semaphore, #tpu.memory_space<semaphore_mem>>) {add = true}
      %dma_wait3A_144 = arith.constant 0 : i32
      %dma_wait3A_145 = tpu.memref_slice %arg8[%run_scoped3A_91, %dma_wait3A_144] : memref<80x128xi32, #tpu.memory_space<vmem>> -> memref<1x128xi32, #tpu.memory_space<vmem>>
      %dma_wait3A_146 = tpu.memref_squeeze %dma_wait3A_145 : memref<1x128xi32, #tpu.memory_space<vmem>> -> memref<128xi32, #tpu.memory_space<vmem>>
      %dma_wait3A_147 = arith.constant 0 : i32
      %dma_wait3A_148 = arith.constant 0 : i32
      %dma_wait3A_149 = tpu.memref_slice %arg25[%dma_wait3A_147, %dma_wait3A_148] : memref<10240x64xf32, #tpu.memory_space<vmem_shared>> -> memref<10240x64xf32, #tpu.memory_space<vmem_shared>>
      tpu.wait_indirect_dma semaphore(%run_scoped3A_137 : memref<!tpu.dma_semaphore, #tpu.memory_space<semaphore_mem>>) src(%arg11 : memref<128x64xf32, #tpu.memory_space<vmem>>) dst(%dma_wait3A_149 : memref<10240x64xf32, #tpu.memory_space<vmem_shared>>)
      tpu.yield
    }) : () -> ()
    %dma_wait3A_92 = arith.constant 75 : i32
    %dma_wait3A_93 = arith.constant 0 : i32
    %dma_wait3A_94 = tpu.memref_slice %arg7[%dma_wait3A_92, %dma_wait3A_93] : memref<80x128xi32, #tpu.memory_space<vmem>> -> memref<1x128xi32, #tpu.memory_space<vmem>>
    %dma_wait3A_95 = tpu.memref_squeeze %dma_wait3A_94 : memref<1x128xi32, #tpu.memory_space<vmem>> -> memref<128xi32, #tpu.memory_space<vmem>>
    %dma_wait3A_96 = arith.constant 0 : i32
    %dma_wait3A_97 = arith.constant 0 : i32
    %dma_wait3A_98 = tpu.memref_slice %arg2[%dma_wait3A_96, %dma_wait3A_97] : memref<10000x64xf32, #tpu.memory_space<hbm>> -> memref<10000x64xf32, #tpu.memory_space<hbm>>
    tpu.wait_indirect_dma semaphore(%arg20 : memref<!tpu.dma_semaphore, #tpu.memory_space<semaphore_mem>>) src(%dma_wait3A_98 : memref<10000x64xf32, #tpu.memory_space<hbm>>) dst(%arg12 : memref<128x64xf32, #tpu.memory_space<vmem>>)
    %run_scoped3A_99 = arith.constant 75 : i32
    "tpu.region"() ({
      %run_scoped3A_137 = tpu.sem_alloc : memref<!tpu.dma_semaphore, #tpu.memory_space<semaphore_mem>>
      %dma_start3A_138 = arith.constant 0 : i32
      %dma_start3A_139 = tpu.memref_slice %arg8[%run_scoped3A_99, %dma_start3A_138] : memref<80x128xi32, #tpu.memory_space<vmem>> -> memref<1x128xi32, #tpu.memory_space<vmem>>
      %dma_start3A_140 = tpu.memref_squeeze %dma_start3A_139 : memref<1x128xi32, #tpu.memory_space<vmem>> -> memref<128xi32, #tpu.memory_space<vmem>>
      %dma_start3A_141 = arith.constant 0 : i32
      %dma_start3A_142 = arith.constant 0 : i32
      %dma_start3A_143 = tpu.memref_slice %arg25[%dma_start3A_141, %dma_start3A_142] : memref<10240x64xf32, #tpu.memory_space<vmem_shared>> -> memref<10240x64xf32, #tpu.memory_space<vmem_shared>>
      tpu.enqueue_indirect_dma source(%arg12 : memref<128x64xf32, #tpu.memory_space<vmem>>) target(%dma_start3A_143 : memref<10240x64xf32, #tpu.memory_space<vmem_shared>>) offsets(%dma_start3A_140 : memref<128xi32, #tpu.memory_space<vmem>>) semaphore(%run_scoped3A_137 : memref<!tpu.dma_semaphore, #tpu.memory_space<semaphore_mem>>) {add = true}
      %dma_wait3A_144 = arith.constant 0 : i32
      %dma_wait3A_145 = tpu.memref_slice %arg8[%run_scoped3A_99, %dma_wait3A_144] : memref<80x128xi32, #tpu.memory_space<vmem>> -> memref<1x128xi32, #tpu.memory_space<vmem>>
      %dma_wait3A_146 = tpu.memref_squeeze %dma_wait3A_145 : memref<1x128xi32, #tpu.memory_space<vmem>> -> memref<128xi32, #tpu.memory_space<vmem>>
      %dma_wait3A_147 = arith.constant 0 : i32
      %dma_wait3A_148 = arith.constant 0 : i32
      %dma_wait3A_149 = tpu.memref_slice %arg25[%dma_wait3A_147, %dma_wait3A_148] : memref<10240x64xf32, #tpu.memory_space<vmem_shared>> -> memref<10240x64xf32, #tpu.memory_space<vmem_shared>>
      tpu.wait_indirect_dma semaphore(%run_scoped3A_137 : memref<!tpu.dma_semaphore, #tpu.memory_space<semaphore_mem>>) src(%arg12 : memref<128x64xf32, #tpu.memory_space<vmem>>) dst(%dma_wait3A_149 : memref<10240x64xf32, #tpu.memory_space<vmem_shared>>)
      tpu.yield
    }) : () -> ()
    %dma_wait3A_100 = arith.constant 76 : i32
    %dma_wait3A_101 = arith.constant 0 : i32
    %dma_wait3A_102 = tpu.memref_slice %arg7[%dma_wait3A_100, %dma_wait3A_101] : memref<80x128xi32, #tpu.memory_space<vmem>> -> memref<1x128xi32, #tpu.memory_space<vmem>>
    %dma_wait3A_103 = tpu.memref_squeeze %dma_wait3A_102 : memref<1x128xi32, #tpu.memory_space<vmem>> -> memref<128xi32, #tpu.memory_space<vmem>>
    %dma_wait3A_104 = arith.constant 0 : i32
    %dma_wait3A_105 = arith.constant 0 : i32
    %dma_wait3A_106 = tpu.memref_slice %arg2[%dma_wait3A_104, %dma_wait3A_105] : memref<10000x64xf32, #tpu.memory_space<hbm>> -> memref<10000x64xf32, #tpu.memory_space<hbm>>
    tpu.wait_indirect_dma semaphore(%arg21 : memref<!tpu.dma_semaphore, #tpu.memory_space<semaphore_mem>>) src(%dma_wait3A_106 : memref<10000x64xf32, #tpu.memory_space<hbm>>) dst(%arg13 : memref<128x64xf32, #tpu.memory_space<vmem>>)
    %run_scoped3A_107 = arith.constant 76 : i32
    "tpu.region"() ({
      %run_scoped3A_137 = tpu.sem_alloc : memref<!tpu.dma_semaphore, #tpu.memory_space<semaphore_mem>>
      %dma_start3A_138 = arith.constant 0 : i32
      %dma_start3A_139 = tpu.memref_slice %arg8[%run_scoped3A_107, %dma_start3A_138] : memref<80x128xi32, #tpu.memory_space<vmem>> -> memref<1x128xi32, #tpu.memory_space<vmem>>
      %dma_start3A_140 = tpu.memref_squeeze %dma_start3A_139 : memref<1x128xi32, #tpu.memory_space<vmem>> -> memref<128xi32, #tpu.memory_space<vmem>>
      %dma_start3A_141 = arith.constant 0 : i32
      %dma_start3A_142 = arith.constant 0 : i32
      %dma_start3A_143 = tpu.memref_slice %arg25[%dma_start3A_141, %dma_start3A_142] : memref<10240x64xf32, #tpu.memory_space<vmem_shared>> -> memref<10240x64xf32, #tpu.memory_space<vmem_shared>>
      tpu.enqueue_indirect_dma source(%arg13 : memref<128x64xf32, #tpu.memory_space<vmem>>) target(%dma_start3A_143 : memref<10240x64xf32, #tpu.memory_space<vmem_shared>>) offsets(%dma_start3A_140 : memref<128xi32, #tpu.memory_space<vmem>>) semaphore(%run_scoped3A_137 : memref<!tpu.dma_semaphore, #tpu.memory_space<semaphore_mem>>) {add = true}
      %dma_wait3A_144 = arith.constant 0 : i32
      %dma_wait3A_145 = tpu.memref_slice %arg8[%run_scoped3A_107, %dma_wait3A_144] : memref<80x128xi32, #tpu.memory_space<vmem>> -> memref<1x128xi32, #tpu.memory_space<vmem>>
      %dma_wait3A_146 = tpu.memref_squeeze %dma_wait3A_145 : memref<1x128xi32, #tpu.memory_space<vmem>> -> memref<128xi32, #tpu.memory_space<vmem>>
      %dma_wait3A_147 = arith.constant 0 : i32
      %dma_wait3A_148 = arith.constant 0 : i32
      %dma_wait3A_149 = tpu.memref_slice %arg25[%dma_wait3A_147, %dma_wait3A_148] : memref<10240x64xf32, #tpu.memory_space<vmem_shared>> -> memref<10240x64xf32, #tpu.memory_space<vmem_shared>>
      tpu.wait_indirect_dma semaphore(%run_scoped3A_137 : memref<!tpu.dma_semaphore, #tpu.memory_space<semaphore_mem>>) src(%arg13 : memref<128x64xf32, #tpu.memory_space<vmem>>) dst(%dma_wait3A_149 : memref<10240x64xf32, #tpu.memory_space<vmem_shared>>)
      tpu.yield
    }) : () -> ()
    %dma_wait3A_108 = arith.constant 77 : i32
    %dma_wait3A_109 = arith.constant 0 : i32
    %dma_wait3A_110 = tpu.memref_slice %arg7[%dma_wait3A_108, %dma_wait3A_109] : memref<80x128xi32, #tpu.memory_space<vmem>> -> memref<1x128xi32, #tpu.memory_space<vmem>>
    %dma_wait3A_111 = tpu.memref_squeeze %dma_wait3A_110 : memref<1x128xi32, #tpu.memory_space<vmem>> -> memref<128xi32, #tpu.memory_space<vmem>>
    %dma_wait3A_112 = arith.constant 0 : i32
    %dma_wait3A_113 = arith.constant 0 : i32
    %dma_wait3A_114 = tpu.memref_slice %arg2[%dma_wait3A_112, %dma_wait3A_113] : memref<10000x64xf32, #tpu.memory_space<hbm>> -> memref<10000x64xf32, #tpu.memory_space<hbm>>
    tpu.wait_indirect_dma semaphore(%arg22 : memref<!tpu.dma_semaphore, #tpu.memory_space<semaphore_mem>>) src(%dma_wait3A_114 : memref<10000x64xf32, #tpu.memory_space<hbm>>) dst(%arg14 : memref<128x64xf32, #tpu.memory_space<vmem>>)
    %run_scoped3A_115 = arith.constant 77 : i32
    "tpu.region"() ({
      %run_scoped3A_137 = tpu.sem_alloc : memref<!tpu.dma_semaphore, #tpu.memory_space<semaphore_mem>>
      %dma_start3A_138 = arith.constant 0 : i32
      %dma_start3A_139 = tpu.memref_slice %arg8[%run_scoped3A_115, %dma_start3A_138] : memref<80x128xi32, #tpu.memory_space<vmem>> -> memref<1x128xi32, #tpu.memory_space<vmem>>
      %dma_start3A_140 = tpu.memref_squeeze %dma_start3A_139 : memref<1x128xi32, #tpu.memory_space<vmem>> -> memref<128xi32, #tpu.memory_space<vmem>>
      %dma_start3A_141 = arith.constant 0 : i32
      %dma_start3A_142 = arith.constant 0 : i32
      %dma_start3A_143 = tpu.memref_slice %arg25[%dma_start3A_141, %dma_start3A_142] : memref<10240x64xf32, #tpu.memory_space<vmem_shared>> -> memref<10240x64xf32, #tpu.memory_space<vmem_shared>>
      tpu.enqueue_indirect_dma source(%arg14 : memref<128x64xf32, #tpu.memory_space<vmem>>) target(%dma_start3A_143 : memref<10240x64xf32, #tpu.memory_space<vmem_shared>>) offsets(%dma_start3A_140 : memref<128xi32, #tpu.memory_space<vmem>>) semaphore(%run_scoped3A_137 : memref<!tpu.dma_semaphore, #tpu.memory_space<semaphore_mem>>) {add = true}
      %dma_wait3A_144 = arith.constant 0 : i32
      %dma_wait3A_145 = tpu.memref_slice %arg8[%run_scoped3A_115, %dma_wait3A_144] : memref<80x128xi32, #tpu.memory_space<vmem>> -> memref<1x128xi32, #tpu.memory_space<vmem>>
      %dma_wait3A_146 = tpu.memref_squeeze %dma_wait3A_145 : memref<1x128xi32, #tpu.memory_space<vmem>> -> memref<128xi32, #tpu.memory_space<vmem>>
      %dma_wait3A_147 = arith.constant 0 : i32
      %dma_wait3A_148 = arith.constant 0 : i32
      %dma_wait3A_149 = tpu.memref_slice %arg25[%dma_wait3A_147, %dma_wait3A_148] : memref<10240x64xf32, #tpu.memory_space<vmem_shared>> -> memref<10240x64xf32, #tpu.memory_space<vmem_shared>>
      tpu.wait_indirect_dma semaphore(%run_scoped3A_137 : memref<!tpu.dma_semaphore, #tpu.memory_space<semaphore_mem>>) src(%arg14 : memref<128x64xf32, #tpu.memory_space<vmem>>) dst(%dma_wait3A_149 : memref<10240x64xf32, #tpu.memory_space<vmem_shared>>)
      tpu.yield
    }) : () -> ()
    %dma_wait3A_116 = arith.constant 78 : i32
    %dma_wait3A_117 = arith.constant 0 : i32
    %dma_wait3A_118 = tpu.memref_slice %arg7[%dma_wait3A_116, %dma_wait3A_117] : memref<80x128xi32, #tpu.memory_space<vmem>> -> memref<1x128xi32, #tpu.memory_space<vmem>>
    %dma_wait3A_119 = tpu.memref_squeeze %dma_wait3A_118 : memref<1x128xi32, #tpu.memory_space<vmem>> -> memref<128xi32, #tpu.memory_space<vmem>>
    %dma_wait3A_120 = arith.constant 0 : i32
    %dma_wait3A_121 = arith.constant 0 : i32
    %dma_wait3A_122 = tpu.memref_slice %arg2[%dma_wait3A_120, %dma_wait3A_121] : memref<10000x64xf32, #tpu.memory_space<hbm>> -> memref<10000x64xf32, #tpu.memory_space<hbm>>
    tpu.wait_indirect_dma semaphore(%arg23 : memref<!tpu.dma_semaphore, #tpu.memory_space<semaphore_mem>>) src(%dma_wait3A_122 : memref<10000x64xf32, #tpu.memory_space<hbm>>) dst(%arg15 : memref<128x64xf32, #tpu.memory_space<vmem>>)
    %run_scoped3A_123 = arith.constant 78 : i32
    "tpu.region"() ({
      %run_scoped3A_137 = tpu.sem_alloc : memref<!tpu.dma_semaphore, #tpu.memory_space<semaphore_mem>>
      %dma_start3A_138 = arith.constant 0 : i32
      %dma_start3A_139 = tpu.memref_slice %arg8[%run_scoped3A_123, %dma_start3A_138] : memref<80x128xi32, #tpu.memory_space<vmem>> -> memref<1x128xi32, #tpu.memory_space<vmem>>
      %dma_start3A_140 = tpu.memref_squeeze %dma_start3A_139 : memref<1x128xi32, #tpu.memory_space<vmem>> -> memref<128xi32, #tpu.memory_space<vmem>>
      %dma_start3A_141 = arith.constant 0 : i32
      %dma_start3A_142 = arith.constant 0 : i32
      %dma_start3A_143 = tpu.memref_slice %arg25[%dma_start3A_141, %dma_start3A_142] : memref<10240x64xf32, #tpu.memory_space<vmem_shared>> -> memref<10240x64xf32, #tpu.memory_space<vmem_shared>>
      tpu.enqueue_indirect_dma source(%arg15 : memref<128x64xf32, #tpu.memory_space<vmem>>) target(%dma_start3A_143 : memref<10240x64xf32, #tpu.memory_space<vmem_shared>>) offsets(%dma_start3A_140 : memref<128xi32, #tpu.memory_space<vmem>>) semaphore(%run_scoped3A_137 : memref<!tpu.dma_semaphore, #tpu.memory_space<semaphore_mem>>) {add = true}
      %dma_wait3A_144 = arith.constant 0 : i32
      %dma_wait3A_145 = tpu.memref_slice %arg8[%run_scoped3A_123, %dma_wait3A_144] : memref<80x128xi32, #tpu.memory_space<vmem>> -> memref<1x128xi32, #tpu.memory_space<vmem>>
      %dma_wait3A_146 = tpu.memref_squeeze %dma_wait3A_145 : memref<1x128xi32, #tpu.memory_space<vmem>> -> memref<128xi32, #tpu.memory_space<vmem>>
      %dma_wait3A_147 = arith.constant 0 : i32
      %dma_wait3A_148 = arith.constant 0 : i32
      %dma_wait3A_149 = tpu.memref_slice %arg25[%dma_wait3A_147, %dma_wait3A_148] : memref<10240x64xf32, #tpu.memory_space<vmem_shared>> -> memref<10240x64xf32, #tpu.memory_space<vmem_shared>>
      tpu.wait_indirect_dma semaphore(%run_scoped3A_137 : memref<!tpu.dma_semaphore, #tpu.memory_space<semaphore_mem>>) src(%arg15 : memref<128x64xf32, #tpu.memory_space<vmem>>) dst(%dma_wait3A_149 : memref<10240x64xf32, #tpu.memory_space<vmem_shared>>)
      tpu.yield
    }) : () -> ()
    %dma_wait3A_124 = arith.constant 79 : i32
    %dma_wait3A_125 = arith.constant 0 : i32
    %dma_wait3A_126 = tpu.memref_slice %arg7[%dma_wait3A_124, %dma_wait3A_125] : memref<80x128xi32, #tpu.memory_space<vmem>> -> memref<1x128xi32, #tpu.memory_space<vmem>>
    %dma_wait3A_127 = tpu.memref_squeeze %dma_wait3A_126 : memref<1x128xi32, #tpu.memory_space<vmem>> -> memref<128xi32, #tpu.memory_space<vmem>>
    %dma_wait3A_128 = arith.constant 0 : i32
    %dma_wait3A_129 = arith.constant 0 : i32
    %dma_wait3A_130 = tpu.memref_slice %arg2[%dma_wait3A_128, %dma_wait3A_129] : memref<10000x64xf32, #tpu.memory_space<hbm>> -> memref<10000x64xf32, #tpu.memory_space<hbm>>
    tpu.wait_indirect_dma semaphore(%arg24 : memref<!tpu.dma_semaphore, #tpu.memory_space<semaphore_mem>>) src(%dma_wait3A_130 : memref<10000x64xf32, #tpu.memory_space<hbm>>) dst(%arg16 : memref<128x64xf32, #tpu.memory_space<vmem>>)
    %run_scoped3A_131 = arith.constant 79 : i32
    "tpu.region"() ({
      %run_scoped3A_137 = tpu.sem_alloc : memref<!tpu.dma_semaphore, #tpu.memory_space<semaphore_mem>>
      %dma_start3A_138 = arith.constant 0 : i32
      %dma_start3A_139 = tpu.memref_slice %arg8[%run_scoped3A_131, %dma_start3A_138] : memref<80x128xi32, #tpu.memory_space<vmem>> -> memref<1x128xi32, #tpu.memory_space<vmem>>
      %dma_start3A_140 = tpu.memref_squeeze %dma_start3A_139 : memref<1x128xi32, #tpu.memory_space<vmem>> -> memref<128xi32, #tpu.memory_space<vmem>>
      %dma_start3A_141 = arith.constant 0 : i32
      %dma_start3A_142 = arith.constant 0 : i32
      %dma_start3A_143 = tpu.memref_slice %arg25[%dma_start3A_141, %dma_start3A_142] : memref<10240x64xf32, #tpu.memory_space<vmem_shared>> -> memref<10240x64xf32, #tpu.memory_space<vmem_shared>>
      tpu.enqueue_indirect_dma source(%arg16 : memref<128x64xf32, #tpu.memory_space<vmem>>) target(%dma_start3A_143 : memref<10240x64xf32, #tpu.memory_space<vmem_shared>>) offsets(%dma_start3A_140 : memref<128xi32, #tpu.memory_space<vmem>>) semaphore(%run_scoped3A_137 : memref<!tpu.dma_semaphore, #tpu.memory_space<semaphore_mem>>) {add = true}
      %dma_wait3A_144 = arith.constant 0 : i32
      %dma_wait3A_145 = tpu.memref_slice %arg8[%run_scoped3A_131, %dma_wait3A_144] : memref<80x128xi32, #tpu.memory_space<vmem>> -> memref<1x128xi32, #tpu.memory_space<vmem>>
      %dma_wait3A_146 = tpu.memref_squeeze %dma_wait3A_145 : memref<1x128xi32, #tpu.memory_space<vmem>> -> memref<128xi32, #tpu.memory_space<vmem>>
      %dma_wait3A_147 = arith.constant 0 : i32
      %dma_wait3A_148 = arith.constant 0 : i32
      %dma_wait3A_149 = tpu.memref_slice %arg25[%dma_wait3A_147, %dma_wait3A_148] : memref<10240x64xf32, #tpu.memory_space<vmem_shared>> -> memref<10240x64xf32, #tpu.memory_space<vmem_shared>>
      tpu.wait_indirect_dma semaphore(%run_scoped3A_137 : memref<!tpu.dma_semaphore, #tpu.memory_space<semaphore_mem>>) src(%arg16 : memref<128x64xf32, #tpu.memory_space<vmem>>) dst(%dma_wait3A_149 : memref<10240x64xf32, #tpu.memory_space<vmem_shared>>)
      tpu.yield
    }) : () -> ()
    %barrier3A_132 = arith.constant 0 : index
    tpu.barrier barrier_id(%barrier3A_132)
    %mul3A_133 = arith.constant 640 : i32
    %mul3A_134 = arith.muli %arg1, %mul3A_133 : i32
    %mul3A_135 = arith.constant 640 : i32
    %mul3A_136 = arith.muli %arg1, %mul3A_135 : i32
    "tpu.region"() ({
      %run_scoped3A_137 = tpu.sem_alloc : memref<!tpu.dma_semaphore, #tpu.memory_space<semaphore_mem>>
      %dma_start3A_138 = arith.constant 0 : i32
      %dma_start3A_139 = tpu.memref_slice %arg6[%arg0, %mul3A_136, %dma_start3A_138] : memref<2x10240x64xf32, #tpu.memory_space<hbm>> -> memref<1x640x64xf32, #tpu.memory_space<hbm>>
      %dma_start3A_140 = tpu.memref_squeeze %dma_start3A_139 : memref<1x640x64xf32, #tpu.memory_space<hbm>> -> memref<640x64xf32, #tpu.memory_space<hbm>>
      %dma_start3A_141 = arith.constant 0 : i32
      %dma_start3A_142 = tpu.memref_slice %arg25[%mul3A_134, %dma_start3A_141] : memref<10240x64xf32, #tpu.memory_space<vmem_shared>> -> memref<640x64xf32, #tpu.memory_space<vmem_shared>>
      tpu.enqueue_dma source(%dma_start3A_142 : memref<640x64xf32, #tpu.memory_space<vmem_shared>>) target(%dma_start3A_140 : memref<640x64xf32, #tpu.memory_space<hbm>>) target_semaphore(%run_scoped3A_137 : memref<!tpu.dma_semaphore, #tpu.memory_space<semaphore_mem>>)
      %dma_wait3A_143 = arith.constant 0 : i32
      %dma_wait3A_144 = tpu.memref_slice %arg6[%arg0, %mul3A_136, %dma_wait3A_143] : memref<2x10240x64xf32, #tpu.memory_space<hbm>> -> memref<1x640x64xf32, #tpu.memory_space<hbm>>
      %dma_wait3A_145 = tpu.memref_squeeze %dma_wait3A_144 : memref<1x640x64xf32, #tpu.memory_space<hbm>> -> memref<640x64xf32, #tpu.memory_space<hbm>>
      %dma_wait3A_146 = arith.constant 0 : i32
      %dma_wait3A_147 = tpu.memref_slice %arg25[%mul3A_134, %dma_wait3A_146] : memref<10240x64xf32, #tpu.memory_space<vmem_shared>> -> memref<640x64xf32, #tpu.memory_space<vmem_shared>>
      tpu.wait_dma2 semaphore(%run_scoped3A_137 : memref<!tpu.dma_semaphore, #tpu.memory_space<semaphore_mem>>) src(%dma_wait3A_147 : memref<640x64xf32, #tpu.memory_space<vmem_shared>>) dst(%dma_wait3A_145 : memref<640x64xf32, #tpu.memory_space<hbm>>)
      tpu.yield
    }) : () -> ()
    return
  }
}

#map = affine_map<(d0, d1) -> (0, 0)>
module attributes {stable_mosaic.version = 14 : i64} {
  func.func @deg_k(%arg0: i32, %arg1: i32, %arg2: memref<2560x128xi32, #tpu.memory_space<hbm>>, %arg3: memref<2x10240xf32, #tpu.memory_space<hbm>>, %arg4: memref<80x128xi32, #tpu.memory_space<vmem>>, %arg5: memref<128xf32, #tpu.memory_space<vmem>>, %arg6: memref<640xf32, #tpu.memory_space<vmem>>, %arg7: memref<!tpu.dma_semaphore, #tpu.memory_space<semaphore_mem>>, %arg8: memref<!tpu.dma_semaphore, #tpu.memory_space<semaphore_mem>>, %arg9: memref<!tpu.dma_semaphore, #tpu.memory_space<semaphore_mem>>, %arg10: memref<!tpu.dma_semaphore, #tpu.memory_space<semaphore_mem>>, %arg11: memref<!tpu.dma_semaphore, #tpu.memory_space<semaphore_mem>>, %arg12: memref<!tpu.dma_semaphore, #tpu.memory_space<semaphore_mem>>, %arg13: memref<!tpu.dma_semaphore, #tpu.memory_space<semaphore_mem>>, %arg14: memref<!tpu.dma_semaphore, #tpu.memory_space<semaphore_mem>>, %arg15: memref<10240xf32, #tpu.memory_space<vmem_shared>>) attributes {dimension_semantics = [#tpu.dimension_semantics<core_parallel>, #tpu.dimension_semantics<subcore_parallel>], iteration_bounds = array<i64: 2, 16>, scalar_prefetch = 0 : i64, scratch_operands = 12 : i64, tpu.core_type = #tpu.core_type<sc_vector_subcore>, window_params = [{transform_indices = #map}, {transform_indices = #map}]} {
    %mul3A = arith.constant 16 : i32
    %mul3A_0 = arith.muli %arg0, %mul3A : i32
    %add3A = arith.addi %mul3A_0, %arg1 : i32
    %scan3A = arith.constant 0 : i32
    %scan3A_1 = arith.constant 0 : i32
    %scan3A_2 = arith.constant 40 : i32
    %scan3A_3 = arith.addi %scan3A_1, %scan3A_2 : i32
    %scan3A_4 = arith.constant 1 : i32
    %scan3A_5 = scf.for %scan3A_69 = %scan3A_1 to %scan3A_3 step %scan3A_4 iter_args(%scan3A_70 = %scan3A) -> (i32)  : i32 {
      %broadcast_in_dim3A_71 = arith.constant 0.000000e+00 : f32
      %broadcast_in_dim3A_72 = vector.broadcast %broadcast_in_dim3A_71 : f32 to vector<16xf32>
      %mul3A_73 = arith.constant 16 : i32
      %mul3A_74 = arith.muli %scan3A_69, %mul3A_73 : i32
      %swap3A_75 = arith.index_cast %mul3A_74 : i32 to index
      %swap3A_76 = tpu.vector_load %arg6[%swap3A_75] {strides = array<i32>} : memref<640xf32, #tpu.memory_space<vmem>>, vector<16xf32>,
      %swap3A_77 = vector.shape_cast %swap3A_76 : vector<16xf32> to vector<16xf32>
      %swap3A_78 = vector.shape_cast %broadcast_in_dim3A_72 : vector<16xf32> to vector<16xf32>
      tpu.vector_store %arg6[%swap3A_75], %swap3A_78 {strides = array<i32>} : memref<640xf32, #tpu.memory_space<vmem>>, vector<16xf32>,
      %scan3A_79 = arith.constant 0 : i32
      scf.yield %scan3A_79 : i32
    }
    %scan3A_6 = arith.constant 40 : i32
    %broadcast_in_dim3A = arith.constant 1.000000e+00 : f32
    %broadcast_in_dim3A_7 = vector.broadcast %broadcast_in_dim3A : f32 to vector<16xf32>
    %swap3A = arith.constant 0 : index
    %swap3A_8 = tpu.vector_load %arg5[%swap3A] {strides = array<i32>} : memref<128xf32, #tpu.memory_space<vmem>>, vector<16xf32>,
    %swap3A_9 = vector.shape_cast %swap3A_8 : vector<16xf32> to vector<16xf32>
    %swap3A_10 = vector.shape_cast %broadcast_in_dim3A_7 : vector<16xf32> to vector<16xf32>
    tpu.vector_store %arg5[%swap3A], %swap3A_10 {strides = array<i32>} : memref<128xf32, #tpu.memory_space<vmem>>, vector<16xf32>,
    %broadcast_in_dim3A_11 = arith.constant 1.000000e+00 : f32
    %broadcast_in_dim3A_12 = vector.broadcast %broadcast_in_dim3A_11 : f32 to vector<16xf32>
    %swap3A_13 = arith.constant 16 : index
    %swap3A_14 = tpu.vector_load %arg5[%swap3A_13] {strides = array<i32>} : memref<128xf32, #tpu.memory_space<vmem>>, vector<16xf32>,
    %swap3A_15 = vector.shape_cast %swap3A_14 : vector<16xf32> to vector<16xf32>
    %swap3A_16 = vector.shape_cast %broadcast_in_dim3A_12 : vector<16xf32> to vector<16xf32>
    tpu.vector_store %arg5[%swap3A_13], %swap3A_16 {strides = array<i32>} : memref<128xf32, #tpu.memory_space<vmem>>, vector<16xf32>,
    %broadcast_in_dim3A_17 = arith.constant 1.000000e+00 : f32
    %broadcast_in_dim3A_18 = vector.broadcast %broadcast_in_dim3A_17 : f32 to vector<16xf32>
    %swap3A_19 = arith.constant 32 : index
    %swap3A_20 = tpu.vector_load %arg5[%swap3A_19] {strides = array<i32>} : memref<128xf32, #tpu.memory_space<vmem>>, vector<16xf32>,
    %swap3A_21 = vector.shape_cast %swap3A_20 : vector<16xf32> to vector<16xf32>
    %swap3A_22 = vector.shape_cast %broadcast_in_dim3A_18 : vector<16xf32> to vector<16xf32>
    tpu.vector_store %arg5[%swap3A_19], %swap3A_22 {strides = array<i32>} : memref<128xf32, #tpu.memory_space<vmem>>, vector<16xf32>,
    %broadcast_in_dim3A_23 = arith.constant 1.000000e+00 : f32
    %broadcast_in_dim3A_24 = vector.broadcast %broadcast_in_dim3A_23 : f32 to vector<16xf32>
    %swap3A_25 = arith.constant 48 : index
    %swap3A_26 = tpu.vector_load %arg5[%swap3A_25] {strides = array<i32>} : memref<128xf32, #tpu.memory_space<vmem>>, vector<16xf32>,
    %swap3A_27 = vector.shape_cast %swap3A_26 : vector<16xf32> to vector<16xf32>
    %swap3A_28 = vector.shape_cast %broadcast_in_dim3A_24 : vector<16xf32> to vector<16xf32>
    tpu.vector_store %arg5[%swap3A_25], %swap3A_28 {strides = array<i32>} : memref<128xf32, #tpu.memory_space<vmem>>, vector<16xf32>,
    %broadcast_in_dim3A_29 = arith.constant 1.000000e+00 : f32
    %broadcast_in_dim3A_30 = vector.broadcast %broadcast_in_dim3A_29 : f32 to vector<16xf32>
    %swap3A_31 = arith.constant 64 : index
    %swap3A_32 = tpu.vector_load %arg5[%swap3A_31] {strides = array<i32>} : memref<128xf32, #tpu.memory_space<vmem>>, vector<16xf32>,
    %swap3A_33 = vector.shape_cast %swap3A_32 : vector<16xf32> to vector<16xf32>
    %swap3A_34 = vector.shape_cast %broadcast_in_dim3A_30 : vector<16xf32> to vector<16xf32>
    tpu.vector_store %arg5[%swap3A_31], %swap3A_34 {strides = array<i32>} : memref<128xf32, #tpu.memory_space<vmem>>, vector<16xf32>,
    %broadcast_in_dim3A_35 = arith.constant 1.000000e+00 : f32
    %broadcast_in_dim3A_36 = vector.broadcast %broadcast_in_dim3A_35 : f32 to vector<16xf32>
    %swap3A_37 = arith.constant 80 : index
    %swap3A_38 = tpu.vector_load %arg5[%swap3A_37] {strides = array<i32>} : memref<128xf32, #tpu.memory_space<vmem>>, vector<16xf32>,
    %swap3A_39 = vector.shape_cast %swap3A_38 : vector<16xf32> to vector<16xf32>
    %swap3A_40 = vector.shape_cast %broadcast_in_dim3A_36 : vector<16xf32> to vector<16xf32>
    tpu.vector_store %arg5[%swap3A_37], %swap3A_40 {strides = array<i32>} : memref<128xf32, #tpu.memory_space<vmem>>, vector<16xf32>,
    %broadcast_in_dim3A_41 = arith.constant 1.000000e+00 : f32
    %broadcast_in_dim3A_42 = vector.broadcast %broadcast_in_dim3A_41 : f32 to vector<16xf32>
    %swap3A_43 = arith.constant 96 : index
    %swap3A_44 = tpu.vector_load %arg5[%swap3A_43] {strides = array<i32>} : memref<128xf32, #tpu.memory_space<vmem>>, vector<16xf32>,
    %swap3A_45 = vector.shape_cast %swap3A_44 : vector<16xf32> to vector<16xf32>
    %swap3A_46 = vector.shape_cast %broadcast_in_dim3A_42 : vector<16xf32> to vector<16xf32>
    tpu.vector_store %arg5[%swap3A_43], %swap3A_46 {strides = array<i32>} : memref<128xf32, #tpu.memory_space<vmem>>, vector<16xf32>,
    %broadcast_in_dim3A_47 = arith.constant 1.000000e+00 : f32
    %broadcast_in_dim3A_48 = vector.broadcast %broadcast_in_dim3A_47 : f32 to vector<16xf32>
    %swap3A_49 = arith.constant 112 : index
    %swap3A_50 = tpu.vector_load %arg5[%swap3A_49] {strides = array<i32>} : memref<128xf32, #tpu.memory_space<vmem>>, vector<16xf32>,
    %swap3A_51 = vector.shape_cast %swap3A_50 : vector<16xf32> to vector<16xf32>
    %swap3A_52 = vector.shape_cast %broadcast_in_dim3A_48 : vector<16xf32> to vector<16xf32>
    tpu.vector_store %arg5[%swap3A_49], %swap3A_52 {strides = array<i32>} : memref<128xf32, #tpu.memory_space<vmem>>, vector<16xf32>,
    %mul3A_53 = arith.constant 80 : i32
    %mul3A_54 = arith.muli %add3A, %mul3A_53 : i32
    "tpu.region"() ({
      %run_scoped3A = tpu.sem_alloc : memref<!tpu.dma_semaphore, #tpu.memory_space<semaphore_mem>>
      %dma_start3A = arith.constant 0 : i32
      %dma_start3A_69 = tpu.memref_slice %arg2[%mul3A_54, %dma_start3A] : memref<2560x128xi32, #tpu.memory_space<hbm>> -> memref<80x128xi32, #tpu.memory_space<hbm>>
      %dma_start3A_70 = arith.constant 0 : i32
      %dma_start3A_71 = tpu.memref_slice %arg2[%mul3A_54, %dma_start3A_70] : memref<2560x128xi32, #tpu.memory_space<hbm>> -> memref<80x128xi32, #tpu.memory_space<hbm>>
      tpu.enqueue_dma source(%dma_start3A_71 : memref<80x128xi32, #tpu.memory_space<hbm>>) target(%arg4 : memref<80x128xi32, #tpu.memory_space<vmem>>) target_semaphore(%run_scoped3A : memref<!tpu.dma_semaphore, #tpu.memory_space<semaphore_mem>>)
      %dma_wait3A = arith.constant 0 : i32
      %dma_wait3A_72 = tpu.memref_slice %arg2[%mul3A_54, %dma_wait3A] : memref<2560x128xi32, #tpu.memory_space<hbm>> -> memref<80x128xi32, #tpu.memory_space<hbm>>
      %dma_wait3A_73 = arith.constant 0 : i32
      %dma_wait3A_74 = tpu.memref_slice %arg2[%mul3A_54, %dma_wait3A_73] : memref<2560x128xi32, #tpu.memory_space<hbm>> -> memref<80x128xi32, #tpu.memory_space<hbm>>
      tpu.wait_dma2 semaphore(%run_scoped3A : memref<!tpu.dma_semaphore, #tpu.memory_space<semaphore_mem>>) src(%dma_wait3A_74 : memref<80x128xi32, #tpu.memory_space<hbm>>) dst(%arg4 : memref<80x128xi32, #tpu.memory_space<vmem>>)
      tpu.yield
    }) : () -> ()
    %mul3A_55 = arith.constant 640 : i32
    %mul3A_56 = arith.muli %arg1, %mul3A_55 : i32
    "tpu.region"() ({
      %run_scoped3A = tpu.sem_alloc : memref<!tpu.dma_semaphore, #tpu.memory_space<semaphore_mem>>
      %dma_start3A = tpu.memref_slice %arg15[%mul3A_56] : memref<10240xf32, #tpu.memory_space<vmem_shared>> -> memref<640xf32, #tpu.memory_space<vmem_shared>>
      %dma_start3A_69 = tpu.memref_slice %arg15[%mul3A_56] : memref<10240xf32, #tpu.memory_space<vmem_shared>> -> memref<640xf32, #tpu.memory_space<vmem_shared>>
      tpu.enqueue_dma source(%arg6 : memref<640xf32, #tpu.memory_space<vmem>>) target(%dma_start3A_69 : memref<640xf32, #tpu.memory_space<vmem_shared>>) target_semaphore(%run_scoped3A : memref<!tpu.dma_semaphore, #tpu.memory_space<semaphore_mem>>)
      %dma_wait3A = tpu.memref_slice %arg15[%mul3A_56] : memref<10240xf32, #tpu.memory_space<vmem_shared>> -> memref<640xf32, #tpu.memory_space<vmem_shared>>
      %dma_wait3A_70 = tpu.memref_slice %arg15[%mul3A_56] : memref<10240xf32, #tpu.memory_space<vmem_shared>> -> memref<640xf32, #tpu.memory_space<vmem_shared>>
      tpu.wait_dma2 semaphore(%run_scoped3A : memref<!tpu.dma_semaphore, #tpu.memory_space<semaphore_mem>>) src(%arg6 : memref<640xf32, #tpu.memory_space<vmem>>) dst(%dma_wait3A_70 : memref<640xf32, #tpu.memory_space<vmem_shared>>)
      tpu.yield
    }) : () -> ()
    %barrier3A = arith.constant 0 : index
    tpu.barrier barrier_id(%barrier3A)
    %scan3A_57 = arith.constant 0 : i32
    %scan3A_58 = arith.constant 0 : i32
    %scan3A_59 = arith.constant 10 : i32
    %scan3A_60 = arith.addi %scan3A_58, %scan3A_59 : i32
    %scan3A_61 = arith.constant 1 : i32
    %scan3A_62 = scf.for %scan3A_69 = %scan3A_58 to %scan3A_60 step %scan3A_61 iter_args(%scan3A_70 = %scan3A_57) -> (i32)  : i32 {
      %mul3A_71 = arith.constant 8 : i32
      %mul3A_72 = arith.muli %mul3A_71, %scan3A_69 : i32
      %add3A_73 = arith.constant 0 : i32
      %add3A_74 = arith.addi %mul3A_72, %add3A_73 : i32
      %dma_start3A = arith.constant 0 : i32
      %dma_start3A_75 = tpu.memref_slice %arg4[%add3A_74, %dma_start3A] : memref<80x128xi32, #tpu.memory_space<vmem>> -> memref<1x128xi32, #tpu.memory_space<vmem>>
      %dma_start3A_76 = tpu.memref_squeeze %dma_start3A_75 : memref<1x128xi32, #tpu.memory_space<vmem>> -> memref<128xi32, #tpu.memory_space<vmem>>
      %dma_start3A_77 = arith.constant 0 : i32
      %dma_start3A_78 = tpu.memref_slice %arg15[%dma_start3A_77] : memref<10240xf32, #tpu.memory_space<vmem_shared>> -> memref<10240xf32, #tpu.memory_space<vmem_shared>>
      tpu.enqueue_indirect_dma source(%arg5 : memref<128xf32, #tpu.memory_space<vmem>>) target(%dma_start3A_78 : memref<10240xf32, #tpu.memory_space<vmem_shared>>) offsets(%dma_start3A_76 : memref<128xi32, #tpu.memory_space<vmem>>) semaphore(%arg7 : memref<!tpu.dma_semaphore, #tpu.memory_space<semaphore_mem>>) {add = true}
      %mul3A_79 = arith.constant 8 : i32
      %mul3A_80 = arith.muli %mul3A_79, %scan3A_69 : i32
      %add3A_81 = arith.constant 1 : i32
      %add3A_82 = arith.addi %mul3A_80, %add3A_81 : i32
      %dma_start3A_83 = arith.constant 0 : i32
      %dma_start3A_84 = tpu.memref_slice %arg4[%add3A_82, %dma_start3A_83] : memref<80x128xi32, #tpu.memory_space<vmem>> -> memref<1x128xi32, #tpu.memory_space<vmem>>
      %dma_start3A_85 = tpu.memref_squeeze %dma_start3A_84 : memref<1x128xi32, #tpu.memory_space<vmem>> -> memref<128xi32, #tpu.memory_space<vmem>>
      %dma_start3A_86 = arith.constant 0 : i32
      %dma_start3A_87 = tpu.memref_slice %arg15[%dma_start3A_86] : memref<10240xf32, #tpu.memory_space<vmem_shared>> -> memref<10240xf32, #tpu.memory_space<vmem_shared>>
      tpu.enqueue_indirect_dma source(%arg5 : memref<128xf32, #tpu.memory_space<vmem>>) target(%dma_start3A_87 : memref<10240xf32, #tpu.memory_space<vmem_shared>>) offsets(%dma_start3A_85 : memref<128xi32, #tpu.memory_space<vmem>>) semaphore(%arg8 : memref<!tpu.dma_semaphore, #tpu.memory_space<semaphore_mem>>) {add = true}
      %mul3A_88 = arith.constant 8 : i32
      %mul3A_89 = arith.muli %mul3A_88, %scan3A_69 : i32
      %add3A_90 = arith.constant 2 : i32
      %add3A_91 = arith.addi %mul3A_89, %add3A_90 : i32
      %dma_start3A_92 = arith.constant 0 : i32
      %dma_start3A_93 = tpu.memref_slice %arg4[%add3A_91, %dma_start3A_92] : memref<80x128xi32, #tpu.memory_space<vmem>> -> memref<1x128xi32, #tpu.memory_space<vmem>>
      %dma_start3A_94 = tpu.memref_squeeze %dma_start3A_93 : memref<1x128xi32, #tpu.memory_space<vmem>> -> memref<128xi32, #tpu.memory_space<vmem>>
      %dma_start3A_95 = arith.constant 0 : i32
      %dma_start3A_96 = tpu.memref_slice %arg15[%dma_start3A_95] : memref<10240xf32, #tpu.memory_space<vmem_shared>> -> memref<10240xf32, #tpu.memory_space<vmem_shared>>
      tpu.enqueue_indirect_dma source(%arg5 : memref<128xf32, #tpu.memory_space<vmem>>) target(%dma_start3A_96 : memref<10240xf32, #tpu.memory_space<vmem_shared>>) offsets(%dma_start3A_94 : memref<128xi32, #tpu.memory_space<vmem>>) semaphore(%arg9 : memref<!tpu.dma_semaphore, #tpu.memory_space<semaphore_mem>>) {add = true}
      %mul3A_97 = arith.constant 8 : i32
      %mul3A_98 = arith.muli %mul3A_97, %scan3A_69 : i32
      %add3A_99 = arith.constant 3 : i32
      %add3A_100 = arith.addi %mul3A_98, %add3A_99 : i32
      %dma_start3A_101 = arith.constant 0 : i32
      %dma_start3A_102 = tpu.memref_slice %arg4[%add3A_100, %dma_start3A_101] : memref<80x128xi32, #tpu.memory_space<vmem>> -> memref<1x128xi32, #tpu.memory_space<vmem>>
      %dma_start3A_103 = tpu.memref_squeeze %dma_start3A_102 : memref<1x128xi32, #tpu.memory_space<vmem>> -> memref<128xi32, #tpu.memory_space<vmem>>
      %dma_start3A_104 = arith.constant 0 : i32
      %dma_start3A_105 = tpu.memref_slice %arg15[%dma_start3A_104] : memref<10240xf32, #tpu.memory_space<vmem_shared>> -> memref<10240xf32, #tpu.memory_space<vmem_shared>>
      tpu.enqueue_indirect_dma source(%arg5 : memref<128xf32, #tpu.memory_space<vmem>>) target(%dma_start3A_105 : memref<10240xf32, #tpu.memory_space<vmem_shared>>) offsets(%dma_start3A_103 : memref<128xi32, #tpu.memory_space<vmem>>) semaphore(%arg10 : memref<!tpu.dma_semaphore, #tpu.memory_space<semaphore_mem>>) {add = true}
      %mul3A_106 = arith.constant 8 : i32
      %mul3A_107 = arith.muli %mul3A_106, %scan3A_69 : i32
      %add3A_108 = arith.constant 4 : i32
      %add3A_109 = arith.addi %mul3A_107, %add3A_108 : i32
      %dma_start3A_110 = arith.constant 0 : i32
      %dma_start3A_111 = tpu.memref_slice %arg4[%add3A_109, %dma_start3A_110] : memref<80x128xi32, #tpu.memory_space<vmem>> -> memref<1x128xi32, #tpu.memory_space<vmem>>
      %dma_start3A_112 = tpu.memref_squeeze %dma_start3A_111 : memref<1x128xi32, #tpu.memory_space<vmem>> -> memref<128xi32, #tpu.memory_space<vmem>>
      %dma_start3A_113 = arith.constant 0 : i32
      %dma_start3A_114 = tpu.memref_slice %arg15[%dma_start3A_113] : memref<10240xf32, #tpu.memory_space<vmem_shared>> -> memref<10240xf32, #tpu.memory_space<vmem_shared>>
      tpu.enqueue_indirect_dma source(%arg5 : memref<128xf32, #tpu.memory_space<vmem>>) target(%dma_start3A_114 : memref<10240xf32, #tpu.memory_space<vmem_shared>>) offsets(%dma_start3A_112 : memref<128xi32, #tpu.memory_space<vmem>>) semaphore(%arg11 : memref<!tpu.dma_semaphore, #tpu.memory_space<semaphore_mem>>) {add = true}
      %mul3A_115 = arith.constant 8 : i32
      %mul3A_116 = arith.muli %mul3A_115, %scan3A_69 : i32
      %add3A_117 = arith.constant 5 : i32
      %add3A_118 = arith.addi %mul3A_116, %add3A_117 : i32
      %dma_start3A_119 = arith.constant 0 : i32
      %dma_start3A_120 = tpu.memref_slice %arg4[%add3A_118, %dma_start3A_119] : memref<80x128xi32, #tpu.memory_space<vmem>> -> memref<1x128xi32, #tpu.memory_space<vmem>>
      %dma_start3A_121 = tpu.memref_squeeze %dma_start3A_120 : memref<1x128xi32, #tpu.memory_space<vmem>> -> memref<128xi32, #tpu.memory_space<vmem>>
      %dma_start3A_122 = arith.constant 0 : i32
      %dma_start3A_123 = tpu.memref_slice %arg15[%dma_start3A_122] : memref<10240xf32, #tpu.memory_space<vmem_shared>> -> memref<10240xf32, #tpu.memory_space<vmem_shared>>
      tpu.enqueue_indirect_dma source(%arg5 : memref<128xf32, #tpu.memory_space<vmem>>) target(%dma_start3A_123 : memref<10240xf32, #tpu.memory_space<vmem_shared>>) offsets(%dma_start3A_121 : memref<128xi32, #tpu.memory_space<vmem>>) semaphore(%arg12 : memref<!tpu.dma_semaphore, #tpu.memory_space<semaphore_mem>>) {add = true}
      %mul3A_124 = arith.constant 8 : i32
      %mul3A_125 = arith.muli %mul3A_124, %scan3A_69 : i32
      %add3A_126 = arith.constant 6 : i32
      %add3A_127 = arith.addi %mul3A_125, %add3A_126 : i32
      %dma_start3A_128 = arith.constant 0 : i32
      %dma_start3A_129 = tpu.memref_slice %arg4[%add3A_127, %dma_start3A_128] : memref<80x128xi32, #tpu.memory_space<vmem>> -> memref<1x128xi32, #tpu.memory_space<vmem>>
      %dma_start3A_130 = tpu.memref_squeeze %dma_start3A_129 : memref<1x128xi32, #tpu.memory_space<vmem>> -> memref<128xi32, #tpu.memory_space<vmem>>
      %dma_start3A_131 = arith.constant 0 : i32
      %dma_start3A_132 = tpu.memref_slice %arg15[%dma_start3A_131] : memref<10240xf32, #tpu.memory_space<vmem_shared>> -> memref<10240xf32, #tpu.memory_space<vmem_shared>>
      tpu.enqueue_indirect_dma source(%arg5 : memref<128xf32, #tpu.memory_space<vmem>>) target(%dma_start3A_132 : memref<10240xf32, #tpu.memory_space<vmem_shared>>) offsets(%dma_start3A_130 : memref<128xi32, #tpu.memory_space<vmem>>) semaphore(%arg13 : memref<!tpu.dma_semaphore, #tpu.memory_space<semaphore_mem>>) {add = true}
      %mul3A_133 = arith.constant 8 : i32
      %mul3A_134 = arith.muli %mul3A_133, %scan3A_69 : i32
      %add3A_135 = arith.constant 7 : i32
      %add3A_136 = arith.addi %mul3A_134, %add3A_135 : i32
      %dma_start3A_137 = arith.constant 0 : i32
      %dma_start3A_138 = tpu.memref_slice %arg4[%add3A_136, %dma_start3A_137] : memref<80x128xi32, #tpu.memory_space<vmem>> -> memref<1x128xi32, #tpu.memory_space<vmem>>
      %dma_start3A_139 = tpu.memref_squeeze %dma_start3A_138 : memref<1x128xi32, #tpu.memory_space<vmem>> -> memref<128xi32, #tpu.memory_space<vmem>>
      %dma_start3A_140 = arith.constant 0 : i32
      %dma_start3A_141 = tpu.memref_slice %arg15[%dma_start3A_140] : memref<10240xf32, #tpu.memory_space<vmem_shared>> -> memref<10240xf32, #tpu.memory_space<vmem_shared>>
      tpu.enqueue_indirect_dma source(%arg5 : memref<128xf32, #tpu.memory_space<vmem>>) target(%dma_start3A_141 : memref<10240xf32, #tpu.memory_space<vmem_shared>>) offsets(%dma_start3A_139 : memref<128xi32, #tpu.memory_space<vmem>>) semaphore(%arg14 : memref<!tpu.dma_semaphore, #tpu.memory_space<semaphore_mem>>) {add = true}
      %dma_wait3A = arith.constant 0 : i32
      %dma_wait3A_142 = tpu.memref_slice %arg4[%add3A_74, %dma_wait3A] : memref<80x128xi32, #tpu.memory_space<vmem>> -> memref<1x128xi32, #tpu.memory_space<vmem>>
      %dma_wait3A_143 = tpu.memref_squeeze %dma_wait3A_142 : memref<1x128xi32, #tpu.memory_space<vmem>> -> memref<128xi32, #tpu.memory_space<vmem>>
      %dma_wait3A_144 = arith.constant 0 : i32
      %dma_wait3A_145 = tpu.memref_slice %arg15[%dma_wait3A_144] : memref<10240xf32, #tpu.memory_space<vmem_shared>> -> memref<10240xf32, #tpu.memory_space<vmem_shared>>
      tpu.wait_indirect_dma semaphore(%arg7 : memref<!tpu.dma_semaphore, #tpu.memory_space<semaphore_mem>>) src(%arg5 : memref<128xf32, #tpu.memory_space<vmem>>) dst(%dma_wait3A_145 : memref<10240xf32, #tpu.memory_space<vmem_shared>>)
      %dma_wait3A_146 = arith.constant 0 : i32
      %dma_wait3A_147 = tpu.memref_slice %arg4[%add3A_82, %dma_wait3A_146] : memref<80x128xi32, #tpu.memory_space<vmem>> -> memref<1x128xi32, #tpu.memory_space<vmem>>
      %dma_wait3A_148 = tpu.memref_squeeze %dma_wait3A_147 : memref<1x128xi32, #tpu.memory_space<vmem>> -> memref<128xi32, #tpu.memory_space<vmem>>
      %dma_wait3A_149 = arith.constant 0 : i32
      %dma_wait3A_150 = tpu.memref_slice %arg15[%dma_wait3A_149] : memref<10240xf32, #tpu.memory_space<vmem_shared>> -> memref<10240xf32, #tpu.memory_space<vmem_shared>>
      tpu.wait_indirect_dma semaphore(%arg8 : memref<!tpu.dma_semaphore, #tpu.memory_space<semaphore_mem>>) src(%arg5 : memref<128xf32, #tpu.memory_space<vmem>>) dst(%dma_wait3A_150 : memref<10240xf32, #tpu.memory_space<vmem_shared>>)
      %dma_wait3A_151 = arith.constant 0 : i32
      %dma_wait3A_152 = tpu.memref_slice %arg4[%add3A_91, %dma_wait3A_151] : memref<80x128xi32, #tpu.memory_space<vmem>> -> memref<1x128xi32, #tpu.memory_space<vmem>>
      %dma_wait3A_153 = tpu.memref_squeeze %dma_wait3A_152 : memref<1x128xi32, #tpu.memory_space<vmem>> -> memref<128xi32, #tpu.memory_space<vmem>>
      %dma_wait3A_154 = arith.constant 0 : i32
      %dma_wait3A_155 = tpu.memref_slice %arg15[%dma_wait3A_154] : memref<10240xf32, #tpu.memory_space<vmem_shared>> -> memref<10240xf32, #tpu.memory_space<vmem_shared>>
      tpu.wait_indirect_dma semaphore(%arg9 : memref<!tpu.dma_semaphore, #tpu.memory_space<semaphore_mem>>) src(%arg5 : memref<128xf32, #tpu.memory_space<vmem>>) dst(%dma_wait3A_155 : memref<10240xf32, #tpu.memory_space<vmem_shared>>)
      %dma_wait3A_156 = arith.constant 0 : i32
      %dma_wait3A_157 = tpu.memref_slice %arg4[%add3A_100, %dma_wait3A_156] : memref<80x128xi32, #tpu.memory_space<vmem>> -> memref<1x128xi32, #tpu.memory_space<vmem>>
      %dma_wait3A_158 = tpu.memref_squeeze %dma_wait3A_157 : memref<1x128xi32, #tpu.memory_space<vmem>> -> memref<128xi32, #tpu.memory_space<vmem>>
      %dma_wait3A_159 = arith.constant 0 : i32
      %dma_wait3A_160 = tpu.memref_slice %arg15[%dma_wait3A_159] : memref<10240xf32, #tpu.memory_space<vmem_shared>> -> memref<10240xf32, #tpu.memory_space<vmem_shared>>
      tpu.wait_indirect_dma semaphore(%arg10 : memref<!tpu.dma_semaphore, #tpu.memory_space<semaphore_mem>>) src(%arg5 : memref<128xf32, #tpu.memory_space<vmem>>) dst(%dma_wait3A_160 : memref<10240xf32, #tpu.memory_space<vmem_shared>>)
      %dma_wait3A_161 = arith.constant 0 : i32
      %dma_wait3A_162 = tpu.memref_slice %arg4[%add3A_109, %dma_wait3A_161] : memref<80x128xi32, #tpu.memory_space<vmem>> -> memref<1x128xi32, #tpu.memory_space<vmem>>
      %dma_wait3A_163 = tpu.memref_squeeze %dma_wait3A_162 : memref<1x128xi32, #tpu.memory_space<vmem>> -> memref<128xi32, #tpu.memory_space<vmem>>
      %dma_wait3A_164 = arith.constant 0 : i32
      %dma_wait3A_165 = tpu.memref_slice %arg15[%dma_wait3A_164] : memref<10240xf32, #tpu.memory_space<vmem_shared>> -> memref<10240xf32, #tpu.memory_space<vmem_shared>>
      tpu.wait_indirect_dma semaphore(%arg11 : memref<!tpu.dma_semaphore, #tpu.memory_space<semaphore_mem>>) src(%arg5 : memref<128xf32, #tpu.memory_space<vmem>>) dst(%dma_wait3A_165 : memref<10240xf32, #tpu.memory_space<vmem_shared>>)
      %dma_wait3A_166 = arith.constant 0 : i32
      %dma_wait3A_167 = tpu.memref_slice %arg4[%add3A_118, %dma_wait3A_166] : memref<80x128xi32, #tpu.memory_space<vmem>> -> memref<1x128xi32, #tpu.memory_space<vmem>>
      %dma_wait3A_168 = tpu.memref_squeeze %dma_wait3A_167 : memref<1x128xi32, #tpu.memory_space<vmem>> -> memref<128xi32, #tpu.memory_space<vmem>>
      %dma_wait3A_169 = arith.constant 0 : i32
      %dma_wait3A_170 = tpu.memref_slice %arg15[%dma_wait3A_169] : memref<10240xf32, #tpu.memory_space<vmem_shared>> -> memref<10240xf32, #tpu.memory_space<vmem_shared>>
      tpu.wait_indirect_dma semaphore(%arg12 : memref<!tpu.dma_semaphore, #tpu.memory_space<semaphore_mem>>) src(%arg5 : memref<128xf32, #tpu.memory_space<vmem>>) dst(%dma_wait3A_170 : memref<10240xf32, #tpu.memory_space<vmem_shared>>)
      %dma_wait3A_171 = arith.constant 0 : i32
      %dma_wait3A_172 = tpu.memref_slice %arg4[%add3A_127, %dma_wait3A_171] : memref<80x128xi32, #tpu.memory_space<vmem>> -> memref<1x128xi32, #tpu.memory_space<vmem>>
      %dma_wait3A_173 = tpu.memref_squeeze %dma_wait3A_172 : memref<1x128xi32, #tpu.memory_space<vmem>> -> memref<128xi32, #tpu.memory_space<vmem>>
      %dma_wait3A_174 = arith.constant 0 : i32
      %dma_wait3A_175 = tpu.memref_slice %arg15[%dma_wait3A_174] : memref<10240xf32, #tpu.memory_space<vmem_shared>> -> memref<10240xf32, #tpu.memory_space<vmem_shared>>
      tpu.wait_indirect_dma semaphore(%arg13 : memref<!tpu.dma_semaphore, #tpu.memory_space<semaphore_mem>>) src(%arg5 : memref<128xf32, #tpu.memory_space<vmem>>) dst(%dma_wait3A_175 : memref<10240xf32, #tpu.memory_space<vmem_shared>>)
      %dma_wait3A_176 = arith.constant 0 : i32
      %dma_wait3A_177 = tpu.memref_slice %arg4[%add3A_136, %dma_wait3A_176] : memref<80x128xi32, #tpu.memory_space<vmem>> -> memref<1x128xi32, #tpu.memory_space<vmem>>
      %dma_wait3A_178 = tpu.memref_squeeze %dma_wait3A_177 : memref<1x128xi32, #tpu.memory_space<vmem>> -> memref<128xi32, #tpu.memory_space<vmem>>
      %dma_wait3A_179 = arith.constant 0 : i32
      %dma_wait3A_180 = tpu.memref_slice %arg15[%dma_wait3A_179] : memref<10240xf32, #tpu.memory_space<vmem_shared>> -> memref<10240xf32, #tpu.memory_space<vmem_shared>>
      tpu.wait_indirect_dma semaphore(%arg14 : memref<!tpu.dma_semaphore, #tpu.memory_space<semaphore_mem>>) src(%arg5 : memref<128xf32, #tpu.memory_space<vmem>>) dst(%dma_wait3A_180 : memref<10240xf32, #tpu.memory_space<vmem_shared>>)
      %scan3A_181 = arith.constant 0 : i32
      scf.yield %scan3A_181 : i32
    }
    %scan3A_63 = arith.constant 10 : i32
    %barrier3A_64 = arith.constant 0 : index
    tpu.barrier barrier_id(%barrier3A_64)
    %mul3A_65 = arith.constant 640 : i32
    %mul3A_66 = arith.muli %arg1, %mul3A_65 : i32
    %mul3A_67 = arith.constant 640 : i32
    %mul3A_68 = arith.muli %arg1, %mul3A_67 : i32
    "tpu.region"() ({
      %run_scoped3A = tpu.sem_alloc : memref<!tpu.dma_semaphore, #tpu.memory_space<semaphore_mem>>
      %dma_start3A = tpu.memref_slice %arg3[%arg0, %mul3A_68] : memref<2x10240xf32, #tpu.memory_space<hbm>> -> memref<1x640xf32, #tpu.memory_space<hbm>>
      %dma_start3A_69 = tpu.memref_squeeze %dma_start3A : memref<1x640xf32, #tpu.memory_space<hbm>> -> memref<640xf32, #tpu.memory_space<hbm>>
      %dma_start3A_70 = tpu.memref_slice %arg15[%mul3A_66] : memref<10240xf32, #tpu.memory_space<vmem_shared>> -> memref<640xf32, #tpu.memory_space<vmem_shared>>
      tpu.enqueue_dma source(%dma_start3A_70 : memref<640xf32, #tpu.memory_space<vmem_shared>>) target(%dma_start3A_69 : memref<640xf32, #tpu.memory_space<hbm>>) target_semaphore(%run_scoped3A : memref<!tpu.dma_semaphore, #tpu.memory_space<semaphore_mem>>)
      %dma_wait3A = tpu.memref_slice %arg3[%arg0, %mul3A_68] : memref<2x10240xf32, #tpu.memory_space<hbm>> -> memref<1x640xf32, #tpu.memory_space<hbm>>
      %dma_wait3A_71 = tpu.memref_squeeze %dma_wait3A : memref<1x640xf32, #tpu.memory_space<hbm>> -> memref<640xf32, #tpu.memory_space<hbm>>
      %dma_wait3A_72 = tpu.memref_slice %arg15[%mul3A_66] : memref<10240xf32, #tpu.memory_space<vmem_shared>> -> memref<640xf32, #tpu.memory_space<vmem_shared>>
      tpu.wait_dma2 semaphore(%run_scoped3A : memref<!tpu.dma_semaphore, #tpu.memory_space<semaphore_mem>>) src(%dma_wait3A_72 : memref<640xf32, #tpu.memory_space<vmem_shared>>) dst(%dma_wait3A_71 : memref<640xf32, #tpu.memory_space<hbm>>)
      tpu.yield
    }) : () -> ()
    return
  }
}

module attributes {stable_mosaic.version = 14 : i64} {
  func.func @_k1_body(%arg0: i32, %arg1: memref<2000x128xf32, #tpu.memory_space<vmem>>, %arg2: memref<128x64xf32, #tpu.memory_space<vmem>>, %arg3: memref<2000x2xf32, #tpu.memory_space<vmem>>, %arg4: memref<2000x64xf32, #tpu.memory_space<vmem>>, %arg5: memref<2000x1xf32, #tpu.memory_space<vmem>>) attributes {dimension_semantics = [#tpu.dimension_semantics<arbitrary>], iteration_bounds = array<i64: 5>, scalar_prefetch = 0 : i64, scratch_operands = 0 : i64, tpu.core_type = #tpu.core_type<tc>, window_params = [{transform_indices = @transform_0, window_bounds = array<i64: 2000, 128>}, {pipeline_mode = #tpu.pipeline_mode<synchronous>, transform_indices = @transform_1, window_bounds = array<i64: 128, 64>}, {transform_indices = @transform_2, window_bounds = array<i64: 2000, 2>}, {transform_indices = @transform_3, window_bounds = array<i64: 2000, 64>}, {transform_indices = @transform_4, window_bounds = array<i64: 2000, 1>}]} {
    %get3A = arith.constant 0 : index
    %get3A_0 = arith.constant 0 : index
    %get3A_1 = vector.load %arg3[%get3A, %get3A_0] : memref<2000x2xf32, #tpu.memory_space<vmem>>, vector<2000x1xf32>
    %get3A_2 = vector.shape_cast %get3A_1 : vector<2000x1xf32> to vector<2000xf32>
    %get3A_3 = arith.constant 0 : index
    %get3A_4 = arith.constant 1 : index
    %get3A_5 = vector.load %arg3[%get3A_3, %get3A_4] : memref<2000x2xf32, #tpu.memory_space<vmem>>, vector<2000x1xf32>
    %get3A_6 = vector.shape_cast %get3A_5 : vector<2000x1xf32> to vector<2000xf32>
    %add3A = arith.addf %get3A_2, %get3A_6 : vector<2000xf32>
    %add3A_7 = arith.constant 1.000000e+00 : f32
    %add3A_8 = vector.broadcast %add3A_7 : f32 to vector<2000xf32>
    %add3A_9 = arith.addf %add3A, %add3A_8 : vector<2000xf32>
    %rsqrt3A = math.rsqrt %add3A_9 : vector<2000xf32>
    %broadcast_in_dim3A = vector.shape_cast %rsqrt3A : vector<2000xf32> to vector<2000x1xf32>
    %get3A_10 = arith.constant 0 : index
    %get3A_11 = arith.constant 0 : index
    %get3A_12 = vector.load %arg1[%get3A_10, %get3A_11] : memref<2000x128xf32, #tpu.memory_space<vmem>>, vector<2000x128xf32>
    %get3A_13 = arith.constant 0 : index
    %get3A_14 = arith.constant 0 : index
    %get3A_15 = vector.load %arg2[%get3A_13, %get3A_14] : memref<128x64xf32, #tpu.memory_space<vmem>>, vector<128x64xf32>
    %dot_general3A = arith.constant dense<0.000000e+00> : vector<2000x64xf32>
    %dot_general3A_16 = tpu.matmul %get3A_12, %get3A_15, %dot_general3A {dimension_numbers = #tpu.dot_dimension_numbers<[1], [0], [0], [1], [0, 0, 1, 1], [], []>, transpose_lhs_hint = false} : vector<2000x128xf32>, vector<128x64xf32>, vector<2000x64xf32> -> vector<2000x64xf32>
    %mul3A = vector.broadcast %broadcast_in_dim3A : vector<2000x1xf32> to vector<2000x64xf32>
    %mul3A_17 = arith.mulf %dot_general3A_16, %mul3A : vector<2000x64xf32>
    %swap3A = arith.constant 0 : index
    %swap3A_18 = arith.constant 0 : index
    %swap3A_19 = vector.load %arg4[%swap3A, %swap3A_18] : memref<2000x64xf32, #tpu.memory_space<vmem>>, vector<2000x64xf32>
    tpu.vector_store %arg4[%swap3A, %swap3A_18], %mul3A_17 {strides = array<i32>} : memref<2000x64xf32, #tpu.memory_space<vmem>>, vector<2000x64xf32>,
    %swap3A_20 = arith.constant 0 : index
    %swap3A_21 = arith.constant 0 : index
    %swap3A_22 = vector.load %arg5[%swap3A_20, %swap3A_21] : memref<2000x1xf32, #tpu.memory_space<vmem>>, vector<2000x1xf32>
    tpu.vector_store %arg5[%swap3A_20, %swap3A_21], %broadcast_in_dim3A {strides = array<i32>} : memref<2000x1xf32, #tpu.memory_space<vmem>>, vector<2000x1xf32>,
    return
  }
  func.func @transform_0(%arg0: i32) -> (i32, i32) {
    %c0_i32 = arith.constant 0 : i32
    %c0_i32_0 = arith.constant 0 : i32
    return %arg0, %c0_i32 : i32, i32
  }
  func.func @transform_1(%arg0: i32) -> (i32, i32) {
    %c0_i32 = arith.constant 0 : i32
    %c0_i32_0 = arith.constant 0 : i32
    %c0_i32_1 = arith.constant 0 : i32
    return %c0_i32, %c0_i32_0 : i32, i32
  }
  func.func @transform_2(%arg0: i32) -> (i32, i32) {
    %c0_i32 = arith.constant 0 : i32
    %c0_i32_0 = arith.constant 0 : i32
    return %arg0, %c0_i32 : i32, i32
  }
  func.func @transform_3(%arg0: i32) -> (i32, i32) {
    %c0_i32 = arith.constant 0 : i32
    %c0_i32_0 = arith.constant 0 : i32
    return %arg0, %c0_i32 : i32, i32
  }
  func.func @transform_4(%arg0: i32) -> (i32, i32) {
    %c0_i32 = arith.constant 0 : i32
    %c0_i32_0 = arith.constant 0 : i32
    return %arg0, %c0_i32 : i32, i32
  }
}

module attributes {stable_mosaic.version = 14 : i64} {
  func.func @_k3_body(%arg0: i32, %arg1: memref<2x2000x64xf32, #tpu.memory_space<vmem>>, %arg2: memref<2000x64xf32, #tpu.memory_space<vmem>>, %arg3: memref<2000x1xf32, #tpu.memory_space<vmem>>, %arg4: memref<1x64xf32, #tpu.memory_space<vmem>>, %arg5: memref<64x16xf32, #tpu.memory_space<vmem>>, %arg6: memref<2000x16xf32, #tpu.memory_space<vmem>>) attributes {dimension_semantics = [#tpu.dimension_semantics<arbitrary>], iteration_bounds = array<i64: 5>, scalar_prefetch = 0 : i64, scratch_operands = 0 : i64, tpu.core_type = #tpu.core_type<tc>, window_params = [{transform_indices = @transform_0, window_bounds = array<i64: 2, 2000, 64>}, {transform_indices = @transform_1, window_bounds = array<i64: 2000, 64>}, {transform_indices = @transform_2, window_bounds = array<i64: 2000, 1>}, {pipeline_mode = #tpu.pipeline_mode<synchronous>, transform_indices = @transform_3, window_bounds = array<i64: 1, 64>}, {pipeline_mode = #tpu.pipeline_mode<synchronous>, transform_indices = @transform_4, window_bounds = array<i64: 64, 16>}, {transform_indices = @transform_5, window_bounds = array<i64: 2000, 16>}]} {
    %get3A = arith.constant 0 : index
    %get3A_0 = arith.constant 0 : index
    %get3A_1 = vector.load %arg3[%get3A, %get3A_0] : memref<2000x1xf32, #tpu.memory_space<vmem>>, vector<2000x1xf32>
    %get3A_2 = arith.constant 0 : index
    %get3A_3 = arith.constant 0 : index
    %get3A_4 = arith.constant 0 : index
    %get3A_5 = vector.load %arg1[%get3A_2, %get3A_3, %get3A_4] : memref<2x2000x64xf32, #tpu.memory_space<vmem>>, vector<1x2000x64xf32>
    %get3A_6 = vector.shape_cast %get3A_5 : vector<1x2000x64xf32> to vector<2000x64xf32>
    %get3A_7 = arith.constant 1 : index
    %get3A_8 = arith.constant 0 : index
    %get3A_9 = arith.constant 0 : index
    %get3A_10 = vector.load %arg1[%get3A_7, %get3A_8, %get3A_9] : memref<2x2000x64xf32, #tpu.memory_space<vmem>>, vector<1x2000x64xf32>
    %get3A_11 = vector.shape_cast %get3A_10 : vector<1x2000x64xf32> to vector<2000x64xf32>
    %add3A = arith.addf %get3A_6, %get3A_11 : vector<2000x64xf32>
    %get3A_12 = arith.constant 0 : index
    %get3A_13 = arith.constant 0 : index
    %get3A_14 = vector.load %arg2[%get3A_12, %get3A_13] : memref<2000x64xf32, #tpu.memory_space<vmem>>, vector<2000x64xf32>
    %add3A_15 = arith.addf %add3A, %get3A_14 : vector<2000x64xf32>
    %mul3A = vector.broadcast %get3A_1 : vector<2000x1xf32> to vector<2000x64xf32>
    %mul3A_16 = arith.mulf %add3A_15, %mul3A : vector<2000x64xf32>
    %get3A_17 = arith.constant 0 : index
    %get3A_18 = arith.constant 0 : index
    %get3A_19 = vector.load %arg4[%get3A_17, %get3A_18] : memref<1x64xf32, #tpu.memory_space<vmem>>, vector<1x64xf32>
    %add3A_20 = vector.broadcast %get3A_19 : vector<1x64xf32> to vector<2000x64xf32>
    %add3A_21 = arith.addf %mul3A_16, %add3A_20 : vector<2000x64xf32>
    %ge3A = arith.constant 0.000000e+00 : f32
    %ge3A_22 = vector.broadcast %ge3A : f32 to vector<2000x64xf32>
    %ge3A_23 = arith.cmpf oge, %add3A_21, %ge3A_22 : vector<2000x64xf32>
    %mul3A_24 = arith.constant 0.00999999977 : f32
    %mul3A_25 = vector.broadcast %mul3A_24 : f32 to vector<2000x64xf32>
    %mul3A_26 = arith.mulf %mul3A_25, %add3A_21 : vector<2000x64xf32>
    %select_n3A = arith.select %ge3A_23, %add3A_21, %mul3A_26 : vector<2000x64xi1>, vector<2000x64xf32>
    %get3A_27 = arith.constant 0 : index
    %get3A_28 = arith.constant 0 : index
    %get3A_29 = vector.load %arg5[%get3A_27, %get3A_28] : memref<64x16xf32, #tpu.memory_space<vmem>>, vector<64x16xf32>
    %dot_general3A = arith.constant dense<0.000000e+00> : vector<2000x16xf32>
    %dot_general3A_30 = tpu.matmul %select_n3A, %get3A_29, %dot_general3A {dimension_numbers = #tpu.dot_dimension_numbers<[1], [0], [0], [1], [0, 0, 1, 1], [], []>, transpose_lhs_hint = false} : vector<2000x64xf32>, vector<64x16xf32>, vector<2000x16xf32> -> vector<2000x16xf32>
    %mul3A_31 = vector.broadcast %get3A_1 : vector<2000x1xf32> to vector<2000x16xf32>
    %mul3A_32 = arith.mulf %dot_general3A_30, %mul3A_31 : vector<2000x16xf32>
    %swap3A = arith.constant 0 : index
    %swap3A_33 = arith.constant 0 : index
    %swap3A_34 = vector.load %arg6[%swap3A, %swap3A_33] : memref<2000x16xf32, #tpu.memory_space<vmem>>, vector<2000x16xf32>
    tpu.vector_store %arg6[%swap3A, %swap3A_33], %mul3A_32 {strides = array<i32>} : memref<2000x16xf32, #tpu.memory_space<vmem>>, vector<2000x16xf32>,
    return
  }
  func.func @transform_0(%arg0: i32) -> (i32, i32, i32) {
    %c0_i32 = arith.constant 0 : i32
    %c0_i32_0 = arith.constant 0 : i32
    %c0_i32_1 = arith.constant 0 : i32
    return %c0_i32, %arg0, %c0_i32_0 : i32, i32, i32
  }
  func.func @transform_1(%arg0: i32) -> (i32, i32) {
    %c0_i32 = arith.constant 0 : i32
    %c0_i32_0 = arith.constant 0 : i32
    return %arg0, %c0_i32 : i32, i32
  }
  func.func @transform_2(%arg0: i32) -> (i32, i32) {
    %c0_i32 = arith.constant 0 : i32
    %c0_i32_0 = arith.constant 0 : i32
    return %arg0, %c0_i32 : i32, i32
  }
  func.func @transform_3(%arg0: i32) -> (i32, i32) {
    %c0_i32 = arith.constant 0 : i32
    %c0_i32_0 = arith.constant 0 : i32
    %c0_i32_1 = arith.constant 0 : i32
    return %c0_i32, %c0_i32_0 : i32, i32
  }
  func.func @transform_4(%arg0: i32) -> (i32, i32) {
    %c0_i32 = arith.constant 0 : i32
    %c0_i32_0 = arith.constant 0 : i32
    %c0_i32_1 = arith.constant 0 : i32
    return %c0_i32, %c0_i32_0 : i32, i32
  }
  func.func @transform_5(%arg0: i32) -> (i32, i32) {
    %c0_i32 = arith.constant 0 : i32
    %c0_i32_0 = arith.constant 0 : i32
    return %arg0, %c0_i32 : i32, i32
  }
}

module attributes {stable_mosaic.version = 14 : i64} {
  func.func @_k5_body(%arg0: i32, %arg1: memref<2x2000x16xf32, #tpu.memory_space<vmem>>, %arg2: memref<2000x16xf32, #tpu.memory_space<vmem>>, %arg3: memref<2000x1xf32, #tpu.memory_space<vmem>>, %arg4: memref<1x16xf32, #tpu.memory_space<vmem>>, %arg5: memref<2000x1xi32, #tpu.memory_space<vmem>>, %arg6: memref<16x32xf32, #tpu.memory_space<vmem>>, %arg7: memref<1x32xf32, #tpu.memory_space<vmem>>, %arg8: memref<32x10xf32, #tpu.memory_space<vmem>>, %arg9: memref<1x10xf32, #tpu.memory_space<vmem>>, %arg10: memref<64x10xf32, #tpu.memory_space<vmem>>, %arg11: memref<64x16xf32, #tpu.memory_space<vmem>>, %arg12: memref<64x1xf32, #tpu.memory_space<vmem>>) attributes {dimension_semantics = [#tpu.dimension_semantics<arbitrary>], iteration_bounds = array<i64: 5>, scalar_prefetch = 0 : i64, scratch_operands = 2 : i64, tpu.core_type = #tpu.core_type<tc>, window_params = [{transform_indices = @transform_0, window_bounds = array<i64: 2, 2000, 16>}, {transform_indices = @transform_1, window_bounds = array<i64: 2000, 16>}, {transform_indices = @transform_2, window_bounds = array<i64: 2000, 1>}, {pipeline_mode = #tpu.pipeline_mode<synchronous>, transform_indices = @transform_3, window_bounds = array<i64: 1, 16>}, {transform_indices = @transform_4, window_bounds = array<i64: 2000, 1>}, {pipeline_mode = #tpu.pipeline_mode<synchronous>, transform_indices = @transform_5, window_bounds = array<i64: 16, 32>}, {pipeline_mode = #tpu.pipeline_mode<synchronous>, transform_indices = @transform_6, window_bounds = array<i64: 1, 32>}, {pipeline_mode = #tpu.pipeline_mode<synchronous>, transform_indices = @transform_7, window_bounds = array<i64: 32, 10>}, {pipeline_mode = #tpu.pipeline_mode<synchronous>, transform_indices = @transform_8, window_bounds = array<i64: 1, 10>}, {pipeline_mode = #tpu.pipeline_mode<synchronous>, transform_indices = @transform_9, window_bounds = array<i64: 64, 10>}]} {
    %eq3A = arith.constant 0 : i32
    %eq3A_0 = arith.cmpi eq, %arg0, %eq3A : i32
    %convert_element_type3A = arith.extui %eq3A_0 : i1 to i32
    %cond3A = arith.constant 0 : i32
    %cond3A_1 = arith.cmpi ne, %convert_element_type3A, %cond3A : i32
    scf.if %cond3A_1 {
      %broadcast_in_dim3A_59 = arith.constant 0.000000e+00 : f32
      %broadcast_in_dim3A_60 = vector.broadcast %broadcast_in_dim3A_59 : f32 to vector<64x16xf32>
      %swap3A_61 = arith.constant 0 : index
      %swap3A_62 = arith.constant 0 : index
      %swap3A_63 = vector.load %arg11[%swap3A_61, %swap3A_62] : memref<64x16xf32, #tpu.memory_space<vmem>>, vector<64x16xf32>
      tpu.vector_store %arg11[%swap3A_61, %swap3A_62], %broadcast_in_dim3A_60 {strides = array<i32>} : memref<64x16xf32, #tpu.memory_space<vmem>>, vector<64x16xf32>,
      %broadcast_in_dim3A_64 = arith.constant 0.000000e+00 : f32
      %broadcast_in_dim3A_65 = vector.broadcast %broadcast_in_dim3A_64 : f32 to vector<64x1xf32>
      %swap3A_66 = arith.constant 0 : index
      %swap3A_67 = arith.constant 0 : index
      %swap3A_68 = vector.load %arg12[%swap3A_66, %swap3A_67] : memref<64x1xf32, #tpu.memory_space<vmem>>, vector<64x1xf32>
      tpu.vector_store %arg12[%swap3A_66, %swap3A_67], %broadcast_in_dim3A_65 {strides = array<i32>} : memref<64x1xf32, #tpu.memory_space<vmem>>, vector<64x1xf32>,
    } else {
    }
    %get3A = arith.constant 0 : index
    %get3A_2 = arith.constant 0 : index
    %get3A_3 = arith.constant 0 : index
    %get3A_4 = vector.load %arg1[%get3A, %get3A_2, %get3A_3] : memref<2x2000x16xf32, #tpu.memory_space<vmem>>, vector<1x2000x16xf32>
    %get3A_5 = vector.shape_cast %get3A_4 : vector<1x2000x16xf32> to vector<2000x16xf32>
    %get3A_6 = arith.constant 1 : index
    %get3A_7 = arith.constant 0 : index
    %get3A_8 = arith.constant 0 : index
    %get3A_9 = vector.load %arg1[%get3A_6, %get3A_7, %get3A_8] : memref<2x2000x16xf32, #tpu.memory_space<vmem>>, vector<1x2000x16xf32>
    %get3A_10 = vector.shape_cast %get3A_9 : vector<1x2000x16xf32> to vector<2000x16xf32>
    %add3A = arith.addf %get3A_5, %get3A_10 : vector<2000x16xf32>
    %get3A_11 = arith.constant 0 : index
    %get3A_12 = arith.constant 0 : index
    %get3A_13 = vector.load %arg2[%get3A_11, %get3A_12] : memref<2000x16xf32, #tpu.memory_space<vmem>>, vector<2000x16xf32>
    %add3A_14 = arith.addf %add3A, %get3A_13 : vector<2000x16xf32>
    %get3A_15 = arith.constant 0 : index
    %get3A_16 = arith.constant 0 : index
    %get3A_17 = vector.load %arg3[%get3A_15, %get3A_16] : memref<2000x1xf32, #tpu.memory_space<vmem>>, vector<2000x1xf32>
    %mul3A = vector.broadcast %get3A_17 : vector<2000x1xf32> to vector<2000x16xf32>
    %mul3A_18 = arith.mulf %add3A_14, %mul3A : vector<2000x16xf32>
    %get3A_19 = arith.constant 0 : index
    %get3A_20 = arith.constant 0 : index
    %get3A_21 = vector.load %arg4[%get3A_19, %get3A_20] : memref<1x16xf32, #tpu.memory_space<vmem>>, vector<1x16xf32>
    %add3A_22 = vector.broadcast %get3A_21 : vector<1x16xf32> to vector<2000x16xf32>
    %add3A_23 = arith.addf %mul3A_18, %add3A_22 : vector<2000x16xf32>
    %ge3A = arith.constant 0.000000e+00 : f32
    %ge3A_24 = vector.broadcast %ge3A : f32 to vector<2000x16xf32>
    %ge3A_25 = arith.cmpf oge, %add3A_23, %ge3A_24 : vector<2000x16xf32>
    %mul3A_26 = arith.constant 0.00999999977 : f32
    %mul3A_27 = vector.broadcast %mul3A_26 : f32 to vector<2000x16xf32>
    %mul3A_28 = arith.mulf %mul3A_27, %add3A_23 : vector<2000x16xf32>
    %select_n3A = arith.select %ge3A_25, %add3A_23, %mul3A_28 : vector<2000x16xi1>, vector<2000x16xf32>
    %iota3A = tpu.iota {dimensions = array<i32: 1>} : vector<1x64xi32>
    %get3A_29 = arith.constant 0 : index
    %get3A_30 = arith.constant 0 : index
    %get3A_31 = vector.load %arg5[%get3A_29, %get3A_30] : memref<2000x1xi32, #tpu.memory_space<vmem>>, vector<2000x1xi32>
    %eq3A_32 = vector.broadcast %get3A_31 : vector<2000x1xi32> to vector<2000x64xi32>
    %eq3A_33 = vector.broadcast %iota3A : vector<1x64xi32> to vector<2000x64xi32>
    %eq3A_34 = arith.cmpi eq, %eq3A_32, %eq3A_33 : vector<2000x64xi32>
    %convert_element_type3A_35 = arith.extui %eq3A_34 : vector<2000x64xi1> to vector<2000x64xi32>
    %convert_element_type3A_36 = arith.sitofp %convert_element_type3A_35 : vector<2000x64xi32> to vector<2000x64xf32>
    %get3A_37 = arith.constant 0 : index
    %get3A_38 = arith.constant 0 : index
    %get3A_39 = vector.load %arg11[%get3A_37, %get3A_38] : memref<64x16xf32, #tpu.memory_space<vmem>>, vector<64x16xf32>
    %dot_general3A = arith.constant dense<0.000000e+00> : vector<64x16xf32>
    %dot_general3A_40 = tpu.matmul %convert_element_type3A_36, %select_n3A, %dot_general3A {dimension_numbers = #tpu.dot_dimension_numbers<[0], [0], [1], [1], [0, 1, 1, 1], [], []>, transpose_lhs_hint = false} : vector<2000x64xf32>, vector<2000x16xf32>, vector<64x16xf32> -> vector<64x16xf32>
    %add3A_41 = arith.addf %get3A_39, %dot_general3A_40 : vector<64x16xf32>
    %swap3A = arith.constant 0 : index
    %swap3A_42 = arith.constant 0 : index
    %swap3A_43 = vector.load %arg11[%swap3A, %swap3A_42] : memref<64x16xf32, #tpu.memory_space<vmem>>, vector<64x16xf32>
    tpu.vector_store %arg11[%swap3A, %swap3A_42], %add3A_41 {strides = array<i32>} : memref<64x16xf32, #tpu.memory_space<vmem>>, vector<64x16xf32>,
    %broadcast_in_dim3A = arith.constant 1.000000e+00 : f32
    %broadcast_in_dim3A_44 = vector.broadcast %broadcast_in_dim3A : f32 to vector<2000x1xf32>
    %get3A_45 = arith.constant 0 : index
    %get3A_46 = arith.constant 0 : index
    %get3A_47 = vector.load %arg12[%get3A_45, %get3A_46] : memref<64x1xf32, #tpu.memory_space<vmem>>, vector<64x1xf32>
    %dot_general3A_48 = arith.constant dense<0.000000e+00> : vector<64x1xf32>
    %dot_general3A_49 = tpu.matmul %convert_element_type3A_36, %broadcast_in_dim3A_44, %dot_general3A_48 {dimension_numbers = #tpu.dot_dimension_numbers<[0], [0], [1], [1], [0, 1, 1, 1], [], []>, transpose_lhs_hint = false} : vector<2000x64xf32>, vector<2000x1xf32>, vector<64x1xf32> -> vector<64x1xf32>
    %add3A_50 = arith.addf %get3A_47, %dot_general3A_49 : vector<64x1xf32>
    %swap3A_51 = arith.constant 0 : index
    %swap3A_52 = arith.constant 0 : index
    %swap3A_53 = vector.load %arg12[%swap3A_51, %swap3A_52] : memref<64x1xf32, #tpu.memory_space<vmem>>, vector<64x1xf32>
    tpu.vector_store %arg12[%swap3A_51, %swap3A_52], %add3A_50 {strides = array<i32>} : memref<64x1xf32, #tpu.memory_space<vmem>>, vector<64x1xf32>,
    %eq3A_54 = arith.constant 4 : i32
    %eq3A_55 = arith.cmpi eq, %arg0, %eq3A_54 : i32
    %convert_element_type3A_56 = arith.extui %eq3A_55 : i1 to i32
    %cond3A_57 = arith.constant 0 : i32
    %cond3A_58 = arith.cmpi ne, %convert_element_type3A_56, %cond3A_57 : i32
    scf.if %cond3A_58 {
      %get3A_59 = arith.constant 0 : index
      %get3A_60 = arith.constant 0 : index
      %get3A_61 = vector.load %arg11[%get3A_59, %get3A_60] : memref<64x16xf32, #tpu.memory_space<vmem>>, vector<64x16xf32>
      %get3A_62 = arith.constant 0 : index
      %get3A_63 = arith.constant 0 : index
      %get3A_64 = vector.load %arg12[%get3A_62, %get3A_63] : memref<64x1xf32, #tpu.memory_space<vmem>>, vector<64x1xf32>
      %max3A = arith.constant 1.000000e+00 : f32
      %max3A_65 = vector.broadcast %max3A : f32 to vector<64x1xf32>
      %max3A_66 = arith.maximumf %get3A_64, %max3A_65 : vector<64x1xf32>
      %div3A = vector.broadcast %max3A_66 : vector<64x1xf32> to vector<64x16xf32>
      %div3A_67 = arith.divf %get3A_61, %div3A : vector<64x16xf32>
      %get3A_68 = arith.constant 0 : index
      %get3A_69 = arith.constant 0 : index
      %get3A_70 = vector.load %arg6[%get3A_68, %get3A_69] : memref<16x32xf32, #tpu.memory_space<vmem>>, vector<16x32xf32>
      %dot_general3A_71 = arith.constant dense<0.000000e+00> : vector<64x32xf32>
      %dot_general3A_72 = tpu.matmul %div3A_67, %get3A_70, %dot_general3A_71 {dimension_numbers = #tpu.dot_dimension_numbers<[1], [0], [0], [1], [0, 0, 1, 1], [], []>, transpose_lhs_hint = false} : vector<64x16xf32>, vector<16x32xf32>, vector<64x32xf32> -> vector<64x32xf32>
      %get3A_73 = arith.constant 0 : index
      %get3A_74 = arith.constant 0 : index
      %get3A_75 = vector.load %arg7[%get3A_73, %get3A_74] : memref<1x32xf32, #tpu.memory_space<vmem>>, vector<1x32xf32>
      %add3A_76 = vector.broadcast %get3A_75 : vector<1x32xf32> to vector<64x32xf32>
      %add3A_77 = arith.addf %dot_general3A_72, %add3A_76 : vector<64x32xf32>
      %ge3A_78 = arith.constant 0.000000e+00 : f32
      %ge3A_79 = vector.broadcast %ge3A_78 : f32 to vector<64x32xf32>
      %ge3A_80 = arith.cmpf oge, %add3A_77, %ge3A_79 : vector<64x32xf32>
      %mul3A_81 = arith.constant 0.00999999977 : f32
      %mul3A_82 = vector.broadcast %mul3A_81 : f32 to vector<64x32xf32>
      %mul3A_83 = arith.mulf %mul3A_82, %add3A_77 : vector<64x32xf32>
      %select_n3A_84 = arith.select %ge3A_80, %add3A_77, %mul3A_83 : vector<64x32xi1>, vector<64x32xf32>
      %get3A_85 = arith.constant 0 : index
      %get3A_86 = arith.constant 0 : index
      %get3A_87 = vector.load %arg8[%get3A_85, %get3A_86] : memref<32x10xf32, #tpu.memory_space<vmem>>, vector<32x10xf32>
      %dot_general3A_88 = arith.constant dense<0.000000e+00> : vector<64x10xf32>
      %dot_general3A_89 = tpu.matmul %select_n3A_84, %get3A_87, %dot_general3A_88 {dimension_numbers = #tpu.dot_dimension_numbers<[1], [0], [0], [1], [0, 0, 1, 1], [], []>, transpose_lhs_hint = false} : vector<64x32xf32>, vector<32x10xf32>, vector<64x10xf32> -> vector<64x10xf32>
      %get3A_90 = arith.constant 0 : index
      %get3A_91 = arith.constant 0 : index
      %get3A_92 = vector.load %arg9[%get3A_90, %get3A_91] : memref<1x10xf32, #tpu.memory_space<vmem>>, vector<1x10xf32>
      %add3A_93 = vector.broadcast %get3A_92 : vector<1x10xf32> to vector<64x10xf32>
      %add3A_94 = arith.addf %dot_general3A_89, %add3A_93 : vector<64x10xf32>
      %swap3A_95 = arith.constant 0 : index
      %swap3A_96 = arith.constant 0 : index
      %swap3A_97 = vector.load %arg10[%swap3A_95, %swap3A_96] : memref<64x10xf32, #tpu.memory_space<vmem>>, vector<64x10xf32>
      tpu.vector_store %arg10[%swap3A_95, %swap3A_96], %add3A_94 {strides = array<i32>} : memref<64x10xf32, #tpu.memory_space<vmem>>, vector<64x10xf32>,
    } else {
    }
    return
  }
  func.func @transform_0(%arg0: i32) -> (i32, i32, i32) {
    %c0_i32 = arith.constant 0 : i32
    %c0_i32_0 = arith.constant 0 : i32
    %c0_i32_1 = arith.constant 0 : i32
    return %c0_i32, %arg0, %c0_i32_0 : i32, i32, i32
  }
  func.func @transform_1(%arg0: i32) -> (i32, i32) {
    %c0_i32 = arith.constant 0 : i32
    %c0_i32_0 = arith.constant 0 : i32
    return %arg0, %c0_i32 : i32, i32
  }
  func.func @transform_2(%arg0: i32) -> (i32, i32) {
    %c0_i32 = arith.constant 0 : i32
    %c0_i32_0 = arith.constant 0 : i32
    return %arg0, %c0_i32 : i32, i32
  }
  func.func @transform_3(%arg0: i32) -> (i32, i32) {
    %c0_i32 = arith.constant 0 : i32
    %c0_i32_0 = arith.constant 0 : i32
    %c0_i32_1 = arith.constant 0 : i32
    return %c0_i32, %c0_i32_0 : i32, i32
  }
  func.func @transform_4(%arg0: i32) -> (i32, i32) {
    %c0_i32 = arith.constant 0 : i32
    %c0_i32_0 = arith.constant 0 : i32
    return %arg0, %c0_i32 : i32, i32
  }
  func.func @transform_5(%arg0: i32) -> (i32, i32) {
    %c0_i32 = arith.constant 0 : i32
    %c0_i32_0 = arith.constant 0 : i32
    %c0_i32_1 = arith.constant 0 : i32
    return %c0_i32, %c0_i32_0 : i32, i32
  }
  func.func @transform_6(%arg0: i32) -> (i32, i32) {
    %c0_i32 = arith.constant 0 : i32
    %c0_i32_0 = arith.constant 0 : i32
    %c0_i32_1 = arith.constant 0 : i32
    return %c0_i32, %c0_i32_0 : i32, i32
  }
  func.func @transform_7(%arg0: i32) -> (i32, i32) {
    %c0_i32 = arith.constant 0 : i32
    %c0_i32_0 = arith.constant 0 : i32
    %c0_i32_1 = arith.constant 0 : i32
    return %c0_i32, %c0_i32_0 : i32, i32
  }
  func.func @transform_8(%arg0: i32) -> (i32, i32) {
    %c0_i32 = arith.constant 0 : i32
    %c0_i32_0 = arith.constant 0 : i32
    %c0_i32_1 = arith.constant 0 : i32
    return %c0_i32, %c0_i32_0 : i32, i32
  }
  func.func @transform_9(%arg0: i32) -> (i32, i32) {
    %c0_i32 = arith.constant 0 : i32
    %c0_i32_0 = arith.constant 0 : i32
    %c0_i32_1 = arith.constant 0 : i32
    return %c0_i32, %c0_i32_0 : i32, i32
  }
}

</mosaic_0001>

<sc_bundles>
// kernel: kernel.11.cloned.1.call-start
scs
__scs_entry_jumppad:
0x0: {  	(pc) =	sbr.rel $0x88, $3  }
0x1: {  	(tag) =	ssettag $0x0;
	lr =	simm.s32 $0x1  }
0x2: {  	[smem:$0x3F96] =	sst lr;
	_ =	strace $0xD0000000  }
0x3: {  	_ = 	snop  }
0x4: {  	_ = 	snop  }
0x5: {  	_ = 	snop  }
0x6: {  	_ = 	snop  }
0x7: {  	_ = 	snop  }
__scs_overlays_trampoline_lowered:
0x8: {  	[smem:$0x3FA5] =	sst s0  }
0x9: {  	[smem:$0x3FA6] =	sst s1  }
0xa: {  	[smem:$0x3FA7] =	sst s2  }
0xb: {  	[smem:$0x3FA8] =	sst s3  }
0xc: {  	[smem:$0x3FA9] =	sst s4  }
0xd: {  	[smem:$0x3FAA] =	sst s5  }
0xe: {  	[smem:$0x3FAB] =	sst s6  }
0xf: {  	[smem:$0x3FAC] =	sst s7  }
0x10: {  	[smem:$0x3FAD] =	sst s8  }
0x11: {  	[smem:$0x3FAE] =	sst s9;
	s0 =	simm.s32 @!p0 $0x0  }
0x12: {  	s1 =	sld [smem:$0x3F94];
	s0 =	simm.s32 @p0 $0x1  }
0x13: {  	[smem:$0x3FAF] =	sst s0;
	s0 =	simm.s32 @!p1 $0x0  }
0x14: {  	s2 =	sld [smem:$0x3F93];
	s0 =	simm.s32 @p1 $0x1  }
0x15: {  	[smem:$0x3FB0] =	sst s0;
	s0 =	simm.s32 @!p2 $0x0  }
0x16: {  	s3 =	sld [smem:$0x3FDB];
	s0 =	simm.s32 @p2 $0x1  }
0x17: {  	s4 =	simm.s32 $0x1BF5;
	[smem:$0x3FB2] =	sst s0  }
0x18: {  	s0 =	sld [smem:$0x3F95];
	_ =	swait.ge [sflag:s4], $0x0  }
0x19: {  	s7 =	sld [smem:$0x3F96]  }
0x1a: {  	s8 =	sadd.s32 $0xFFFFE003, lr  }
0x1b: {  	s9 =	sadd.s32 $0xFFFFFEF7, lr;
	s5 =	simm.s32 $0xFFFFFFFF;
	p2 =	slt.u32 s8, $0xFFFFF086  }
0x1c: {  	p1 =	slt.u32 s9, $0xF7A;
	s5 =	simm.s32 @!p2 $0x0  }
0x1d: {  	s5 =	simm.s32 @p1 $0x1;
	p0 =	seq.s32 s7, s2  }
0x1e: {  	s7 =	smul.u32 @!p0 $0xF7A, s2;
	p2 =	seq.s32 @!p0 s5, $0x0  }
0x1f: {  	s9 =	smul.u32 $0xF7A, s1;
	s8 =	simm.s32 @!p0 $0x1BF5;
	p2 =	por !p2, p0  }
0x20: {  	[sflag:s8] =	ssyncset.s32 @!p0 $0xFFFFF086;
	s6 =	sadd.s32 @!p0 s3, s7;
	s7 =	simm.s32 @!p0 $0x108  }
0x21: {  	s3 =	sadd.s32 s3, s9;
	s6 =	sadd.s32 @!p0 $0x88, s6;
	s7 =	simm.s32 @p2 $0x1082  }
0x22: {  	[simem:s7], [sflag:s8] =	dma.local @!p0 [hbm:s6], $0xF7A  }
0x23: {  	s9 =	sor.u32 $0xD0000000, s2;
	s6 =	simm.s32 $0x108;
	_ =	swait.ge @!p0 [sflag:s8], $0x0  }
0x24: {  	s3 =	sadd.s32 $0x88, s3;
	s6 =	simm.s32 @!p1 $0x1082;
	[sflag:s4] =	ssyncset.s32 $0xFFFFF086  }
0x25: {  	[simem:s6], [sflag:s4] =	dma.local [hbm:s3], $0xF7A  }
0x26: {  	[smem:$0x3F96] =	sst s1;
	(tag) =	ssettag s2;
	_ =	strace s9  }
0x27: {  	s1 =	sld [smem:$0x3FA6]  }
0x28: {  	s2 =	sld [smem:$0x3FA7]  }
0x29: {  	s4 =	sld [smem:$0x3FA9]  }
0x2a: {  	p0 =	seq.s32 s5, $0x0;
	s5 =	sld [smem:$0x3FAA]  }
0x2b: {  	s6 =	sld [smem:$0x3FAB]  }
0x2c: {  	s7 =	sld [smem:$0x3FAC]  }
0x2d: {  	s3 =	simm.s32 $0x108;
	s8 =	sld [smem:$0x3FAD]  }
0x2e: {  	s3 =	simm.s32 @!p0 $0x1082;
	s9 =	sld [smem:$0x3FAE]  }
0x2f: {  	lr =	sadd.s32 s0, s3;
	s0 =	sld [smem:$0x3FA5]  }
0x30: {  	s3 =	sld [smem:$0x3FA8]  }
0x31: {  	[smem:$0x3FB1] =	sst s10  }
0x32: {  	s10 =	sld [smem:$0x3FAF];
	_ =	sdelay $0x3  }
0x33: {  	p0 =	seq.s32 s10, $0x1;
	s10 =	sld [smem:$0x3FB1];
	_ =	sdelay $0x3  }
0x34: {  	[smem:$0x3FB1] =	sst s10  }
0x35: {  	s10 =	sld [smem:$0x3FB0];
	_ =	sdelay $0x3  }
0x36: {  	p1 =	seq.s32 s10, $0x1;
	s10 =	sld [smem:$0x3FB1];
	_ =	sdelay $0x3  }
0x37: {  	[smem:$0x3FB1] =	sst s10  }
0x38: {  	s10 =	sld [smem:$0x3FB2]  }
0x39: {  	_ = 	snop;
	(pc) =	sbr.ind lr, $3  }
0x3a: {  	_ = 	snop  }
0x3b: {  	_ = 	snop  }
0x3c: {  	p2 =	seq.s32 s10, $0x1;
	s10 =	sld [smem:$0x3FB1]  }
0x3d: {  	_ =	shalt  }
0x3e: {  	_ =	shalt  }
0x3f: {  	_ =	shalt  }
0x40: {  	_ =	shalt  }
0x41: {  	_ =	shalt  }
0x42: {  	_ =	shalt  }
0x43: {  	_ =	shalt  }
0x44: {  	_ =	shalt  }
0x45: {  	_ =	shalt  }
0x46: {  	_ =	shalt  }
0x47: {  	_ =	shalt  }
0x48: {  	_ =	shalt  }
0x49: {  	_ =	shalt  }
0x4a: {  	_ =	shalt  }
0x4b: {  	_ =	shalt  }
0x4c: {  	_ =	shalt  }
0x4d: {  	_ =	shalt  }
0x4e: {  	_ =	shalt  }
0x4f: {  	_ =	shalt  }
0x50: {  	_ =	shalt  }
0x51: {  	_ =	shalt  }
0x52: {  	_ =	shalt  }
0x53: {  	_ =	shalt  }
0x54: {  	_ =	shalt  }
0x55: {  	_ =	shalt  }
0x56: {  	_ =	shalt  }
0x57: {  	_ =	shalt  }
0x58: {  	_ =	shalt  }
0x59: {  	_ =	shalt  }
0x5a: {  	_ =	shalt  }
0x5b: {  	_ =	shalt  }
0x5c: {  	_ =	shalt  }
0x5d: {  	_ =	shalt  }
0x5e: {  	_ =	shalt  }
0x5f: {  	_ =	shalt  }
0x60: {  	_ =	shalt  }
0x61: {  	_ =	shalt  }
0x62: {  	_ =	shalt  }
0x63: {  	_ =	shalt  }
0x64: {  	_ =	shalt  }
0x65: {  	_ =	shalt  }
0x66: {  	_ =	shalt  }
0x67: {  	_ =	shalt  }
0x68: {  	_ =	shalt  }
0x69: {  	_ =	shalt  }
0x6a: {  	_ =	shalt  }
0x6b: {  	_ =	shalt  }
0x6c: {  	_ =	shalt  }
0x6d: {  	_ =	shalt  }
0x6e: {  	_ =	shalt  }
0x6f: {  	_ =	shalt  }
0x70: {  	_ =	shalt  }
0x71: {  	_ =	shalt  }
0x72: {  	_ =	shalt  }
0x73: {  	_ =	shalt  }
0x74: {  	_ =	shalt  }
0x75: {  	_ =	shalt  }
0x76: {  	_ =	shalt  }
0x77: {  	_ =	shalt  }
0x78: {  	_ =	shalt  }
0x79: {  	_ =	shalt  }
0x7a: {  	_ =	shalt  }
0x7b: {  	_ =	shalt  }
0x7c: {  	_ =	shalt  }
0x7d: {  	_ =	shalt  }
0x7e: {  	_ =	shalt  }
0x7f: {  	_ =	shalt  }
0x80: {  	_ =	shalt  }
0x81: {  	_ =	shalt  }
0x82: {  	_ =	shalt  }
0x83: {  	_ =	shalt  }
0x84: {  	_ =	shalt  }
0x85: {  	_ =	shalt  }
0x86: {  	_ =	shalt  }
0x87: {  	_ =	shalt  }
.Lfunc_end0:
.L_simem_size_0:
called_computation.1_lowered:
.L_overlay_start_0:
0x88: {  	s2 =	sld [smem:$0x3FD9]  }
0x89: {  	s3 =	sld [smem:$0x3FFE];
	_ =	sdelay $0x1  }
0x8a: {  	s1 =	srdreg.scid  }
0x8b: {  	s0 =	sand.u32 $0x1, s1  }
0x8c: {  	s16 =	sshll.u32 s0, $0xA;
	s2 =	sadd.s32 s3, s2  }
0x8d: {  	s2 =	sadd.s32 s2, s16  }
0x8e: {  	[smem:$0x3FBD] =	sst s2  }
0x8f: {  	_ = 	snop  }
0x90: {  	(tm) =	ssettm $0x1  }
0x91: {  	s17 =	sld [smem:$0x3FFB];
	_ =	sdelay $0x3  }
0x92: {  	_ =	strace s17  }
0x93: {  	s2 =	sld [smem:$0x3FFC];
	_ =	sdelay $0x3  }
0x94: {  	_ =	strace s2  }
0x95: {  	s2 =	sld [smem:$0x3FFD];
	_ =	sdelay $0x3  }
0x96: {  	_ =	strace s2  }
0x97: {  	_ =	strace $0x8FFFFFFF  }
0x98: {  	s18 =	sld [smem:$0x3FDB];
	_ =	sdelay $0x1  }
0x99: {  	s19 =	simm.s32 $_scs_section_size  }
0x9a: {  	s4 =	simm.s32 $_size__tile_overlayer_lowered;
	s5 =	simm.s32 $_tile_overlayer_lowered  }
0x9b: {  	s22 =	simm.s32 $0x1BFF;
	s21 =	sshll.u32 s5, $0x1;
	s2 =	sadd.s32 s19, s18  }
0x9c: {  	s6 =	simm.s32 $0x0;
	s20 =	sshll.u32 s4, $0x1;
	s4 =	sadd.s32 s21, s2  }
0x9d: {  	[timem:s6], [sflag:s22] =	dma.local [hbm:s4], s20  }
0x9e: {  	_ =	swait.ge [sflag:s22], s20  }
0x9f: {  	s3 =	ssub.s32 $0x0, s20;
	[sflag:s22] =	ssyncset.done $0x0  }
0xa0: {  	[sflag:s22] =	ssyncadd.s32 s3;
	_ =	sdelay $0x1  }
0xa1: {  	s23 =	simm.s32 $0x1B8B  }
0xa2: {  	_ =	swait.ge [sflag:s23], $0x1  }
0xa3: {  	[sflag:s23] =	ssyncset.done $0x0  }
0xa4: {  	s25 =	simm.s32 $0x1B8E;
	s24 =	sld [smem:$0x3FFE];
	[sflag:s23] =	ssyncadd.s32 $0xFFFFFFFF  }
0xa5: {  	s26 =	simm.s32 $execute0_lowered;
	[smem:$0x3FD2] =	sst s25  }
0xa6: {  	s4 =	sshll.u32 s26, $0x1;
	_ =	strace $0x80000049;
	[dreg:$0x1] =	wrdreg $0xFFFFFFFF  }
0xa7: {  	s28 =	simm.s32 $_size_execute0_lowered;
	s2 =	sadd.s32 s2, s4;
	[dreg:$0x0] =	wrdreg $0x0  }
0xa8: {  	s4 =	sshll.u32 s28, $0x1;
	[dreg:$0x2] =	wrdreg s2  }
0xa9: {  	[dreg:$0x3] =	wrdreg s4  }
0xaa: {  	[dreg:$0x4] =	wrdreg $0xC0  }
0xab: {  	_ =	task [dreg:s6], $0x5FFFF  }
0xac: {  	[dreg:$0x1] =	wrdreg $0xFFFFFFFF  }
0xad: {  	[dreg:$0x0] =	wrdreg $0x60  }
0xae: {  	[dreg:$0x2] =	wrdreg s24  }
0xaf: {  	[dreg:$0x3] =	wrdreg $0x150000  }
0xb0: {  	[dreg:$0x4] =	wrdreg $0x9  }
0xb1: {  	_ =	task.clear_ibuf [dreg:s6], $0x5FFFF;
	_ =	strace $0x90000049  }
0xb2: {  	s29 =	simm.s32 $0x9;
	_ =	strace $0x8000004B  }
0xb3: {  	_ =	swait.ge [sflag:s29], $0x1  }
0xb4: {  	[sflag:s29] =	ssyncadd.s32 $0xFFFFFFFF  }
0xb5: {  	_ =	strace $0x9000004B  }
0xb6: {  	_ =	sfence  }
0xb7: {  	s30 =	sld [smem:$0x0];
	_ =	sdelay $0x2  }
0xb8: {  	s31 =	sshll.u32 s1, $0xD;
	s1 =	sshrl.u32 s1, $0x2  }
0xb9: {  	s3 =	sand.u32 $0x4000, s31;
	s1 =	sadd.s32 s1, s30  }
0xba: {  	s0 =	sor.u32 s3, s0;
	s1 =	sshll.u32 s1, $0x11  }
0xbb: {  	s0 =	sor.u32 s1, s0  }
0xbc: {  	s0 =	sadd.s32 $0x8F2B, s0  }
0xbd: {  	[sflag:s0] =	ssyncadd.remote.s32 $0x1  }
0xbe: {  	_ =	sfence.sel $0xFFFF  }
0xbf: {  	[dreg:$0x0] =	wrdreg $0xFFFFFFFF;
	(pc) =	sbr.abs _section_cstart, $3  }
0xc0: {  	[dreg:$0x1] =	wrdreg $0xFFFFFFFF  }
0xc1: {  	_ =	task.clear_ibuf [dreg:s6], $0x2FFFF;
	_ =	strace $0x9FFFFFFF  }
0xc2: {  	(tm) =	ssettm $0x7FFFFFFF  }
0xc3: {  	_ =	shalt  }
tec
execute0_lowered:
.L_overlay_start_1:
0x0: {  	(tag) =	ssettag $0x1  }
0x1: {  	s0 =	srdreg.scid;
	s5 =	rddreg [dreg:$0x0]  }
0x2: {  	s11 =	stileid.u32;
	s2 =	rddreg [dreg:$0x1]  }
0x3: {  	s3 =	simm.s32 $0x0;
	s14 =	simm.s32 $0x80;
	s15 =	simm.s32 $0x5000  }
0x4: {  	s16 =	simm.s32 $0x7000;
	s18 =	simm.s32 $0x9000;
	s20 =	simm.s32 $0xB000  }
0x5: {  	s22 =	simm.s32 $0xD000;
	s29 =	simm.s32 $0x13000;
	s30 =	simm.s32 $0x1  }
0x6: {  	s31 =	simm.s32 $0x2;
	s17 =	simm.s32 $0x6;
	s19 =	simm.s32 $0x7  }
0x7: {  	s21 =	simm.s32 $0x8;
	s28 =	simm.s32 $0x0;
	s0 =	sand.u32 $0x1, s0  }
0x8: {  	s7 =	smul.u32 $0xA000, s11;
	[smem:$0x7FF] =	sst s3;
	s4 =	sadd.s32 $0x16A00, s5  }
0x9: {  	s26 =	sshll.u32 s11, $0x6;
	s1 =	sshll.u32 s0, $0x4;
	s6 =	smul.u32 $0xA0000, s0  }
0xa: {  	_ =	strace $0x8000004A;
	s0 =	ssub.s32 $0x2, s0;
	s12 =	sor.u32 $0x1C09, s26  }
0xb: {  	s26 =	simm.s32 $0x11000;
	s1 =	sor.u32 s11, s1;
	s8 =	sshrl.u32 s7, $0x3  }
0xc: {  	s9 =	sshrl.u32 s0, $0x1;
	s25 =	sadd.s32 s7, s2;
	s11 =	simm.s32 $0x5  }
0xd: {  	s1 =	smul.u32 $0x500, s1;
	s6 =	sadd.s32 s7, s6;
	s8 =	sadd.s32 s8, s5  }
0xe: {  	s0 =	ssub.s32 s0, s9;
	s13 =	sshrl.u32 s25, $0x3;
	s6 =	sshrl.u32 s6, $0x3  }
0xf: {  	s7 =	sadd.s32 $0x2A400, s8;
	s9 =	smax.u32 s0, $0x1;
	s1 =	sadd.s32 s1, s5  }
0x10: {  	s0 =	simm.s32 $0x4;
	s10 =	sadd.s32 s6, s5;
	s24 =	sadd.s32 $0xCA00, s1  }
0x11: {  	s6 =	sadd.s32 $0x2000, s1;
	s8 =	sadd.s32 $0x3E400, s10;
	s10 =	simm.s32 $0x9  }
0x12: {  	s1 =	simm.s32 $0x3;
	[dreg:$0x3] =	wrdreg s24;
	s24 =	simm.s32 $0xF000  }
.LBB2_1:
0x13: {  	s5 =	rddreg [dreg:$0x3]  }
0x14: {  	[tilespmem:s3], [sflag:$0x9] =	stream.linear.gather [hbm4b:s5+s3], $0x2800, $0x38;
	[tilespmem:$0x1F000] =	vst v63  }
0x15: {  	_ =	swait.ge [sflag:s10], $0x2800  }
0x16: {  	[sflag:s10] =	ssyncset.done $0x0  }
0x17: {  	s25 =	simm.s32 $0x2800;
	[sflag:s10] =	ssyncadd.s32 $0xFFFFD800  }
0x18: {  	[tilespmem:s25], [sflag:$0x9] =	stream.linear.gather [hbm4b:s6+s3], $0x2800, $0x38;
	[tilespmem:$0x1F000] =	vst v63  }
0x19: {  	_ =	swait.ge [sflag:s10], $0x2800  }
0x1a: {  	[sflag:s10] =	ssyncset.done $0x0  }
0x1b: {  	[sflag:s10] =	ssyncadd.s32 $0xFFFFD800  }
0x1c: {  	[spmem:s13], [sflag:s12] =	dma.local [hbm:s7], $0x1400  }
0x1d: {  	_ =	swait.ge [sflag:s10], $0x1400  }
0x1e: {  	[sflag:s10] =	ssyncset.done $0x0  }
0x1f: {  	[sflag:s10] =	ssyncadd.s32 $0xFFFFEC00  }
0x20: {  	[bflag:$0x0] =	sbarrier.arrive $0xFFFF  }
0x21: {  	[tilespmem:s15], [sflag:$0x1] =	stream.indirect.gather [hbm4b:s4+s14], $0x40, s3, s14, $0xb8;
	[tilespmem:$0x1F000] =	vst v63  }
0x22: {  	_ = 	snop  }
0x23: {  	[tilespmem:s16], [sflag:$0x2] =	stream.indirect.gather [hbm4b:s4+s14], $0x40, s14, s14, $0xb8;
	[tilespmem:$0x1F000] =	vst v63  }
0x24: {  	s23 =	simm.s32 $0x100  }
0x25: {  	[tilespmem:s18], [sflag:$0x3] =	stream.indirect.gather [hbm4b:s4+s14], $0x40, s23, s14, $0xb8;
	[tilespmem:$0x1F000] =	vst v63  }
0x26: {  	s25 =	simm.s32 $0x180  }
0x27: {  	[tilespmem:s20], [sflag:$0x4] =	stream.indirect.gather [hbm4b:s4+s14], $0x40, s25, s14, $0xb8;
	[tilespmem:$0x1F000] =	vst v63  }
0x28: {  	s23 =	simm.s32 $0x200  }
0x29: {  	[tilespmem:s22], [sflag:$0x5] =	stream.indirect.gather [hbm4b:s4+s14], $0x40, s23, s14, $0xb8;
	[tilespmem:$0x1F000] =	vst v63  }
0x2a: {  	s25 =	simm.s32 $0x280  }
0x2b: {  	[tilespmem:s24], [sflag:$0x6] =	stream.indirect.gather [hbm4b:s4+s14], $0x40, s25, s14, $0xb8;
	[tilespmem:$0x1F000] =	vst v63  }
0x2c: {  	s23 =	simm.s32 $0x300  }
0x2d: {  	[tilespmem:s26], [sflag:$0x7] =	stream.indirect.gather [hbm4b:s4+s14], $0x40, s23, s14, $0xb8;
	[tilespmem:$0x1F000] =	vst v63  }
0x2e: {  	s25 =	simm.s32 $0x380  }
0x2f: {  	[tilespmem:s29], [sflag:$0x8] =	stream.indirect.gather [hbm4b:s4+s14], $0x40, s25, s14, $0xb8;
	[tilespmem:$0x1F000] =	vst v63  }
0x30: {  	_ =	swait.ge [sflag:s30], $0x2000  }
0x31: {  	[sflag:s30] =	ssyncset.done $0x0  }
0x32: {  	s23 =	simm.s32 $0x2800;
	[sflag:s30] =	ssyncadd.s32 $0xFFFFE000  }
0x33: {  	[spmem:s2] =	stream.indirect.scatter.add.f32 [tilespmem:s15], [sflag:$0x9], $0x40, s23, s14, $0xb8;
	[tilespmem:$0x1F000] =	vst v63  }
0x34: {  	_ =	swait.ge [sflag:s10], $0x2000  }
0x35: {  	[sflag:s10] =	ssyncset.done $0x0  }
0x36: {  	s5 =	simm.s32 $0x400;
	[sflag:s10] =	ssyncadd.s32 $0xFFFFE000  }
0x37: {  	[tilespmem:s15], [sflag:$0x1] =	stream.indirect.gather [hbm4b:s4+s14], $0x40, s5, s14, $0xb8;
	[tilespmem:$0x1F000] =	vst v63  }
0x38: {  	_ =	swait.ge [sflag:s31], $0x2000  }
0x39: {  	[sflag:s31] =	ssyncset.done $0x0  }
0x3a: {  	s25 =	simm.s32 $0x2880;
	[sflag:s31] =	ssyncadd.s32 $0xFFFFE000  }
0x3b: {  	[spmem:s2] =	stream.indirect.scatter.add.f32 [tilespmem:s16], [sflag:$0x9], $0x40, s25, s14, $0xb8;
	[tilespmem:$0x1F000] =	vst v63  }
0x3c: {  	_ =	swait.ge [sflag:s10], $0x2000  }
0x3d: {  	[sflag:s10] =	ssyncset.done $0x0  }
0x3e: {  	s5 =	simm.s32 $0x480;
	[sflag:s10] =	ssyncadd.s32 $0xFFFFE000  }
0x3f: {  	[tilespmem:s16], [sflag:$0x2] =	stream.indirect.gather [hbm4b:s4+s14], $0x40, s5, s14, $0xb8;
	[tilespmem:$0x1F000] =	vst v63  }
0x40: {  	_ =	swait.ge [sflag:s1], $0x2000  }
0x41: {  	[sflag:s1] =	ssyncset.done $0x0  }
0x42: {  	s25 =	simm.s32 $0x2900;
	[sflag:s1] =	ssyncadd.s32 $0xFFFFE000  }
0x43: {  	[spmem:s2] =	stream.indirect.scatter.add.f32 [tilespmem:s18], [sflag:$0x9], $0x40, s25, s14, $0xb8;
	[tilespmem:$0x1F000] =	vst v63  }
0x44: {  	_ =	swait.ge [sflag:s10], $0x2000  }
0x45: {  	[sflag:s10] =	ssyncset.done $0x0  }
0x46: {  	s5 =	simm.s32 $0x500;
	[sflag:s10] =	ssyncadd.s32 $0xFFFFE000  }
0x47: {  	[tilespmem:s18], [sflag:$0x3] =	stream.indirect.gather [hbm4b:s4+s14], $0x40, s5, s14, $0xb8;
	[tilespmem:$0x1F000] =	vst v63  }
0x48: {  	_ =	swait.ge [sflag:s0], $0x2000  }
0x49: {  	[sflag:s0] =	ssyncset.done $0x0  }
0x4a: {  	s25 =	simm.s32 $0x2980;
	[sflag:s0] =	ssyncadd.s32 $0xFFFFE000  }
0x4b: {  	[spmem:s2] =	stream.indirect.scatter.add.f32 [tilespmem:s20], [sflag:$0x9], $0x40, s25, s14, $0xb8;
	[tilespmem:$0x1F000] =	vst v63  }
0x4c: {  	_ =	swait.ge [sflag:s10], $0x2000  }
0x4d: {  	[sflag:s10] =	ssyncset.done $0x0  }
0x4e: {  	s5 =	simm.s32 $0x580;
	[sflag:s10] =	ssyncadd.s32 $0xFFFFE000  }
0x4f: {  	[tilespmem:s20], [sflag:$0x4] =	stream.indirect.gather [hbm4b:s4+s14], $0x40, s5, s14, $0xb8;
	[tilespmem:$0x1F000] =	vst v63  }
0x50: {  	_ =	swait.ge [sflag:s11], $0x2000  }
0x51: {  	[sflag:s11] =	ssyncset.done $0x0  }
0x52: {  	s25 =	simm.s32 $0x2A00;
	[sflag:s11] =	ssyncadd.s32 $0xFFFFE000  }
0x53: {  	[spmem:s2] =	stream.indirect.scatter.add.f32 [tilespmem:s22], [sflag:$0x9], $0x40, s25, s14, $0xb8;
	[tilespmem:$0x1F000] =	vst v63  }
0x54: {  	_ =	swait.ge [sflag:s10], $0x2000  }
0x55: {  	[sflag:s10] =	ssyncset.done $0x0  }
0x56: {  	s5 =	simm.s32 $0x600;
	[sflag:s10] =	ssyncadd.s32 $0xFFFFE000  }
0x57: {  	[tilespmem:s22], [sflag:$0x5] =	stream.indirect.gather [hbm4b:s4+s14], $0x40, s5, s14, $0xb8;
	[tilespmem:$0x1F000] =	vst v63  }
0x58: {  	_ =	swait.ge [sflag:s17], $0x2000  }
0x59: {  	[sflag:s17] =	ssyncset.done $0x0  }
0x5a: {  	s25 =	simm.s32 $0x2A80;
	[sflag:s17] =	ssyncadd.s32 $0xFFFFE000  }
0x5b: {  	[spmem:s2] =	stream.indirect.scatter.add.f32 [tilespmem:s24], [sflag:$0x9], $0x40, s25, s14, $0xb8;
	[tilespmem:$0x1F000] =	vst v63  }
0x5c: {  	_ =	swait.ge [sflag:s10], $0x2000  }
0x5d: {  	[sflag:s10] =	ssyncset.done $0x0  }
0x5e: {  	s5 =	simm.s32 $0x680;
	[sflag:s10] =	ssyncadd.s32 $0xFFFFE000  }
0x5f: {  	[tilespmem:s24], [sflag:$0x6] =	stream.indirect.gather [hbm4b:s4+s14], $0x40, s5, s14, $0xb8;
	[tilespmem:$0x1F000] =	vst v63  }
0x60: {  	_ =	swait.ge [sflag:s19], $0x2000  }
0x61: {  	[sflag:s19] =	ssyncset.done $0x0  }
0x62: {  	s25 =	simm.s32 $0x2B00;
	[sflag:s19] =	ssyncadd.s32 $0xFFFFE000  }
0x63: {  	[spmem:s2] =	stream.indirect.scatter.add.f32 [tilespmem:s26], [sflag:$0x9], $0x40, s25, s14, $0xb8;
	[tilespmem:$0x1F000] =	vst v63  }
0x64: {  	_ =	swait.ge [sflag:s10], $0x2000  }
0x65: {  	[sflag:s10] =	ssyncset.done $0x0  }
0x66: {  	s5 =	simm.s32 $0x700;
	[sflag:s10] =	ssyncadd.s32 $0xFFFFE000  }
0x67: {  	[tilespmem:s26], [sflag:$0x7] =	stream.indirect.gather [hbm4b:s4+s14], $0x40, s5, s14, $0xb8;
	[tilespmem:$0x1F000] =	vst v63  }
0x68: {  	_ =	swait.ge [sflag:s21], $0x2000  }
0x69: {  	[sflag:s21] =	ssyncset.done $0x0  }
0x6a: {  	s25 =	simm.s32 $0x2B80;
	[sflag:s21] =	ssyncadd.s32 $0xFFFFE000  }
0x6b: {  	[spmem:s2] =	stream.indirect.scatter.add.f32 [tilespmem:s29], [sflag:$0x9], $0x40, s25, s14, $0xb8;
	[tilespmem:$0x1F000] =	vst v63  }
0x6c: {  	_ =	swait.ge [sflag:s10], $0x2000  }
0x6d: {  	[sflag:s10] =	ssyncset.done $0x0  }
0x6e: {  	s23 =	simm.s32 $0x1000;
	s25 =	simm.s32 $0x780;
	[sflag:s10] =	ssyncadd.s32 $0xFFFFE000  }
.LBB2_2:
0x6f: {  	[tilespmem:s29], [sflag:$0x8] =	stream.indirect.gather [hbm4b:s4+s14], $0x40, s25, s14, $0xb8;
	[tilespmem:$0x1F000] =	vst v63  }
0x70: {  	s25 =	smov.u32 s23  }
0x71: {  	p0 =	sne.s32 s23, $0x8000;
	s23 =	sadd.s32 $0x1000, s23;
	_ =	swait.ge [sflag:s30], $0x2000  }
0x72: {  	s25 =	sshra.s32 s25, $0x2;
	[sflag:s30] =	ssyncset.done $0x0  }
0x73: {  	s5 =	sadd.s32 $0x2800, s25;
	[sflag:s30] =	ssyncadd.s32 $0xFFFFE000  }
0x74: {  	[spmem:s2] =	stream.indirect.scatter.add.f32 [tilespmem:s15], [sflag:$0x9], $0x40, s5, s14, $0xb8;
	[tilespmem:$0x1F000] =	vst v63  }
0x75: {  	_ =	swait.ge [sflag:s10], $0x2000  }
0x76: {  	[sflag:s10] =	ssyncset.done $0x0  }
0x77: {  	s5 =	sadd.s32 $0x400, s25;
	[sflag:s10] =	ssyncadd.s32 $0xFFFFE000  }
0x78: {  	[tilespmem:s15], [sflag:$0x1] =	stream.indirect.gather [hbm4b:s4+s14], $0x40, s5, s14, $0xb8;
	[tilespmem:$0x1F000] =	vst v63  }
0x79: {  	_ =	swait.ge [sflag:s31], $0x2000  }
0x7a: {  	[sflag:s31] =	ssyncset.done $0x0  }
0x7b: {  	s5 =	sadd.s32 $0x2880, s25;
	[sflag:s31] =	ssyncadd.s32 $0xFFFFE000  }
0x7c: {  	[spmem:s2] =	stream.indirect.scatter.add.f32 [tilespmem:s16], [sflag:$0x9], $0x40, s5, s14, $0xb8;
	[tilespmem:$0x1F000] =	vst v63  }
0x7d: {  	_ =	swait.ge [sflag:s10], $0x2000  }
0x7e: {  	[sflag:s10] =	ssyncset.done $0x0  }
0x7f: {  	s5 =	sadd.s32 $0x480, s25;
	[sflag:s10] =	ssyncadd.s32 $0xFFFFE000  }
0x80: {  	[tilespmem:s16], [sflag:$0x2] =	stream.indirect.gather [hbm4b:s4+s14], $0x40, s5, s14, $0xb8;
	[tilespmem:$0x1F000] =	vst v63  }
0x81: {  	_ =	swait.ge [sflag:s1], $0x2000  }
0x82: {  	[sflag:s1] =	ssyncset.done $0x0  }
0x83: {  	s5 =	sadd.s32 $0x2900, s25;
	[sflag:s1] =	ssyncadd.s32 $0xFFFFE000  }
0x84: {  	[spmem:s2] =	stream.indirect.scatter.add.f32 [tilespmem:s18], [sflag:$0x9], $0x40, s5, s14, $0xb8;
	[tilespmem:$0x1F000] =	vst v63  }
0x85: {  	_ =	swait.ge [sflag:s10], $0x2000  }
0x86: {  	[sflag:s10] =	ssyncset.done $0x0  }
0x87: {  	s5 =	sadd.s32 $0x500, s25;
	[sflag:s10] =	ssyncadd.s32 $0xFFFFE000  }
0x88: {  	[tilespmem:s18], [sflag:$0x3] =	stream.indirect.gather [hbm4b:s4+s14], $0x40, s5, s14, $0xb8;
	[tilespmem:$0x1F000] =	vst v63  }
0x89: {  	_ =	swait.ge [sflag:s0], $0x2000  }
0x8a: {  	[sflag:s0] =	ssyncset.done $0x0  }
0x8b: {  	s5 =	sadd.s32 $0x2980, s25;
	[sflag:s0] =	ssyncadd.s32 $0xFFFFE000  }
0x8c: {  	[spmem:s2] =	stream.indirect.scatter.add.f32 [tilespmem:s20], [sflag:$0x9], $0x40, s5, s14, $0xb8;
	[tilespmem:$0x1F000] =	vst v63  }
0x8d: {  	_ =	swait.ge [sflag:s10], $0x2000  }
0x8e: {  	[sflag:s10] =	ssyncset.done $0x0  }
0x8f: {  	s5 =	sadd.s32 $0x580, s25;
	[sflag:s10] =	ssyncadd.s32 $0xFFFFE000  }
0x90: {  	[tilespmem:s20], [sflag:$0x4] =	stream.indirect.gather [hbm4b:s4+s14], $0x40, s5, s14, $0xb8;
	[tilespmem:$0x1F000] =	vst v63  }
0x91: {  	_ =	swait.ge [sflag:s11], $0x2000  }
0x92: {  	[sflag:s11] =	ssyncset.done $0x0  }
0x93: {  	s5 =	sadd.s32 $0x2A00, s25;
	[sflag:s11] =	ssyncadd.s32 $0xFFFFE000  }
0x94: {  	[spmem:s2] =	stream.indirect.scatter.add.f32 [tilespmem:s22], [sflag:$0x9], $0x40, s5, s14, $0xb8;
	[tilespmem:$0x1F000] =	vst v63  }
0x95: {  	_ =	swait.ge [sflag:s10], $0x2000  }
0x96: {  	[sflag:s10] =	ssyncset.done $0x0  }
0x97: {  	s5 =	sadd.s32 $0x600, s25;
	[sflag:s10] =	ssyncadd.s32 $0xFFFFE000  }
0x98: {  	[tilespmem:s22], [sflag:$0x5] =	stream.indirect.gather [hbm4b:s4+s14], $0x40, s5, s14, $0xb8;
	[tilespmem:$0x1F000] =	vst v63  }
0x99: {  	_ =	swait.ge [sflag:s17], $0x2000  }
0x9a: {  	[sflag:s17] =	ssyncset.done $0x0  }
0x9b: {  	s5 =	sadd.s32 $0x2A80, s25;
	[sflag:s17] =	ssyncadd.s32 $0xFFFFE000  }
0x9c: {  	[spmem:s2] =	stream.indirect.scatter.add.f32 [tilespmem:s24], [sflag:$0x9], $0x40, s5, s14, $0xb8;
	[tilespmem:$0x1F000] =	vst v63  }
0x9d: {  	_ =	swait.ge [sflag:s10], $0x2000  }
0x9e: {  	[sflag:s10] =	ssyncset.done $0x0  }
0x9f: {  	s5 =	sadd.s32 $0x680, s25;
	[sflag:s10] =	ssyncadd.s32 $0xFFFFE000  }
0xa0: {  	[tilespmem:s24], [sflag:$0x6] =	stream.indirect.gather [hbm4b:s4+s14], $0x40, s5, s14, $0xb8;
	[tilespmem:$0x1F000] =	vst v63  }
0xa1: {  	_ =	swait.ge [sflag:s19], $0x2000  }
0xa2: {  	[sflag:s19] =	ssyncset.done $0x0  }
0xa3: {  	s5 =	sadd.s32 $0x2B00, s25;
	[sflag:s19] =	ssyncadd.s32 $0xFFFFE000  }
0xa4: {  	[spmem:s2] =	stream.indirect.scatter.add.f32 [tilespmem:s26], [sflag:$0x9], $0x40, s5, s14, $0xb8;
	[tilespmem:$0x1F000] =	vst v63  }
0xa5: {  	_ =	swait.ge [sflag:s10], $0x2000  }
0xa6: {  	[sflag:s10] =	ssyncset.done $0x0  }
0xa7: {  	s5 =	sadd.s32 $0x700, s25;
	[sflag:s10] =	ssyncadd.s32 $0xFFFFE000  }
0xa8: {  	[tilespmem:s26], [sflag:$0x7] =	stream.indirect.gather [hbm4b:s4+s14], $0x40, s5, s14, $0xb8;
	[tilespmem:$0x1F000] =	vst v63  }
0xa9: {  	_ =	swait.ge [sflag:s21], $0x2000  }
0xaa: {  	[sflag:s21] =	ssyncset.done $0x0  }
.Ltmp0:
0xab: {  	s5 =	sadd.s32 $0x2B80, s25;
	[sflag:s21] =	ssyncadd.s32 $0xFFFFE000;
	(pc) =	sbr.rel @p0 .LBB2_2-.Ltmp0, $4  }
0xac: {  	[spmem:s2] =	stream.indirect.scatter.add.f32 [tilespmem:s29], [sflag:$0x9], $0x40, s5, s14, $0xb8;
	[tilespmem:$0x1F000] =	vst v63  }
0xad: {  	_ =	swait.ge [sflag:s10], $0x2000  }
0xae: {  	[sflag:s10] =	ssyncset.done $0x0  }
0xaf: {  	s25 =	sadd.s32 $0x780, s25;
	[sflag:s10] =	ssyncadd.s32 $0xFFFFE000  }
0xb0: {  	[tilespmem:s29], [sflag:$0x8] =	stream.indirect.gather [hbm4b:s4+s14], $0x40, s25, s14, $0xb8;
	[tilespmem:$0x1F000] =	vst v63  }
0xb1: {  	_ =	swait.ge [sflag:s30], $0x2000  }
0xb2: {  	[sflag:s30] =	ssyncset.done $0x0  }
0xb3: {  	s5 =	simm.s32 $0x4C00;
	[sflag:s30] =	ssyncadd.s32 $0xFFFFE000  }
0xb4: {  	[spmem:s2] =	stream.indirect.scatter.add.f32 [tilespmem:s15], [sflag:$0x9], $0x40, s5, s14, $0xb8;
	[tilespmem:$0x1F000] =	vst v63  }
0xb5: {  	_ =	swait.ge [sflag:s10], $0x2000  }
0xb6: {  	[sflag:s10] =	ssyncset.done $0x0  }
0xb7: {  	[sflag:s10] =	ssyncadd.s32 $0xFFFFE000  }
0xb8: {  	_ =	swait.ge [sflag:s31], $0x2000  }
0xb9: {  	[sflag:s31] =	ssyncset.done $0x0  }
0xba: {  	s25 =	simm.s32 $0x4C80;
	[sflag:s31] =	ssyncadd.s32 $0xFFFFE000  }
0xbb: {  	[spmem:s2] =	stream.indirect.scatter.add.f32 [tilespmem:s16], [sflag:$0x9], $0x40, s25, s14, $0xb8;
	[tilespmem:$0x1F000] =	vst v63  }
0xbc: {  	_ =	swait.ge [sflag:s10], $0x2000  }
0xbd: {  	[sflag:s10] =	ssyncset.done $0x0  }
0xbe: {  	[sflag:s10] =	ssyncadd.s32 $0xFFFFE000  }
0xbf: {  	_ =	swait.ge [sflag:s1], $0x2000  }
0xc0: {  	[sflag:s1] =	ssyncset.done $0x0  }
0xc1: {  	s23 =	simm.s32 $0x4D00;
	[sflag:s1] =	ssyncadd.s32 $0xFFFFE000  }
0xc2: {  	[spmem:s2] =	stream.indirect.scatter.add.f32 [tilespmem:s18], [sflag:$0x9], $0x40, s23, s14, $0xb8;
	[tilespmem:$0x1F000] =	vst v63  }
0xc3: {  	_ =	swait.ge [sflag:s10], $0x2000  }
0xc4: {  	[sflag:s10] =	ssyncset.done $0x0  }
0xc5: {  	[sflag:s10] =	ssyncadd.s32 $0xFFFFE000  }
0xc6: {  	_ =	swait.ge [sflag:s0], $0x2000  }
0xc7: {  	[sflag:s0] =	ssyncset.done $0x0  }
0xc8: {  	s25 =	simm.s32 $0x4D80;
	[sflag:s0] =	ssyncadd.s32 $0xFFFFE000  }
0xc9: {  	[spmem:s2] =	stream.indirect.scatter.add.f32 [tilespmem:s20], [sflag:$0x9], $0x40, s25, s14, $0xb8;
	[tilespmem:$0x1F000] =	vst v63  }
0xca: {  	_ =	swait.ge [sflag:s10], $0x2000  }
0xcb: {  	[sflag:s10] =	ssyncset.done $0x0  }
0xcc: {  	[sflag:s10] =	ssyncadd.s32 $0xFFFFE000  }
0xcd: {  	_ =	swait.ge [sflag:s11], $0x2000  }
0xce: {  	[sflag:s11] =	ssyncset.done $0x0  }
0xcf: {  	s23 =	simm.s32 $0x4E00;
	[sflag:s11] =	ssyncadd.s32 $0xFFFFE000  }
0xd0: {  	[spmem:s2] =	stream.indirect.scatter.add.f32 [tilespmem:s22], [sflag:$0x9], $0x40, s23, s14, $0xb8;
	[tilespmem:$0x1F000] =	vst v63  }
0xd1: {  	_ =	swait.ge [sflag:s10], $0x2000  }
0xd2: {  	[sflag:s10] =	ssyncset.done $0x0  }
0xd3: {  	[sflag:s10] =	ssyncadd.s32 $0xFFFFE000  }
0xd4: {  	_ =	swait.ge [sflag:s17], $0x2000  }
0xd5: {  	[sflag:s17] =	ssyncset.done $0x0  }
0xd6: {  	s25 =	simm.s32 $0x4E80;
	[sflag:s17] =	ssyncadd.s32 $0xFFFFE000  }
0xd7: {  	[spmem:s2] =	stream.indirect.scatter.add.f32 [tilespmem:s24], [sflag:$0x9], $0x40, s25, s14, $0xb8;
	[tilespmem:$0x1F000] =	vst v63  }
0xd8: {  	_ =	swait.ge [sflag:s10], $0x2000  }
0xd9: {  	[sflag:s10] =	ssyncset.done $0x0  }
0xda: {  	[sflag:s10] =	ssyncadd.s32 $0xFFFFE000  }
0xdb: {  	_ =	swait.ge [sflag:s19], $0x2000  }
0xdc: {  	[sflag:s19] =	ssyncset.done $0x0  }
0xdd: {  	s23 =	simm.s32 $0x4F00;
	[sflag:s19] =	ssyncadd.s32 $0xFFFFE000  }
0xde: {  	[spmem:s2] =	stream.indirect.scatter.add.f32 [tilespmem:s26], [sflag:$0x9], $0x40, s23, s14, $0xb8;
	[tilespmem:$0x1F000] =	vst v63  }
0xdf: {  	_ =	swait.ge [sflag:s10], $0x2000  }
0xe0: {  	[sflag:s10] =	ssyncset.done $0x0  }
0xe1: {  	[sflag:s10] =	ssyncadd.s32 $0xFFFFE000  }
0xe2: {  	_ =	swait.ge [sflag:s21], $0x2000  }
0xe3: {  	[sflag:s21] =	ssyncset.done $0x0  }
0xe4: {  	s25 =	simm.s32 $0x4F80;
	[sflag:s21] =	ssyncadd.s32 $0xFFFFE000  }
0xe5: {  	[spmem:s2] =	stream.indirect.scatter.add.f32 [tilespmem:s29], [sflag:$0x9], $0x40, s25, s14, $0xb8;
	[tilespmem:$0x1F000] =	vst v63  }
0xe6: {  	_ =	swait.ge [sflag:s10], $0x2000  }
0xe7: {  	s28 =	sadd.s32 $0x1, s28;
	[sflag:s10] =	ssyncset.done $0x0  }
0xe8: {  	p0 =	sne.s32 s28, s9;
	[sflag:s10] =	ssyncadd.s32 $0xFFFFE000  }
.Ltmp1:
0xe9: {  	[bflag:$0x0] =	sbarrier.arrive $0xFFFF;
	(pc) =	sbr.rel @p0 .LBB2_1-.Ltmp1, $4  }
0xea: {  	[hbm:s8], [sflag:s12] =	dma.local [spmem:s13], $0x1400  }
0xeb: {  	_ =	swait.ge [sflag:s10], $0x1400  }
0xec: {  	[sflag:s10] =	ssyncset.done $0x0  }
0xed: {  	[sflag:s10] =	ssyncadd.s32 $0xFFFFEC00  }
0xee: {  	_ =	sfence.sel $0x180000  }
0xef: {  	[bflag:$0x0] =	sbarrier.arrive $0xFFFF  }
0xf0: {  	_ =	strace $0x9000004A  }
0xf1: {  	s0 =	stileid.u32;
	[bflag:$0x2] =	sbarrier.arrive $0xFFFF  }
0xf2: {  	p0 =	sne.s32 s0, $0x0;
	s0 =	rddreg [dreg:$0x2]  }
0xf3: {  	s0 =	sadd.s32 @!p0 $0x100000, s0  }
0xf4: {  	[sflag:s0] =	ssyncadd.tile.s32 @!p0 $0x1;
	_ =	shalt  }
.Lfunc_end2:
_tile_overlayer_lowered:
.L_overlay_start_2:
0xf5: {  	(tag) =	ssettag $0x2  }
0xf6: {  	s0 =	rddreg [dreg:$0x0];
	s2 =	stileid.u32  }
0xf7: {  	s1 =	rddreg [dreg:$0x1];
	p0 =	sne.s32 s2, $0x0  }
0xf8: {  	s3 =	rddreg [dreg:$0x2];
	[bflag:$0x3] =	sbarrier.arrive $0xFFFF;
	s2 =	simm.s32 @!p0 $0x1C09  }
0xf9: {  	[timem:s3], [sflag:s2] =	dma.local @!p0 [hbm:s0], s1  }
0xfa: {  	s0 =	simm.s32 @!p0 $0x9  }
0xfb: {  	_ =	swait.ge @!p0 [sflag:s0], s1  }
0xfc: {  	s1 =	ssub.s32 @!p0 $0x0, s1;
	[sflag:s0] =	ssyncset.done @!p0 $0x0  }
0xfd: {  	[sflag:s0] =	ssyncadd.s32 @!p0 s1  }
0xfe: {  	[bflag:$0x3] =	sbarrier.arrive $0xFFFF  }
0xff: {  	_ =	shalt  }

// kernel: kernel.14.cloned.1.call-start
scs
__scs_entry_jumppad:
0x0: {  	(pc) =	sbr.rel $0x88, $3  }
0x1: {  	(tag) =	ssettag $0x0;
	lr =	simm.s32 $0x1  }
0x2: {  	[smem:$0x3F96] =	sst lr;
	_ =	strace $0xD0000000  }
0x3: {  	_ = 	snop  }
0x4: {  	_ = 	snop  }
0x5: {  	_ = 	snop  }
0x6: {  	_ = 	snop  }
0x7: {  	_ = 	snop  }
__scs_overlays_trampoline_lowered:
0x8: {  	[smem:$0x3FA5] =	sst s0  }
0x9: {  	[smem:$0x3FA6] =	sst s1  }
0xa: {  	[smem:$0x3FA7] =	sst s2  }
0xb: {  	[smem:$0x3FA8] =	sst s3  }
0xc: {  	[smem:$0x3FA9] =	sst s4  }
0xd: {  	[smem:$0x3FAA] =	sst s5  }
0xe: {  	[smem:$0x3FAB] =	sst s6  }
0xf: {  	[smem:$0x3FAC] =	sst s7  }
0x10: {  	[smem:$0x3FAD] =	sst s8  }
0x11: {  	[smem:$0x3FAE] =	sst s9;
	s0 =	simm.s32 @!p0 $0x0  }
0x12: {  	s1 =	sld [smem:$0x3F94];
	s0 =	simm.s32 @p0 $0x1  }
0x13: {  	[smem:$0x3FAF] =	sst s0;
	s0 =	simm.s32 @!p1 $0x0  }
0x14: {  	s2 =	sld [smem:$0x3F93];
	s0 =	simm.s32 @p1 $0x1  }
0x15: {  	[smem:$0x3FB0] =	sst s0;
	s0 =	simm.s32 @!p2 $0x0  }
0x16: {  	s3 =	sld [smem:$0x3FDB];
	s0 =	simm.s32 @p2 $0x1  }
0x17: {  	s4 =	simm.s32 $0x1BF5;
	[smem:$0x3FB2] =	sst s0  }
0x18: {  	s0 =	sld [smem:$0x3F95];
	_ =	swait.ge [sflag:s4], $0x0  }
0x19: {  	s7 =	sld [smem:$0x3F96]  }
0x1a: {  	s8 =	sadd.s32 $0xFFFFE003, lr  }
0x1b: {  	s9 =	sadd.s32 $0xFFFFFEF7, lr;
	s5 =	simm.s32 $0xFFFFFFFF;
	p2 =	slt.u32 s8, $0xFFFFF086  }
0x1c: {  	p1 =	slt.u32 s9, $0xF7A;
	s5 =	simm.s32 @!p2 $0x0  }
0x1d: {  	s5 =	simm.s32 @p1 $0x1;
	p0 =	seq.s32 s7, s2  }
0x1e: {  	s7 =	smul.u32 @!p0 $0xF7A, s2;
	p2 =	seq.s32 @!p0 s5, $0x0  }
0x1f: {  	s9 =	smul.u32 $0xF7A, s1;
	s8 =	simm.s32 @!p0 $0x1BF5;
	p2 =	por !p2, p0  }
0x20: {  	[sflag:s8] =	ssyncset.s32 @!p0 $0xFFFFF086;
	s6 =	sadd.s32 @!p0 s3, s7;
	s7 =	simm.s32 @!p0 $0x108  }
0x21: {  	s3 =	sadd.s32 s3, s9;
	s6 =	sadd.s32 @!p0 $0x88, s6;
	s7 =	simm.s32 @p2 $0x1082  }
0x22: {  	[simem:s7], [sflag:s8] =	dma.local @!p0 [hbm:s6], $0xF7A  }
0x23: {  	s9 =	sor.u32 $0xD0000000, s2;
	s6 =	simm.s32 $0x108;
	_ =	swait.ge @!p0 [sflag:s8], $0x0  }
0x24: {  	s3 =	sadd.s32 $0x88, s3;
	s6 =	simm.s32 @!p1 $0x1082;
	[sflag:s4] =	ssyncset.s32 $0xFFFFF086  }
0x25: {  	[simem:s6], [sflag:s4] =	dma.local [hbm:s3], $0xF7A  }
0x26: {  	[smem:$0x3F96] =	sst s1;
	(tag) =	ssettag s2;
	_ =	strace s9  }
0x27: {  	s1 =	sld [smem:$0x3FA6]  }
0x28: {  	s2 =	sld [smem:$0x3FA7]  }
0x29: {  	s4 =	sld [smem:$0x3FA9]  }
0x2a: {  	p0 =	seq.s32 s5, $0x0;
	s5 =	sld [smem:$0x3FAA]  }
0x2b: {  	s6 =	sld [smem:$0x3FAB]  }
0x2c: {  	s7 =	sld [smem:$0x3FAC]  }
0x2d: {  	s3 =	simm.s32 $0x108;
	s8 =	sld [smem:$0x3FAD]  }
0x2e: {  	s3 =	simm.s32 @!p0 $0x1082;
	s9 =	sld [smem:$0x3FAE]  }
0x2f: {  	lr =	sadd.s32 s0, s3;
	s0 =	sld [smem:$0x3FA5]  }
0x30: {  	s3 =	sld [smem:$0x3FA8]  }
0x31: {  	[smem:$0x3FB1] =	sst s10  }
0x32: {  	s10 =	sld [smem:$0x3FAF];
	_ =	sdelay $0x3  }
0x33: {  	p0 =	seq.s32 s10, $0x1;
	s10 =	sld [smem:$0x3FB1];
	_ =	sdelay $0x3  }
0x34: {  	[smem:$0x3FB1] =	sst s10  }
0x35: {  	s10 =	sld [smem:$0x3FB0];
	_ =	sdelay $0x3  }
0x36: {  	p1 =	seq.s32 s10, $0x1;
	s10 =	sld [smem:$0x3FB1];
	_ =	sdelay $0x3  }
0x37: {  	[smem:$0x3FB1] =	sst s10  }
0x38: {  	s10 =	sld [smem:$0x3FB2]  }
0x39: {  	_ = 	snop;
	(pc) =	sbr.ind lr, $3  }
0x3a: {  	_ = 	snop  }
0x3b: {  	_ = 	snop  }
0x3c: {  	p2 =	seq.s32 s10, $0x1;
	s10 =	sld [smem:$0x3FB1]  }
0x3d: {  	_ =	shalt  }
0x3e: {  	_ =	shalt  }
0x3f: {  	_ =	shalt  }
0x40: {  	_ =	shalt  }
0x41: {  	_ =	shalt  }
0x42: {  	_ =	shalt  }
0x43: {  	_ =	shalt  }
0x44: {  	_ =	shalt  }
0x45: {  	_ =	shalt  }
0x46: {  	_ =	shalt  }
0x47: {  	_ =	shalt  }
0x48: {  	_ =	shalt  }
0x49: {  	_ =	shalt  }
0x4a: {  	_ =	shalt  }
0x4b: {  	_ =	shalt  }
0x4c: {  	_ =	shalt  }
0x4d: {  	_ =	shalt  }
0x4e: {  	_ =	shalt  }
0x4f: {  	_ =	shalt  }
0x50: {  	_ =	shalt  }
0x51: {  	_ =	shalt  }
0x52: {  	_ =	shalt  }
0x53: {  	_ =	shalt  }
0x54: {  	_ =	shalt  }
0x55: {  	_ =	shalt  }
0x56: {  	_ =	shalt  }
0x57: {  	_ =	shalt  }
0x58: {  	_ =	shalt  }
0x59: {  	_ =	shalt  }
0x5a: {  	_ =	shalt  }
0x5b: {  	_ =	shalt  }
0x5c: {  	_ =	shalt  }
0x5d: {  	_ =	shalt  }
0x5e: {  	_ =	shalt  }
0x5f: {  	_ =	shalt  }
0x60: {  	_ =	shalt  }
0x61: {  	_ =	shalt  }
0x62: {  	_ =	shalt  }
0x63: {  	_ =	shalt  }
0x64: {  	_ =	shalt  }
0x65: {  	_ =	shalt  }
0x66: {  	_ =	shalt  }
0x67: {  	_ =	shalt  }
0x68: {  	_ =	shalt  }
0x69: {  	_ =	shalt  }
0x6a: {  	_ =	shalt  }
0x6b: {  	_ =	shalt  }
0x6c: {  	_ =	shalt  }
0x6d: {  	_ =	shalt  }
0x6e: {  	_ =	shalt  }
0x6f: {  	_ =	shalt  }
0x70: {  	_ =	shalt  }
0x71: {  	_ =	shalt  }
0x72: {  	_ =	shalt  }
0x73: {  	_ =	shalt  }
0x74: {  	_ =	shalt  }
0x75: {  	_ =	shalt  }
0x76: {  	_ =	shalt  }
0x77: {  	_ =	shalt  }
0x78: {  	_ =	shalt  }
0x79: {  	_ =	shalt  }
0x7a: {  	_ =	shalt  }
0x7b: {  	_ =	shalt  }
0x7c: {  	_ =	shalt  }
0x7d: {  	_ =	shalt  }
0x7e: {  	_ =	shalt  }
0x7f: {  	_ =	shalt  }
0x80: {  	_ =	shalt  }
0x81: {  	_ =	shalt  }
0x82: {  	_ =	shalt  }
0x83: {  	_ =	shalt  }
0x84: {  	_ =	shalt  }
0x85: {  	_ =	shalt  }
0x86: {  	_ =	shalt  }
0x87: {  	_ =	shalt  }
.Lfunc_end0:
.L_simem_size_0:
called_computation.2_lowered:
.L_overlay_start_0:
0x88: {  	s2 =	sld [smem:$0x3FD9]  }
0x89: {  	s3 =	sld [smem:$0x3FFE];
	_ =	sdelay $0x1  }
0x8a: {  	s1 =	srdreg.scid  }
0x8b: {  	s0 =	sand.u32 $0x1, s1  }
0x8c: {  	s16 =	sshll.u32 s0, $0xA;
	s2 =	sadd.s32 s3, s2  }
0x8d: {  	s2 =	sadd.s32 s2, s16  }
0x8e: {  	[smem:$0x3FBD] =	sst s2  }
0x8f: {  	_ = 	snop  }
0x90: {  	(tm) =	ssettm $0x1  }
0x91: {  	s17 =	sld [smem:$0x3FFB];
	_ =	sdelay $0x3  }
0x92: {  	_ =	strace s17  }
0x93: {  	s2 =	sld [smem:$0x3FFC];
	_ =	sdelay $0x3  }
0x94: {  	_ =	strace s2  }
0x95: {  	s2 =	sld [smem:$0x3FFD];
	_ =	sdelay $0x3  }
0x96: {  	_ =	strace s2  }
0x97: {  	_ =	strace $0x8FFFFFFF  }
0x98: {  	s18 =	sld [smem:$0x3FDB];
	_ =	sdelay $0x1  }
0x99: {  	s19 =	simm.s32 $_scs_section_size  }
0x9a: {  	s4 =	simm.s32 $_size__tile_overlayer_lowered;
	s5 =	simm.s32 $_tile_overlayer_lowered  }
0x9b: {  	s22 =	simm.s32 $0x1BFF;
	s21 =	sshll.u32 s5, $0x1;
	s2 =	sadd.s32 s19, s18  }
0x9c: {  	s6 =	simm.s32 $0x0;
	s20 =	sshll.u32 s4, $0x1;
	s4 =	sadd.s32 s21, s2  }
0x9d: {  	[timem:s6], [sflag:s22] =	dma.local [hbm:s4], s20  }
0x9e: {  	_ =	swait.ge [sflag:s22], s20  }
0x9f: {  	s3 =	ssub.s32 $0x0, s20;
	[sflag:s22] =	ssyncset.done $0x0  }
0xa0: {  	[sflag:s22] =	ssyncadd.s32 s3;
	_ =	sdelay $0x1  }
0xa1: {  	s23 =	simm.s32 $0x1B8B  }
0xa2: {  	_ =	swait.ge [sflag:s23], $0x1  }
0xa3: {  	[sflag:s23] =	ssyncset.done $0x0  }
0xa4: {  	s25 =	simm.s32 $0x1B8E;
	s24 =	sld [smem:$0x3FFE];
	[sflag:s23] =	ssyncadd.s32 $0xFFFFFFFF  }
0xa5: {  	s26 =	simm.s32 $execute0_lowered;
	[smem:$0x3FD2] =	sst s25  }
0xa6: {  	s4 =	sshll.u32 s26, $0x1;
	_ =	strace $0x8000004C;
	[dreg:$0x1] =	wrdreg $0xFFFFFFFF  }
0xa7: {  	s28 =	simm.s32 $_size_execute0_lowered;
	s2 =	sadd.s32 s2, s4;
	[dreg:$0x0] =	wrdreg $0x0  }
0xa8: {  	s4 =	sshll.u32 s28, $0x1;
	[dreg:$0x2] =	wrdreg s2  }
0xa9: {  	[dreg:$0x3] =	wrdreg s4  }
0xaa: {  	[dreg:$0x4] =	wrdreg $0xC0  }
0xab: {  	_ =	task [dreg:s6], $0x5FFFF  }
0xac: {  	[dreg:$0x1] =	wrdreg $0xFFFFFFFF  }
0xad: {  	[dreg:$0x0] =	wrdreg $0x60  }
0xae: {  	[dreg:$0x2] =	wrdreg s24  }
0xaf: {  	[dreg:$0x3] =	wrdreg $0x90000  }
0xb0: {  	[dreg:$0x4] =	wrdreg $0x9  }
0xb1: {  	_ =	task.clear_ibuf [dreg:s6], $0x5FFFF;
	_ =	strace $0x9000004C  }
0xb2: {  	s29 =	simm.s32 $0x9;
	_ =	strace $0x8000004E  }
0xb3: {  	_ =	swait.ge [sflag:s29], $0x1  }
0xb4: {  	[sflag:s29] =	ssyncadd.s32 $0xFFFFFFFF  }
0xb5: {  	_ =	strace $0x9000004E  }
0xb6: {  	_ =	sfence  }
0xb7: {  	s30 =	sld [smem:$0x0];
	_ =	sdelay $0x2  }
0xb8: {  	s31 =	sshll.u32 s1, $0xD;
	s1 =	sshrl.u32 s1, $0x2  }
0xb9: {  	s3 =	sand.u32 $0x4000, s31;
	s1 =	sadd.s32 s1, s30  }
0xba: {  	s0 =	sor.u32 s3, s0;
	s1 =	sshll.u32 s1, $0x11  }
0xbb: {  	s0 =	sor.u32 s1, s0  }
0xbc: {  	s0 =	sadd.s32 $0x8F2B, s0  }
0xbd: {  	[sflag:s0] =	ssyncadd.remote.s32 $0x1  }
0xbe: {  	_ =	sfence.sel $0xFFFF  }
0xbf: {  	[dreg:$0x0] =	wrdreg $0xFFFFFFFF;
	(pc) =	sbr.abs _section_cstart, $3  }
0xc0: {  	[dreg:$0x1] =	wrdreg $0xFFFFFFFF  }
0xc1: {  	_ =	task.clear_ibuf [dreg:s6], $0x2FFFF;
	_ =	strace $0x9FFFFFFF  }
0xc2: {  	(tm) =	ssettm $0x7FFFFFFF  }
0xc3: {  	_ =	shalt  }
tec
execute0_lowered:
.L_overlay_start_1:
0x0: {  	(tag) =	ssettag $0x1  }
0x1: {  	s0 =	srdreg.scid;
	s5 =	rddreg [dreg:$0x0]  }
0x2: {  	s11 =	stileid.u32;
	s2 =	rddreg [dreg:$0x1]  }
0x3: {  	s3 =	simm.s32 $0x0;
	s14 =	simm.s32 $0x80;
	s15 =	simm.s32 $0x5000  }
0x4: {  	s16 =	simm.s32 $0x5800;
	s18 =	simm.s32 $0x6000;
	s20 =	simm.s32 $0x6800  }
0x5: {  	s22 =	simm.s32 $0x7000;
	s29 =	simm.s32 $0x8800;
	s30 =	simm.s32 $0x1  }
0x6: {  	s31 =	simm.s32 $0x2;
	s17 =	simm.s32 $0x6;
	s19 =	simm.s32 $0x7  }
0x7: {  	s21 =	simm.s32 $0x8;
	s28 =	simm.s32 $0x0;
	s0 =	sand.u32 $0x1, s0  }
0x8: {  	s7 =	smul.u32 $0x2800, s11;
	[smem:$0x7FF] =	sst s3;
	s4 =	sadd.s32 $0x16A00, s5  }
0x9: {  	s26 =	sshll.u32 s11, $0x6;
	s1 =	sshll.u32 s0, $0x4;
	s6 =	smul.u32 $0x28000, s0  }
0xa: {  	_ =	strace $0x8000004D;
	s0 =	ssub.s32 $0x2, s0;
	s12 =	sor.u32 $0x1C09, s26  }
0xb: {  	s26 =	simm.s32 $0x8000;
	s1 =	sor.u32 s11, s1;
	s8 =	sshrl.u32 s7, $0x3  }
0xc: {  	s9 =	sshrl.u32 s0, $0x1;
	s25 =	sadd.s32 s7, s2;
	s11 =	simm.s32 $0x5  }
0xd: {  	s1 =	smul.u32 $0x500, s1;
	s6 =	sadd.s32 s7, s6;
	s8 =	sadd.s32 s8, s5  }
0xe: {  	s0 =	ssub.s32 s0, s9;
	s13 =	sshrl.u32 s25, $0x3;
	s6 =	sshrl.u32 s6, $0x3  }
0xf: {  	s7 =	sadd.s32 $0x1BA00, s8;
	s9 =	smax.u32 s0, $0x1;
	s1 =	sadd.s32 s1, s5  }
0x10: {  	s0 =	simm.s32 $0x4;
	s10 =	sadd.s32 s6, s5;
	s24 =	sadd.s32 $0xCA00, s1  }
0x11: {  	s6 =	sadd.s32 $0x2000, s1;
	s8 =	sadd.s32 $0x20A00, s10;
	s10 =	simm.s32 $0x9  }
0x12: {  	s1 =	simm.s32 $0x3;
	[dreg:$0x3] =	wrdreg s24;
	s24 =	simm.s32 $0x7800  }
.LBB2_1:
0x13: {  	s5 =	rddreg [dreg:$0x3]  }
0x14: {  	[tilespmem:s3], [sflag:$0x9] =	stream.linear.gather [hbm4b:s5+s3], $0x2800, $0x38;
	[tilespmem:$0xB800] =	vst v63  }
0x15: {  	_ =	swait.ge [sflag:s10], $0x2800  }
0x16: {  	[sflag:s10] =	ssyncset.done $0x0  }
0x17: {  	s25 =	simm.s32 $0x2800;
	[sflag:s10] =	ssyncadd.s32 $0xFFFFD800  }
0x18: {  	[tilespmem:s25], [sflag:$0x9] =	stream.linear.gather [hbm4b:s6+s3], $0x2800, $0x38;
	[tilespmem:$0xB800] =	vst v63  }
0x19: {  	_ =	swait.ge [sflag:s10], $0x2800  }
0x1a: {  	[sflag:s10] =	ssyncset.done $0x0  }
0x1b: {  	[sflag:s10] =	ssyncadd.s32 $0xFFFFD800  }
0x1c: {  	[spmem:s13], [sflag:s12] =	dma.local [hbm:s7], $0x500  }
0x1d: {  	_ =	swait.ge [sflag:s10], $0x500  }
0x1e: {  	[sflag:s10] =	ssyncset.done $0x0  }
0x1f: {  	[sflag:s10] =	ssyncadd.s32 $0xFFFFFB00  }
0x20: {  	[bflag:$0x0] =	sbarrier.arrive $0xFFFF  }
0x21: {  	[tilespmem:s15], [sflag:$0x1] =	stream.indirect.gather [hbm4b:s4+s14], $0x10, s3, s14, $0xb8;
	[tilespmem:$0xB800] =	vst v63  }
0x22: {  	_ = 	snop  }
0x23: {  	[tilespmem:s16], [sflag:$0x2] =	stream.indirect.gather [hbm4b:s4+s14], $0x10, s14, s14, $0xb8;
	[tilespmem:$0xB800] =	vst v63  }
0x24: {  	s23 =	simm.s32 $0x100  }
0x25: {  	[tilespmem:s18], [sflag:$0x3] =	stream.indirect.gather [hbm4b:s4+s14], $0x10, s23, s14, $0xb8;
	[tilespmem:$0xB800] =	vst v63  }
0x26: {  	s25 =	simm.s32 $0x180  }
0x27: {  	[tilespmem:s20], [sflag:$0x4] =	stream.indirect.gather [hbm4b:s4+s14], $0x10, s25, s14, $0xb8;
	[tilespmem:$0xB800] =	vst v63  }
0x28: {  	s23 =	simm.s32 $0x200  }
0x29: {  	[tilespmem:s22], [sflag:$0x5] =	stream.indirect.gather [hbm4b:s4+s14], $0x10, s23, s14, $0xb8;
	[tilespmem:$0xB800] =	vst v63  }
0x2a: {  	s25 =	simm.s32 $0x280  }
0x2b: {  	[tilespmem:s24], [sflag:$0x6] =	stream.indirect.gather [hbm4b:s4+s14], $0x10, s25, s14, $0xb8;
	[tilespmem:$0xB800] =	vst v63  }
0x2c: {  	s23 =	simm.s32 $0x300  }
0x2d: {  	[tilespmem:s26], [sflag:$0x7] =	stream.indirect.gather [hbm4b:s4+s14], $0x10, s23, s14, $0xb8;
	[tilespmem:$0xB800] =	vst v63  }
0x2e: {  	s25 =	simm.s32 $0x380  }
0x2f: {  	[tilespmem:s29], [sflag:$0x8] =	stream.indirect.gather [hbm4b:s4+s14], $0x10, s25, s14, $0xb8;
	[tilespmem:$0xB800] =	vst v63  }
0x30: {  	_ =	swait.ge [sflag:s30], $0x800  }
0x31: {  	[sflag:s30] =	ssyncset.done $0x0  }
0x32: {  	s23 =	simm.s32 $0x2800;
	[sflag:s30] =	ssyncadd.s32 $0xFFFFF800  }
0x33: {  	[spmem:s2] =	stream.indirect.scatter.add.f32 [tilespmem:s15], [sflag:$0x9], $0x10, s23, s14, $0xb8;
	[tilespmem:$0xB800] =	vst v63  }
0x34: {  	_ =	swait.ge [sflag:s10], $0x800  }
0x35: {  	[sflag:s10] =	ssyncset.done $0x0  }
0x36: {  	s5 =	simm.s32 $0x400;
	[sflag:s10] =	ssyncadd.s32 $0xFFFFF800  }
0x37: {  	[tilespmem:s15], [sflag:$0x1] =	stream.indirect.gather [hbm4b:s4+s14], $0x10, s5, s14, $0xb8;
	[tilespmem:$0xB800] =	vst v63  }
0x38: {  	_ =	swait.ge [sflag:s31], $0x800  }
0x39: {  	[sflag:s31] =	ssyncset.done $0x0  }
0x3a: {  	s25 =	simm.s32 $0x2880;
	[sflag:s31] =	ssyncadd.s32 $0xFFFFF800  }
0x3b: {  	[spmem:s2] =	stream.indirect.scatter.add.f32 [tilespmem:s16], [sflag:$0x9], $0x10, s25, s14, $0xb8;
	[tilespmem:$0xB800] =	vst v63  }
0x3c: {  	_ =	swait.ge [sflag:s10], $0x800  }
0x3d: {  	[sflag:s10] =	ssyncset.done $0x0  }
0x3e: {  	s5 =	simm.s32 $0x480;
	[sflag:s10] =	ssyncadd.s32 $0xFFFFF800  }
0x3f: {  	[tilespmem:s16], [sflag:$0x2] =	stream.indirect.gather [hbm4b:s4+s14], $0x10, s5, s14, $0xb8;
	[tilespmem:$0xB800] =	vst v63  }
0x40: {  	_ =	swait.ge [sflag:s1], $0x800  }
0x41: {  	[sflag:s1] =	ssyncset.done $0x0  }
0x42: {  	s25 =	simm.s32 $0x2900;
	[sflag:s1] =	ssyncadd.s32 $0xFFFFF800  }
0x43: {  	[spmem:s2] =	stream.indirect.scatter.add.f32 [tilespmem:s18], [sflag:$0x9], $0x10, s25, s14, $0xb8;
	[tilespmem:$0xB800] =	vst v63  }
0x44: {  	_ =	swait.ge [sflag:s10], $0x800  }
0x45: {  	[sflag:s10] =	ssyncset.done $0x0  }
0x46: {  	s5 =	simm.s32 $0x500;
	[sflag:s10] =	ssyncadd.s32 $0xFFFFF800  }
0x47: {  	[tilespmem:s18], [sflag:$0x3] =	stream.indirect.gather [hbm4b:s4+s14], $0x10, s5, s14, $0xb8;
	[tilespmem:$0xB800] =	vst v63  }
0x48: {  	_ =	swait.ge [sflag:s0], $0x800  }
0x49: {  	[sflag:s0] =	ssyncset.done $0x0  }
0x4a: {  	s25 =	simm.s32 $0x2980;
	[sflag:s0] =	ssyncadd.s32 $0xFFFFF800  }
0x4b: {  	[spmem:s2] =	stream.indirect.scatter.add.f32 [tilespmem:s20], [sflag:$0x9], $0x10, s25, s14, $0xb8;
	[tilespmem:$0xB800] =	vst v63  }
0x4c: {  	_ =	swait.ge [sflag:s10], $0x800  }
0x4d: {  	[sflag:s10] =	ssyncset.done $0x0  }
0x4e: {  	s5 =	simm.s32 $0x580;
	[sflag:s10] =	ssyncadd.s32 $0xFFFFF800  }
0x4f: {  	[tilespmem:s20], [sflag:$0x4] =	stream.indirect.gather [hbm4b:s4+s14], $0x10, s5, s14, $0xb8;
	[tilespmem:$0xB800] =	vst v63  }
0x50: {  	_ =	swait.ge [sflag:s11], $0x800  }
0x51: {  	[sflag:s11] =	ssyncset.done $0x0  }
0x52: {  	s25 =	simm.s32 $0x2A00;
	[sflag:s11] =	ssyncadd.s32 $0xFFFFF800  }
0x53: {  	[spmem:s2] =	stream.indirect.scatter.add.f32 [tilespmem:s22], [sflag:$0x9], $0x10, s25, s14, $0xb8;
	[tilespmem:$0xB800] =	vst v63  }
0x54: {  	_ =	swait.ge [sflag:s10], $0x800  }
0x55: {  	[sflag:s10] =	ssyncset.done $0x0  }
0x56: {  	s5 =	simm.s32 $0x600;
	[sflag:s10] =	ssyncadd.s32 $0xFFFFF800  }
0x57: {  	[tilespmem:s22], [sflag:$0x5] =	stream.indirect.gather [hbm4b:s4+s14], $0x10, s5, s14, $0xb8;
	[tilespmem:$0xB800] =	vst v63  }
0x58: {  	_ =	swait.ge [sflag:s17], $0x800  }
0x59: {  	[sflag:s17] =	ssyncset.done $0x0  }
0x5a: {  	s25 =	simm.s32 $0x2A80;
	[sflag:s17] =	ssyncadd.s32 $0xFFFFF800  }
0x5b: {  	[spmem:s2] =	stream.indirect.scatter.add.f32 [tilespmem:s24], [sflag:$0x9], $0x10, s25, s14, $0xb8;
	[tilespmem:$0xB800] =	vst v63  }
0x5c: {  	_ =	swait.ge [sflag:s10], $0x800  }
0x5d: {  	[sflag:s10] =	ssyncset.done $0x0  }
0x5e: {  	s5 =	simm.s32 $0x680;
	[sflag:s10] =	ssyncadd.s32 $0xFFFFF800  }
0x5f: {  	[tilespmem:s24], [sflag:$0x6] =	stream.indirect.gather [hbm4b:s4+s14], $0x10, s5, s14, $0xb8;
	[tilespmem:$0xB800] =	vst v63  }
0x60: {  	_ =	swait.ge [sflag:s19], $0x800  }
0x61: {  	[sflag:s19] =	ssyncset.done $0x0  }
0x62: {  	s25 =	simm.s32 $0x2B00;
	[sflag:s19] =	ssyncadd.s32 $0xFFFFF800  }
0x63: {  	[spmem:s2] =	stream.indirect.scatter.add.f32 [tilespmem:s26], [sflag:$0x9], $0x10, s25, s14, $0xb8;
	[tilespmem:$0xB800] =	vst v63  }
0x64: {  	_ =	swait.ge [sflag:s10], $0x800  }
0x65: {  	[sflag:s10] =	ssyncset.done $0x0  }
0x66: {  	s5 =	simm.s32 $0x700;
	[sflag:s10] =	ssyncadd.s32 $0xFFFFF800  }
0x67: {  	[tilespmem:s26], [sflag:$0x7] =	stream.indirect.gather [hbm4b:s4+s14], $0x10, s5, s14, $0xb8;
	[tilespmem:$0xB800] =	vst v63  }
0x68: {  	_ =	swait.ge [sflag:s21], $0x800  }
0x69: {  	[sflag:s21] =	ssyncset.done $0x0  }
0x6a: {  	s25 =	simm.s32 $0x2B80;
	[sflag:s21] =	ssyncadd.s32 $0xFFFFF800  }
0x6b: {  	[spmem:s2] =	stream.indirect.scatter.add.f32 [tilespmem:s29], [sflag:$0x9], $0x10, s25, s14, $0xb8;
	[tilespmem:$0xB800] =	vst v63  }
0x6c: {  	_ =	swait.ge [sflag:s10], $0x800  }
0x6d: {  	[sflag:s10] =	ssyncset.done $0x0  }
0x6e: {  	s23 =	simm.s32 $0x1000;
	s25 =	simm.s32 $0x780;
	[sflag:s10] =	ssyncadd.s32 $0xFFFFF800  }
.LBB2_2:
0x6f: {  	[tilespmem:s29], [sflag:$0x8] =	stream.indirect.gather [hbm4b:s4+s14], $0x10, s25, s14, $0xb8;
	[tilespmem:$0xB800] =	vst v63  }
0x70: {  	s25 =	smov.u32 s23  }
0x71: {  	p0 =	sne.s32 s23, $0x8000;
	s23 =	sadd.s32 $0x1000, s23;
	_ =	swait.ge [sflag:s30], $0x800  }
0x72: {  	s25 =	sshra.s32 s25, $0x2;
	[sflag:s30] =	ssyncset.done $0x0  }
0x73: {  	s5 =	sadd.s32 $0x2800, s25;
	[sflag:s30] =	ssyncadd.s32 $0xFFFFF800  }
0x74: {  	[spmem:s2] =	stream.indirect.scatter.add.f32 [tilespmem:s15], [sflag:$0x9], $0x10, s5, s14, $0xb8;
	[tilespmem:$0xB800] =	vst v63  }
0x75: {  	_ =	swait.ge [sflag:s10], $0x800  }
0x76: {  	[sflag:s10] =	ssyncset.done $0x0  }
0x77: {  	s5 =	sadd.s32 $0x400, s25;
	[sflag:s10] =	ssyncadd.s32 $0xFFFFF800  }
0x78: {  	[tilespmem:s15], [sflag:$0x1] =	stream.indirect.gather [hbm4b:s4+s14], $0x10, s5, s14, $0xb8;
	[tilespmem:$0xB800] =	vst v63  }
0x79: {  	_ =	swait.ge [sflag:s31], $0x800  }
0x7a: {  	[sflag:s31] =	ssyncset.done $0x0  }
0x7b: {  	s5 =	sadd.s32 $0x2880, s25;
	[sflag:s31] =	ssyncadd.s32 $0xFFFFF800  }
0x7c: {  	[spmem:s2] =	stream.indirect.scatter.add.f32 [tilespmem:s16], [sflag:$0x9], $0x10, s5, s14, $0xb8;
	[tilespmem:$0xB800] =	vst v63  }
0x7d: {  	_ =	swait.ge [sflag:s10], $0x800  }
0x7e: {  	[sflag:s10] =	ssyncset.done $0x0  }
0x7f: {  	s5 =	sadd.s32 $0x480, s25;
	[sflag:s10] =	ssyncadd.s32 $0xFFFFF800  }
0x80: {  	[tilespmem:s16], [sflag:$0x2] =	stream.indirect.gather [hbm4b:s4+s14], $0x10, s5, s14, $0xb8;
	[tilespmem:$0xB800] =	vst v63  }
0x81: {  	_ =	swait.ge [sflag:s1], $0x800  }
0x82: {  	[sflag:s1] =	ssyncset.done $0x0  }
0x83: {  	s5 =	sadd.s32 $0x2900, s25;
	[sflag:s1] =	ssyncadd.s32 $0xFFFFF800  }
0x84: {  	[spmem:s2] =	stream.indirect.scatter.add.f32 [tilespmem:s18], [sflag:$0x9], $0x10, s5, s14, $0xb8;
	[tilespmem:$0xB800] =	vst v63  }
0x85: {  	_ =	swait.ge [sflag:s10], $0x800  }
0x86: {  	[sflag:s10] =	ssyncset.done $0x0  }
0x87: {  	s5 =	sadd.s32 $0x500, s25;
	[sflag:s10] =	ssyncadd.s32 $0xFFFFF800  }
0x88: {  	[tilespmem:s18], [sflag:$0x3] =	stream.indirect.gather [hbm4b:s4+s14], $0x10, s5, s14, $0xb8;
	[tilespmem:$0xB800] =	vst v63  }
0x89: {  	_ =	swait.ge [sflag:s0], $0x800  }
0x8a: {  	[sflag:s0] =	ssyncset.done $0x0  }
0x8b: {  	s5 =	sadd.s32 $0x2980, s25;
	[sflag:s0] =	ssyncadd.s32 $0xFFFFF800  }
0x8c: {  	[spmem:s2] =	stream.indirect.scatter.add.f32 [tilespmem:s20], [sflag:$0x9], $0x10, s5, s14, $0xb8;
	[tilespmem:$0xB800] =	vst v63  }
0x8d: {  	_ =	swait.ge [sflag:s10], $0x800  }
0x8e: {  	[sflag:s10] =	ssyncset.done $0x0  }
0x8f: {  	s5 =	sadd.s32 $0x580, s25;
	[sflag:s10] =	ssyncadd.s32 $0xFFFFF800  }
0x90: {  	[tilespmem:s20], [sflag:$0x4] =	stream.indirect.gather [hbm4b:s4+s14], $0x10, s5, s14, $0xb8;
	[tilespmem:$0xB800] =	vst v63  }
0x91: {  	_ =	swait.ge [sflag:s11], $0x800  }
0x92: {  	[sflag:s11] =	ssyncset.done $0x0  }
0x93: {  	s5 =	sadd.s32 $0x2A00, s25;
	[sflag:s11] =	ssyncadd.s32 $0xFFFFF800  }
0x94: {  	[spmem:s2] =	stream.indirect.scatter.add.f32 [tilespmem:s22], [sflag:$0x9], $0x10, s5, s14, $0xb8;
	[tilespmem:$0xB800] =	vst v63  }
0x95: {  	_ =	swait.ge [sflag:s10], $0x800  }
0x96: {  	[sflag:s10] =	ssyncset.done $0x0  }
0x97: {  	s5 =	sadd.s32 $0x600, s25;
	[sflag:s10] =	ssyncadd.s32 $0xFFFFF800  }
0x98: {  	[tilespmem:s22], [sflag:$0x5] =	stream.indirect.gather [hbm4b:s4+s14], $0x10, s5, s14, $0xb8;
	[tilespmem:$0xB800] =	vst v63  }
0x99: {  	_ =	swait.ge [sflag:s17], $0x800  }
0x9a: {  	[sflag:s17] =	ssyncset.done $0x0  }
0x9b: {  	s5 =	sadd.s32 $0x2A80, s25;
	[sflag:s17] =	ssyncadd.s32 $0xFFFFF800  }
0x9c: {  	[spmem:s2] =	stream.indirect.scatter.add.f32 [tilespmem:s24], [sflag:$0x9], $0x10, s5, s14, $0xb8;
	[tilespmem:$0xB800] =	vst v63  }
0x9d: {  	_ =	swait.ge [sflag:s10], $0x800  }
0x9e: {  	[sflag:s10] =	ssyncset.done $0x0  }
0x9f: {  	s5 =	sadd.s32 $0x680, s25;
	[sflag:s10] =	ssyncadd.s32 $0xFFFFF800  }
0xa0: {  	[tilespmem:s24], [sflag:$0x6] =	stream.indirect.gather [hbm4b:s4+s14], $0x10, s5, s14, $0xb8;
	[tilespmem:$0xB800] =	vst v63  }
0xa1: {  	_ =	swait.ge [sflag:s19], $0x800  }
0xa2: {  	[sflag:s19] =	ssyncset.done $0x0  }
0xa3: {  	s5 =	sadd.s32 $0x2B00, s25;
	[sflag:s19] =	ssyncadd.s32 $0xFFFFF800  }
0xa4: {  	[spmem:s2] =	stream.indirect.scatter.add.f32 [tilespmem:s26], [sflag:$0x9], $0x10, s5, s14, $0xb8;
	[tilespmem:$0xB800] =	vst v63  }
0xa5: {  	_ =	swait.ge [sflag:s10], $0x800  }
0xa6: {  	[sflag:s10] =	ssyncset.done $0x0  }
0xa7: {  	s5 =	sadd.s32 $0x700, s25;
	[sflag:s10] =	ssyncadd.s32 $0xFFFFF800  }
0xa8: {  	[tilespmem:s26], [sflag:$0x7] =	stream.indirect.gather [hbm4b:s4+s14], $0x10, s5, s14, $0xb8;
	[tilespmem:$0xB800] =	vst v63  }
0xa9: {  	_ =	swait.ge [sflag:s21], $0x800  }
0xaa: {  	[sflag:s21] =	ssyncset.done $0x0  }
.Ltmp0:
0xab: {  	s5 =	sadd.s32 $0x2B80, s25;
	[sflag:s21] =	ssyncadd.s32 $0xFFFFF800;
	(pc) =	sbr.rel @p0 .LBB2_2-.Ltmp0, $4  }
0xac: {  	[spmem:s2] =	stream.indirect.scatter.add.f32 [tilespmem:s29], [sflag:$0x9], $0x10, s5, s14, $0xb8;
	[tilespmem:$0xB800] =	vst v63  }
0xad: {  	_ =	swait.ge [sflag:s10], $0x800  }
0xae: {  	[sflag:s10] =	ssyncset.done $0x0  }
0xaf: {  	s25 =	sadd.s32 $0x780, s25;
	[sflag:s10] =	ssyncadd.s32 $0xFFFFF800  }
0xb0: {  	[tilespmem:s29], [sflag:$0x8] =	stream.indirect.gather [hbm4b:s4+s14], $0x10, s25, s14, $0xb8;
	[tilespmem:$0xB800] =	vst v63  }
0xb1: {  	_ =	swait.ge [sflag:s30], $0x800  }
0xb2: {  	[sflag:s30] =	ssyncset.done $0x0  }
0xb3: {  	s5 =	simm.s32 $0x4C00;
	[sflag:s30] =	ssyncadd.s32 $0xFFFFF800  }
0xb4: {  	[spmem:s2] =	stream.indirect.scatter.add.f32 [tilespmem:s15], [sflag:$0x9], $0x10, s5, s14, $0xb8;
	[tilespmem:$0xB800] =	vst v63  }
0xb5: {  	_ =	swait.ge [sflag:s10], $0x800  }
0xb6: {  	[sflag:s10] =	ssyncset.done $0x0  }
0xb7: {  	[sflag:s10] =	ssyncadd.s32 $0xFFFFF800  }
0xb8: {  	_ =	swait.ge [sflag:s31], $0x800  }
0xb9: {  	[sflag:s31] =	ssyncset.done $0x0  }
0xba: {  	s25 =	simm.s32 $0x4C80;
	[sflag:s31] =	ssyncadd.s32 $0xFFFFF800  }
0xbb: {  	[spmem:s2] =	stream.indirect.scatter.add.f32 [tilespmem:s16], [sflag:$0x9], $0x10, s25, s14, $0xb8;
	[tilespmem:$0xB800] =	vst v63  }
0xbc: {  	_ =	swait.ge [sflag:s10], $0x800  }
0xbd: {  	[sflag:s10] =	ssyncset.done $0x0  }
0xbe: {  	[sflag:s10] =	ssyncadd.s32 $0xFFFFF800  }
0xbf: {  	_ =	swait.ge [sflag:s1], $0x800  }
0xc0: {  	[sflag:s1] =	ssyncset.done $0x0  }
0xc1: {  	s23 =	simm.s32 $0x4D00;
	[sflag:s1] =	ssyncadd.s32 $0xFFFFF800  }
0xc2: {  	[spmem:s2] =	stream.indirect.scatter.add.f32 [tilespmem:s18], [sflag:$0x9], $0x10, s23, s14, $0xb8;
	[tilespmem:$0xB800] =	vst v63  }
0xc3: {  	_ =	swait.ge [sflag:s10], $0x800  }
0xc4: {  	[sflag:s10] =	ssyncset.done $0x0  }
0xc5: {  	[sflag:s10] =	ssyncadd.s32 $0xFFFFF800  }
0xc6: {  	_ =	swait.ge [sflag:s0], $0x800  }
0xc7: {  	[sflag:s0] =	ssyncset.done $0x0  }
0xc8: {  	s25 =	simm.s32 $0x4D80;
	[sflag:s0] =	ssyncadd.s32 $0xFFFFF800  }
0xc9: {  	[spmem:s2] =	stream.indirect.scatter.add.f32 [tilespmem:s20], [sflag:$0x9], $0x10, s25, s14, $0xb8;
	[tilespmem:$0xB800] =	vst v63  }
0xca: {  	_ =	swait.ge [sflag:s10], $0x800  }
0xcb: {  	[sflag:s10] =	ssyncset.done $0x0  }
0xcc: {  	[sflag:s10] =	ssyncadd.s32 $0xFFFFF800  }
0xcd: {  	_ =	swait.ge [sflag:s11], $0x800  }
0xce: {  	[sflag:s11] =	ssyncset.done $0x0  }
0xcf: {  	s23 =	simm.s32 $0x4E00;
	[sflag:s11] =	ssyncadd.s32 $0xFFFFF800  }
0xd0: {  	[spmem:s2] =	stream.indirect.scatter.add.f32 [tilespmem:s22], [sflag:$0x9], $0x10, s23, s14, $0xb8;
	[tilespmem:$0xB800] =	vst v63  }
0xd1: {  	_ =	swait.ge [sflag:s10], $0x800  }
0xd2: {  	[sflag:s10] =	ssyncset.done $0x0  }
0xd3: {  	[sflag:s10] =	ssyncadd.s32 $0xFFFFF800  }
0xd4: {  	_ =	swait.ge [sflag:s17], $0x800  }
0xd5: {  	[sflag:s17] =	ssyncset.done $0x0  }
0xd6: {  	s25 =	simm.s32 $0x4E80;
	[sflag:s17] =	ssyncadd.s32 $0xFFFFF800  }
0xd7: {  	[spmem:s2] =	stream.indirect.scatter.add.f32 [tilespmem:s24], [sflag:$0x9], $0x10, s25, s14, $0xb8;
	[tilespmem:$0xB800] =	vst v63  }
0xd8: {  	_ =	swait.ge [sflag:s10], $0x800  }
0xd9: {  	[sflag:s10] =	ssyncset.done $0x0  }
0xda: {  	[sflag:s10] =	ssyncadd.s32 $0xFFFFF800  }
0xdb: {  	_ =	swait.ge [sflag:s19], $0x800  }
0xdc: {  	[sflag:s19] =	ssyncset.done $0x0  }
0xdd: {  	s23 =	simm.s32 $0x4F00;
	[sflag:s19] =	ssyncadd.s32 $0xFFFFF800  }
0xde: {  	[spmem:s2] =	stream.indirect.scatter.add.f32 [tilespmem:s26], [sflag:$0x9], $0x10, s23, s14, $0xb8;
	[tilespmem:$0xB800] =	vst v63  }
0xdf: {  	_ =	swait.ge [sflag:s10], $0x800  }
0xe0: {  	[sflag:s10] =	ssyncset.done $0x0  }
0xe1: {  	[sflag:s10] =	ssyncadd.s32 $0xFFFFF800  }
0xe2: {  	_ =	swait.ge [sflag:s21], $0x800  }
0xe3: {  	[sflag:s21] =	ssyncset.done $0x0  }
0xe4: {  	s25 =	simm.s32 $0x4F80;
	[sflag:s21] =	ssyncadd.s32 $0xFFFFF800  }
0xe5: {  	[spmem:s2] =	stream.indirect.scatter.add.f32 [tilespmem:s29], [sflag:$0x9], $0x10, s25, s14, $0xb8;
	[tilespmem:$0xB800] =	vst v63  }
0xe6: {  	_ =	swait.ge [sflag:s10], $0x800  }
0xe7: {  	s28 =	sadd.s32 $0x1, s28;
	[sflag:s10] =	ssyncset.done $0x0  }
0xe8: {  	p0 =	sne.s32 s28, s9;
	[sflag:s10] =	ssyncadd.s32 $0xFFFFF800  }
.Ltmp1:
0xe9: {  	[bflag:$0x0] =	sbarrier.arrive $0xFFFF;
	(pc) =	sbr.rel @p0 .LBB2_1-.Ltmp1, $4  }
0xea: {  	[hbm:s8], [sflag:s12] =	dma.local [spmem:s13], $0x500  }
0xeb: {  	_ =	swait.ge [sflag:s10], $0x500  }
0xec: {  	[sflag:s10] =	ssyncset.done $0x0  }
0xed: {  	[sflag:s10] =	ssyncadd.s32 $0xFFFFFB00  }
0xee: {  	_ =	sfence.sel $0x180000  }
0xef: {  	[bflag:$0x0] =	sbarrier.arrive $0xFFFF  }
0xf0: {  	_ =	strace $0x9000004D  }
0xf1: {  	s0 =	stileid.u32;
	[bflag:$0x2] =	sbarrier.arrive $0xFFFF  }
0xf2: {  	p0 =	sne.s32 s0, $0x0;
	s0 =	rddreg [dreg:$0x2]  }
0xf3: {  	s0 =	sadd.s32 @!p0 $0x100000, s0  }
0xf4: {  	[sflag:s0] =	ssyncadd.tile.s32 @!p0 $0x1;
	_ =	shalt  }
.Lfunc_end2:
_tile_overlayer_lowered:
.L_overlay_start_2:
0xf5: {  	(tag) =	ssettag $0x2  }
0xf6: {  	s0 =	rddreg [dreg:$0x0];
	s2 =	stileid.u32  }
0xf7: {  	s1 =	rddreg [dreg:$0x1];
	p0 =	sne.s32 s2, $0x0  }
0xf8: {  	s3 =	rddreg [dreg:$0x2];
	[bflag:$0x3] =	sbarrier.arrive $0xFFFF;
	s2 =	simm.s32 @!p0 $0x1C09  }
0xf9: {  	[timem:s3], [sflag:s2] =	dma.local @!p0 [hbm:s0], s1  }
0xfa: {  	s0 =	simm.s32 @!p0 $0x9  }
0xfb: {  	_ =	swait.ge @!p0 [sflag:s0], s1  }
0xfc: {  	s1 =	ssub.s32 @!p0 $0x0, s1;
	[sflag:s0] =	ssyncset.done @!p0 $0x0  }
0xfd: {  	[sflag:s0] =	ssyncadd.s32 @!p0 s1  }
0xfe: {  	[bflag:$0x3] =	sbarrier.arrive $0xFFFF  }
0xff: {  	_ =	shalt  }

// kernel: kernel.8.cloned.1.call-start
scs
__scs_entry_jumppad:
0x0: {  	(pc) =	sbr.rel $0x88, $3  }
0x1: {  	(tag) =	ssettag $0x0;
	lr =	simm.s32 $0x1  }
0x2: {  	[smem:$0x3F96] =	sst lr;
	_ =	strace $0xD0000000  }
0x3: {  	_ = 	snop  }
0x4: {  	_ = 	snop  }
0x5: {  	_ = 	snop  }
0x6: {  	_ = 	snop  }
0x7: {  	_ = 	snop  }
__scs_overlays_trampoline_lowered:
0x8: {  	[smem:$0x3FA5] =	sst s0  }
0x9: {  	[smem:$0x3FA6] =	sst s1  }
0xa: {  	[smem:$0x3FA7] =	sst s2  }
0xb: {  	[smem:$0x3FA8] =	sst s3  }
0xc: {  	[smem:$0x3FA9] =	sst s4  }
0xd: {  	[smem:$0x3FAA] =	sst s5  }
0xe: {  	[smem:$0x3FAB] =	sst s6  }
0xf: {  	[smem:$0x3FAC] =	sst s7  }
0x10: {  	[smem:$0x3FAD] =	sst s8  }
0x11: {  	[smem:$0x3FAE] =	sst s9;
	s0 =	simm.s32 @!p0 $0x0  }
0x12: {  	s1 =	sld [smem:$0x3F94];
	s0 =	simm.s32 @p0 $0x1  }
0x13: {  	[smem:$0x3FAF] =	sst s0;
	s0 =	simm.s32 @!p1 $0x0  }
0x14: {  	s2 =	sld [smem:$0x3F93];
	s0 =	simm.s32 @p1 $0x1  }
0x15: {  	[smem:$0x3FB0] =	sst s0;
	s0 =	simm.s32 @!p2 $0x0  }
0x16: {  	s3 =	sld [smem:$0x3FDB];
	s0 =	simm.s32 @p2 $0x1  }
0x17: {  	s4 =	simm.s32 $0x1BF5;
	[smem:$0x3FB2] =	sst s0  }
0x18: {  	s0 =	sld [smem:$0x3F95];
	_ =	swait.ge [sflag:s4], $0x0  }
0x19: {  	s7 =	sld [smem:$0x3F96]  }
0x1a: {  	s8 =	sadd.s32 $0xFFFFE003, lr  }
0x1b: {  	s9 =	sadd.s32 $0xFFFFFEF7, lr;
	s5 =	simm.s32 $0xFFFFFFFF;
	p2 =	slt.u32 s8, $0xFFFFF086  }
0x1c: {  	p1 =	slt.u32 s9, $0xF7A;
	s5 =	simm.s32 @!p2 $0x0  }
0x1d: {  	s5 =	simm.s32 @p1 $0x1;
	p0 =	seq.s32 s7, s2  }
0x1e: {  	s7 =	smul.u32 @!p0 $0xF7A, s2;
	p2 =	seq.s32 @!p0 s5, $0x0  }
0x1f: {  	s9 =	smul.u32 $0xF7A, s1;
	s8 =	simm.s32 @!p0 $0x1BF5;
	p2 =	por !p2, p0  }
0x20: {  	[sflag:s8] =	ssyncset.s32 @!p0 $0xFFFFF086;
	s6 =	sadd.s32 @!p0 s3, s7;
	s7 =	simm.s32 @!p0 $0x108  }
0x21: {  	s3 =	sadd.s32 s3, s9;
	s6 =	sadd.s32 @!p0 $0x88, s6;
	s7 =	simm.s32 @p2 $0x1082  }
0x22: {  	[simem:s7], [sflag:s8] =	dma.local @!p0 [hbm:s6], $0xF7A  }
0x23: {  	s9 =	sor.u32 $0xD0000000, s2;
	s6 =	simm.s32 $0x108;
	_ =	swait.ge @!p0 [sflag:s8], $0x0  }
0x24: {  	s3 =	sadd.s32 $0x88, s3;
	s6 =	simm.s32 @!p1 $0x1082;
	[sflag:s4] =	ssyncset.s32 $0xFFFFF086  }
0x25: {  	[simem:s6], [sflag:s4] =	dma.local [hbm:s3], $0xF7A  }
0x26: {  	[smem:$0x3F96] =	sst s1;
	(tag) =	ssettag s2;
	_ =	strace s9  }
0x27: {  	s1 =	sld [smem:$0x3FA6]  }
0x28: {  	s2 =	sld [smem:$0x3FA7]  }
0x29: {  	s4 =	sld [smem:$0x3FA9]  }
0x2a: {  	p0 =	seq.s32 s5, $0x0;
	s5 =	sld [smem:$0x3FAA]  }
0x2b: {  	s6 =	sld [smem:$0x3FAB]  }
0x2c: {  	s7 =	sld [smem:$0x3FAC]  }
0x2d: {  	s3 =	simm.s32 $0x108;
	s8 =	sld [smem:$0x3FAD]  }
0x2e: {  	s3 =	simm.s32 @!p0 $0x1082;
	s9 =	sld [smem:$0x3FAE]  }
0x2f: {  	lr =	sadd.s32 s0, s3;
	s0 =	sld [smem:$0x3FA5]  }
0x30: {  	s3 =	sld [smem:$0x3FA8]  }
0x31: {  	[smem:$0x3FB1] =	sst s10  }
0x32: {  	s10 =	sld [smem:$0x3FAF];
	_ =	sdelay $0x3  }
0x33: {  	p0 =	seq.s32 s10, $0x1;
	s10 =	sld [smem:$0x3FB1];
	_ =	sdelay $0x3  }
0x34: {  	[smem:$0x3FB1] =	sst s10  }
0x35: {  	s10 =	sld [smem:$0x3FB0];
	_ =	sdelay $0x3  }
0x36: {  	p1 =	seq.s32 s10, $0x1;
	s10 =	sld [smem:$0x3FB1];
	_ =	sdelay $0x3  }
0x37: {  	[smem:$0x3FB1] =	sst s10  }
0x38: {  	s10 =	sld [smem:$0x3FB2]  }
0x39: {  	_ = 	snop;
	(pc) =	sbr.ind lr, $3  }
0x3a: {  	_ = 	snop  }
0x3b: {  	_ = 	snop  }
0x3c: {  	p2 =	seq.s32 s10, $0x1;
	s10 =	sld [smem:$0x3FB1]  }
0x3d: {  	_ =	shalt  }
0x3e: {  	_ =	shalt  }
0x3f: {  	_ =	shalt  }
0x40: {  	_ =	shalt  }
0x41: {  	_ =	shalt  }
0x42: {  	_ =	shalt  }
0x43: {  	_ =	shalt  }
0x44: {  	_ =	shalt  }
0x45: {  	_ =	shalt  }
0x46: {  	_ =	shalt  }
0x47: {  	_ =	shalt  }
0x48: {  	_ =	shalt  }
0x49: {  	_ =	shalt  }
0x4a: {  	_ =	shalt  }
0x4b: {  	_ =	shalt  }
0x4c: {  	_ =	shalt  }
0x4d: {  	_ =	shalt  }
0x4e: {  	_ =	shalt  }
0x4f: {  	_ =	shalt  }
0x50: {  	_ =	shalt  }
0x51: {  	_ =	shalt  }
0x52: {  	_ =	shalt  }
0x53: {  	_ =	shalt  }
0x54: {  	_ =	shalt  }
0x55: {  	_ =	shalt  }
0x56: {  	_ =	shalt  }
0x57: {  	_ =	shalt  }
0x58: {  	_ =	shalt  }
0x59: {  	_ =	shalt  }
0x5a: {  	_ =	shalt  }
0x5b: {  	_ =	shalt  }
0x5c: {  	_ =	shalt  }
0x5d: {  	_ =	shalt  }
0x5e: {  	_ =	shalt  }
0x5f: {  	_ =	shalt  }
0x60: {  	_ =	shalt  }
0x61: {  	_ =	shalt  }
0x62: {  	_ =	shalt  }
0x63: {  	_ =	shalt  }
0x64: {  	_ =	shalt  }
0x65: {  	_ =	shalt  }
0x66: {  	_ =	shalt  }
0x67: {  	_ =	shalt  }
0x68: {  	_ =	shalt  }
0x69: {  	_ =	shalt  }
0x6a: {  	_ =	shalt  }
0x6b: {  	_ =	shalt  }
0x6c: {  	_ =	shalt  }
0x6d: {  	_ =	shalt  }
0x6e: {  	_ =	shalt  }
0x6f: {  	_ =	shalt  }
0x70: {  	_ =	shalt  }
0x71: {  	_ =	shalt  }
0x72: {  	_ =	shalt  }
0x73: {  	_ =	shalt  }
0x74: {  	_ =	shalt  }
0x75: {  	_ =	shalt  }
0x76: {  	_ =	shalt  }
0x77: {  	_ =	shalt  }
0x78: {  	_ =	shalt  }
0x79: {  	_ =	shalt  }
0x7a: {  	_ =	shalt  }
0x7b: {  	_ =	shalt  }
0x7c: {  	_ =	shalt  }
0x7d: {  	_ =	shalt  }
0x7e: {  	_ =	shalt  }
0x7f: {  	_ =	shalt  }
0x80: {  	_ =	shalt  }
0x81: {  	_ =	shalt  }
0x82: {  	_ =	shalt  }
0x83: {  	_ =	shalt  }
0x84: {  	_ =	shalt  }
0x85: {  	_ =	shalt  }
0x86: {  	_ =	shalt  }
0x87: {  	_ =	shalt  }
.Lfunc_end0:
.L_simem_size_0:
called_computation_lowered:
.L_overlay_start_0:
0x88: {  	s2 =	sld [smem:$0x3FD9]  }
0x89: {  	s3 =	sld [smem:$0x3FFE];
	_ =	sdelay $0x1  }
0x8a: {  	s1 =	srdreg.scid  }
0x8b: {  	s0 =	sand.u32 $0x1, s1  }
0x8c: {  	s16 =	sshll.u32 s0, $0xA;
	s2 =	sadd.s32 s3, s2  }
0x8d: {  	s2 =	sadd.s32 s2, s16  }
0x8e: {  	[smem:$0x3FBD] =	sst s2  }
0x8f: {  	_ = 	snop  }
0x90: {  	(tm) =	ssettm $0x1  }
0x91: {  	s17 =	sld [smem:$0x3FFB];
	_ =	sdelay $0x3  }
0x92: {  	_ =	strace s17  }
0x93: {  	s2 =	sld [smem:$0x3FFC];
	_ =	sdelay $0x3  }
0x94: {  	_ =	strace s2  }
0x95: {  	s2 =	sld [smem:$0x3FFD];
	_ =	sdelay $0x3  }
0x96: {  	_ =	strace s2  }
0x97: {  	_ =	strace $0x8FFFFFFF  }
0x98: {  	s18 =	sld [smem:$0x3FDB];
	_ =	sdelay $0x1  }
0x99: {  	s19 =	simm.s32 $_scs_section_size  }
0x9a: {  	s4 =	simm.s32 $_size__tile_overlayer_lowered;
	s5 =	simm.s32 $_tile_overlayer_lowered  }
0x9b: {  	s22 =	simm.s32 $0x1BFF;
	s21 =	sshll.u32 s5, $0x1;
	s2 =	sadd.s32 s19, s18  }
0x9c: {  	s6 =	simm.s32 $0x0;
	s20 =	sshll.u32 s4, $0x1;
	s4 =	sadd.s32 s21, s2  }
0x9d: {  	[timem:s6], [sflag:s22] =	dma.local [hbm:s4], s20  }
0x9e: {  	_ =	swait.ge [sflag:s22], s20  }
0x9f: {  	s3 =	ssub.s32 $0x0, s20;
	[sflag:s22] =	ssyncset.done $0x0  }
0xa0: {  	[sflag:s22] =	ssyncadd.s32 s3;
	_ =	sdelay $0x1  }
0xa1: {  	s23 =	simm.s32 $0x1B8B  }
0xa2: {  	_ =	swait.ge [sflag:s23], $0x1  }
0xa3: {  	[sflag:s23] =	ssyncset.done $0x0  }
0xa4: {  	s25 =	simm.s32 $0x1B8E;
	s24 =	sld [smem:$0x3FFE];
	[sflag:s23] =	ssyncadd.s32 $0xFFFFFFFF  }
0xa5: {  	s26 =	simm.s32 $execute0_lowered;
	[smem:$0x3FD2] =	sst s25  }
0xa6: {  	s4 =	sshll.u32 s26, $0x1;
	_ =	strace $0x80000046;
	[dreg:$0x1] =	wrdreg $0xFFFFFFFF  }
0xa7: {  	s28 =	simm.s32 $_size_execute0_lowered;
	s2 =	sadd.s32 s2, s4;
	[dreg:$0x0] =	wrdreg $0x0  }
0xa8: {  	s4 =	sshll.u32 s28, $0x1;
	[dreg:$0x2] =	wrdreg s2  }
0xa9: {  	[dreg:$0x3] =	wrdreg s4  }
0xaa: {  	[dreg:$0x4] =	wrdreg $0xC0  }
0xab: {  	_ =	task [dreg:s6], $0x5FFFF  }
0xac: {  	[dreg:$0x1] =	wrdreg $0xFFFFFFFF  }
0xad: {  	[dreg:$0x0] =	wrdreg $0x60  }
0xae: {  	[dreg:$0x2] =	wrdreg s24  }
0xaf: {  	[dreg:$0x3] =	wrdreg $0x2B000  }
0xb0: {  	[dreg:$0x4] =	wrdreg $0x9  }
0xb1: {  	_ =	task.clear_ibuf [dreg:s6], $0x5FFFF;
	_ =	strace $0x90000046  }
0xb2: {  	s29 =	simm.s32 $0x9;
	_ =	strace $0x80000048  }
0xb3: {  	_ =	swait.ge [sflag:s29], $0x1  }
0xb4: {  	[sflag:s29] =	ssyncadd.s32 $0xFFFFFFFF  }
0xb5: {  	_ =	strace $0x90000048  }
0xb6: {  	_ =	sfence  }
0xb7: {  	s30 =	sld [smem:$0x0];
	_ =	sdelay $0x2  }
0xb8: {  	s31 =	sshll.u32 s1, $0xD;
	s1 =	sshrl.u32 s1, $0x2  }
0xb9: {  	s3 =	sand.u32 $0x4000, s31;
	s1 =	sadd.s32 s1, s30  }
0xba: {  	s0 =	sor.u32 s3, s0;
	s1 =	sshll.u32 s1, $0x11  }
0xbb: {  	s0 =	sor.u32 s1, s0  }
0xbc: {  	s0 =	sadd.s32 $0x8F2B, s0  }
0xbd: {  	[sflag:s0] =	ssyncadd.remote.s32 $0x1  }
0xbe: {  	_ =	sfence.sel $0xFFFF  }
0xbf: {  	[dreg:$0x0] =	wrdreg $0xFFFFFFFF;
	(pc) =	sbr.abs _section_cstart, $3  }
0xc0: {  	[dreg:$0x1] =	wrdreg $0xFFFFFFFF  }
0xc1: {  	_ =	task.clear_ibuf [dreg:s6], $0x2FFFF;
	_ =	strace $0x9FFFFFFF  }
0xc2: {  	(tm) =	ssettm $0x7FFFFFFF  }
0xc3: {  	_ =	shalt  }
tec
execute0_lowered:
.L_overlay_start_1:
0x0: {  	(tag) =	ssettag $0x1  }
0x1: {  	s1 =	srdreg.scid;
	s4 =	rddreg [dreg:$0x0]  }
0x2: {  	s0 =	stileid.u32;
	s2 =	rddreg [dreg:$0x1];
	s3 =	simm.s32 $0x0  }
0x3: {  	s10 =	simm.s32 $0x80;
	s11 =	simm.s32 $0x2800;
	s12 =	simm.s32 $0x1  }
0x4: {  	s13 =	simm.s32 $0x2;
	s14 =	simm.s32 $0x3;
	s15 =	simm.s32 $0x4  }
0x5: {  	s16 =	simm.s32 $0x5;
	s17 =	simm.s32 $0x6;
	s18 =	simm.s32 $0x7  }
0x6: {  	s19 =	simm.s32 $0x8;
	s5 =	sand.u32 $0x1, s1;
	s1 =	rddreg [dreg:$0x2]  }
0x7: {  	s22 =	simm.s32 $0x0;
	s6 =	smul.u32 $0x280, s0;
	[smem:$0x7FF] =	sst s3  }
0x8: {  	s20 =	sshll.u32 s0, $0x6;
	s7 =	sshll.u32 s5, $0x4;
	s8 =	smul.u32 $0x2800, s5  }
0x9: {  	_ =	strace $0x80000047;
	s5 =	ssub.s32 $0x2, s5;
	s7 =	sor.u32 s0, s7  }
0xa: {  	s31 =	sshrl.u32 s5, $0x1;
	s7 =	smul.u32 $0x500, s7;
	s8 =	sadd.s32 s6, s8  }
0xb: {  	s20 =	sor.u32 $0x1C09, s20;
	s9 =	ssub.s32 s5, s31;
	s8 =	sshrl.u32 s8, $0x3  }
0xc: {  	s5 =	sadd.s32 s6, s2;
	s7 =	sadd.s32 s7, s4;
	s8 =	sadd.s32 s8, s4  }
0xd: {  	s21 =	sshrl.u32 s5, $0x3;
	s4 =	sadd.s32 $0x2000, s7;
	s6 =	sadd.s32 $0xC000, s8  }
0xe: {  	v0 =	vimm.f32 $0.0e+00;
	v1 =	vimm.f32 $1.000000000e+00;
	s7 =	smax.u32 s9, $0x1;
	s8 =	simm.s32 $0x9;
	s9 =	simm.s32 $0x2880  }
.LBB2_1:
0xf: {  	[tilespmem:$0x2880] =	vst v0  }
0x10: {  	[tilespmem:$0x2890] =	vst v0  }
0x11: {  	[tilespmem:$0x28A0] =	vst v0  }
0x12: {  	[tilespmem:$0x28B0] =	vst v0  }
0x13: {  	[tilespmem:$0x28C0] =	vst v0  }
0x14: {  	[tilespmem:$0x28D0] =	vst v0  }
0x15: {  	[tilespmem:$0x28E0] =	vst v0  }
0x16: {  	[tilespmem:$0x28F0] =	vst v0  }
0x17: {  	[tilespmem:$0x2900] =	vst v0  }
0x18: {  	[tilespmem:$0x2910] =	vst v0  }
0x19: {  	[tilespmem:$0x2920] =	vst v0  }
0x1a: {  	[tilespmem:$0x2930] =	vst v0  }
0x1b: {  	[tilespmem:$0x2940] =	vst v0  }
0x1c: {  	[tilespmem:$0x2950] =	vst v0  }
0x1d: {  	[tilespmem:$0x2960] =	vst v0  }
0x1e: {  	[tilespmem:$0x2970] =	vst v0  }
0x1f: {  	[tilespmem:$0x2980] =	vst v0  }
0x20: {  	[tilespmem:$0x2990] =	vst v0  }
0x21: {  	[tilespmem:$0x29A0] =	vst v0  }
0x22: {  	[tilespmem:$0x29B0] =	vst v0  }
0x23: {  	[tilespmem:$0x29C0] =	vst v0  }
0x24: {  	[tilespmem:$0x29D0] =	vst v0  }
0x25: {  	[tilespmem:$0x29E0] =	vst v0  }
0x26: {  	[tilespmem:$0x29F0] =	vst v0  }
0x27: {  	[tilespmem:$0x2A00] =	vst v0  }
0x28: {  	[tilespmem:$0x2A10] =	vst v0  }
0x29: {  	[tilespmem:$0x2A20] =	vst v0  }
0x2a: {  	[tilespmem:$0x2A30] =	vst v0  }
0x2b: {  	[tilespmem:$0x2A40] =	vst v0  }
0x2c: {  	[tilespmem:$0x2A50] =	vst v0  }
0x2d: {  	[tilespmem:$0x2A60] =	vst v0  }
0x2e: {  	[tilespmem:$0x2A70] =	vst v0  }
0x2f: {  	[tilespmem:$0x2A80] =	vst v0  }
0x30: {  	[tilespmem:$0x2A90] =	vst v0  }
0x31: {  	[tilespmem:$0x2AA0] =	vst v0  }
0x32: {  	[tilespmem:$0x2AB0] =	vst v0  }
0x33: {  	[tilespmem:$0x2AC0] =	vst v0  }
0x34: {  	[tilespmem:$0x2AD0] =	vst v0  }
0x35: {  	[tilespmem:$0x2AE0] =	vst v0  }
0x36: {  	[tilespmem:$0x2AF0] =	vst v0  }
0x37: {  	[tilespmem:$0x2800] =	vst v1  }
0x38: {  	[tilespmem:$0x2810] =	vst v1  }
0x39: {  	[tilespmem:$0x2820] =	vst v1  }
0x3a: {  	[tilespmem:$0x2830] =	vst v1  }
0x3b: {  	[tilespmem:$0x2840] =	vst v1  }
0x3c: {  	[tilespmem:$0x2850] =	vst v1  }
0x3d: {  	[tilespmem:$0x2860] =	vst v1  }
0x3e: {  	[tilespmem:$0x2870] =	vst v1  }
0x3f: {  	[tilespmem:s3], [sflag:$0x9] =	stream.linear.gather [hbm4b:s4+s3], $0x2800, $0x38;
	[tilespmem:$0x2D80] =	vst v63  }
0x40: {  	_ =	swait.ge [sflag:s8], $0x2800  }
0x41: {  	[sflag:s8] =	ssyncset.done $0x0  }
0x42: {  	[sflag:s8] =	ssyncadd.s32 $0xFFFFD800  }
0x43: {  	[spmem:s5] =	stream.linear.scatter [tilespmem:s9], [sflag:$0x9], $0x280, $0x38;
	[tilespmem:$0x2D80] =	vst v63  }
0x44: {  	_ =	swait.ge [sflag:s8], $0x280  }
0x45: {  	[sflag:s8] =	ssyncset.done $0x0  }
0x46: {  	[sflag:s8] =	ssyncadd.s32 $0xFFFFFD80  }
0x47: {  	s23 =	simm.s32 $0x0;
	[bflag:$0x0] =	sbarrier.arrive $0xFFFF  }
0x48: {  	[spmem:s2] =	stream.indirect.scatter.add.f32 [tilespmem:s11], [sflag:$0x1], $0x1, s23, s10, $0xb8;
	[tilespmem:$0x2D80] =	vst v63  }
0x49: {  	s24 =	simm.s32 $0x80  }
0x4a: {  	[spmem:s2] =	stream.indirect.scatter.add.f32 [tilespmem:s11], [sflag:$0x2], $0x1, s24, s10, $0xb8;
	[tilespmem:$0x2D80] =	vst v63  }
0x4b: {  	s25 =	simm.s32 $0x100  }
0x4c: {  	[spmem:s2] =	stream.indirect.scatter.add.f32 [tilespmem:s11], [sflag:$0x3], $0x1, s25, s10, $0xb8;
	[tilespmem:$0x2D80] =	vst v63  }
0x4d: {  	s26 =	simm.s32 $0x180  }
0x4e: {  	[spmem:s2] =	stream.indirect.scatter.add.f32 [tilespmem:s11], [sflag:$0x4], $0x1, s26, s10, $0xb8;
	[tilespmem:$0x2D80] =	vst v63  }
0x4f: {  	s28 =	simm.s32 $0x200  }
0x50: {  	[spmem:s2] =	stream.indirect.scatter.add.f32 [tilespmem:s11], [sflag:$0x5], $0x1, s28, s10, $0xb8;
	[tilespmem:$0x2D80] =	vst v63  }
0x51: {  	s29 =	simm.s32 $0x280  }
0x52: {  	[spmem:s2] =	stream.indirect.scatter.add.f32 [tilespmem:s11], [sflag:$0x6], $0x1, s29, s10, $0xb8;
	[tilespmem:$0x2D80] =	vst v63  }
0x53: {  	s30 =	simm.s32 $0x300  }
0x54: {  	[spmem:s2] =	stream.indirect.scatter.add.f32 [tilespmem:s11], [sflag:$0x7], $0x1, s30, s10, $0xb8;
	[tilespmem:$0x2D80] =	vst v63  }
0x55: {  	s31 =	simm.s32 $0x380  }
0x56: {  	[spmem:s2] =	stream.indirect.scatter.add.f32 [tilespmem:s11], [sflag:$0x8], $0x1, s31, s10, $0xb8;
	[tilespmem:$0x2D80] =	vst v63  }
0x57: {  	_ =	swait.ge [sflag:s12], $0x80  }
0x58: {  	[sflag:s12] =	ssyncset.done $0x0  }
0x59: {  	[sflag:s12] =	ssyncadd.s32 $0xFFFFFF80  }
0x5a: {  	_ =	swait.ge [sflag:s13], $0x80  }
0x5b: {  	[sflag:s13] =	ssyncset.done $0x0  }
0x5c: {  	[sflag:s13] =	ssyncadd.s32 $0xFFFFFF80  }
0x5d: {  	_ =	swait.ge [sflag:s14], $0x80  }
0x5e: {  	[sflag:s14] =	ssyncset.done $0x0  }
0x5f: {  	[sflag:s14] =	ssyncadd.s32 $0xFFFFFF80  }
0x60: {  	_ =	swait.ge [sflag:s15], $0x80  }
0x61: {  	[sflag:s15] =	ssyncset.done $0x0  }
0x62: {  	[sflag:s15] =	ssyncadd.s32 $0xFFFFFF80  }
0x63: {  	_ =	swait.ge [sflag:s16], $0x80  }
0x64: {  	[sflag:s16] =	ssyncset.done $0x0  }
0x65: {  	[sflag:s16] =	ssyncadd.s32 $0xFFFFFF80  }
0x66: {  	_ =	swait.ge [sflag:s17], $0x80  }
0x67: {  	[sflag:s17] =	ssyncset.done $0x0  }
0x68: {  	[sflag:s17] =	ssyncadd.s32 $0xFFFFFF80  }
0x69: {  	_ =	swait.ge [sflag:s18], $0x80  }
0x6a: {  	[sflag:s18] =	ssyncset.done $0x0  }
0x6b: {  	[sflag:s18] =	ssyncadd.s32 $0xFFFFFF80  }
0x6c: {  	_ =	swait.ge [sflag:s19], $0x80  }
0x6d: {  	s23 =	simm.s32 $0x1000;
	s25 =	simm.s32 $0x2000;
	[sflag:s19] =	ssyncset.done $0x0  }
.LBB2_2:
0x6e: {  	s26 =	sshra.s32 s23, $0x2  }
0x6f: {  	[sflag:s19] =	ssyncadd.s32 $0xFFFFFF80;
	s23 =	smov.u32 s25;
	s24 =	sadd.s32 $0x1000, s25  }
0x70: {  	[spmem:s2] =	stream.indirect.scatter.add.f32 [tilespmem:s11], [sflag:$0x1], $0x1, s26, s10, $0xb8;
	[tilespmem:$0x2D80] =	vst v63  }
0x71: {  	p0 =	sne.s32 s25, $0x9000;
	s25 =	sadd.s32 $0x80, s26  }
0x72: {  	[spmem:s2] =	stream.indirect.scatter.add.f32 [tilespmem:s11], [sflag:$0x2], $0x1, s25, s10, $0xb8;
	[tilespmem:$0x2D80] =	vst v63  }
0x73: {  	s25 =	sadd.s32 $0x100, s26  }
0x74: {  	[spmem:s2] =	stream.indirect.scatter.add.f32 [tilespmem:s11], [sflag:$0x3], $0x1, s25, s10, $0xb8;
	[tilespmem:$0x2D80] =	vst v63  }
0x75: {  	s25 =	sadd.s32 $0x180, s26  }
0x76: {  	[spmem:s2] =	stream.indirect.scatter.add.f32 [tilespmem:s11], [sflag:$0x4], $0x1, s25, s10, $0xb8;
	[tilespmem:$0x2D80] =	vst v63  }
0x77: {  	s25 =	sadd.s32 $0x200, s26  }
0x78: {  	[spmem:s2] =	stream.indirect.scatter.add.f32 [tilespmem:s11], [sflag:$0x5], $0x1, s25, s10, $0xb8;
	[tilespmem:$0x2D80] =	vst v63  }
0x79: {  	s25 =	sadd.s32 $0x280, s26  }
0x7a: {  	[spmem:s2] =	stream.indirect.scatter.add.f32 [tilespmem:s11], [sflag:$0x6], $0x1, s25, s10, $0xb8;
	[tilespmem:$0x2D80] =	vst v63  }
0x7b: {  	s25 =	sadd.s32 $0x300, s26  }
0x7c: {  	[spmem:s2] =	stream.indirect.scatter.add.f32 [tilespmem:s11], [sflag:$0x7], $0x1, s25, s10, $0xb8;
	[tilespmem:$0x2D80] =	vst v63  }
0x7d: {  	s25 =	sadd.s32 $0x380, s26  }
0x7e: {  	[spmem:s2] =	stream.indirect.scatter.add.f32 [tilespmem:s11], [sflag:$0x8], $0x1, s25, s10, $0xb8;
	[tilespmem:$0x2D80] =	vst v63  }
0x7f: {  	_ =	swait.ge [sflag:s12], $0x80  }
0x80: {  	[sflag:s12] =	ssyncset.done $0x0  }
0x81: {  	[sflag:s12] =	ssyncadd.s32 $0xFFFFFF80  }
0x82: {  	_ =	swait.ge [sflag:s13], $0x80  }
0x83: {  	[sflag:s13] =	ssyncset.done $0x0  }
0x84: {  	[sflag:s13] =	ssyncadd.s32 $0xFFFFFF80  }
0x85: {  	_ =	swait.ge [sflag:s14], $0x80  }
0x86: {  	[sflag:s14] =	ssyncset.done $0x0  }
0x87: {  	[sflag:s14] =	ssyncadd.s32 $0xFFFFFF80  }
0x88: {  	_ =	swait.ge [sflag:s15], $0x80  }
0x89: {  	[sflag:s15] =	ssyncset.done $0x0  }
0x8a: {  	[sflag:s15] =	ssyncadd.s32 $0xFFFFFF80  }
0x8b: {  	_ =	swait.ge [sflag:s16], $0x80  }
0x8c: {  	[sflag:s16] =	ssyncset.done $0x0  }
0x8d: {  	[sflag:s16] =	ssyncadd.s32 $0xFFFFFF80  }
0x8e: {  	_ =	swait.ge [sflag:s17], $0x80  }
0x8f: {  	[sflag:s17] =	ssyncset.done $0x0  }
0x90: {  	[sflag:s17] =	ssyncadd.s32 $0xFFFFFF80  }
.Ltmp0:
0x91: {  	_ =	swait.ge [sflag:s18], $0x80;
	(pc) =	sbr.rel @p0 .LBB2_2-.Ltmp0, $4  }
0x92: {  	[sflag:s18] =	ssyncset.done $0x0  }
0x93: {  	[sflag:s18] =	ssyncadd.s32 $0xFFFFFF80  }
0x94: {  	_ =	swait.ge [sflag:s19], $0x80  }
0x95: {  	s25 =	smov.u32 s24;
	[sflag:s19] =	ssyncset.done $0x0  }
0x96: {  	s23 =	sshra.s32 s23, $0x2;
	[sflag:s19] =	ssyncadd.s32 $0xFFFFFF80  }
0x97: {  	[spmem:s2] =	stream.indirect.scatter.add.f32 [tilespmem:s11], [sflag:$0x1], $0x1, s23, s10, $0xb8;
	[tilespmem:$0x2D80] =	vst v63  }
0x98: {  	s24 =	sadd.s32 $0x80, s23  }
0x99: {  	[spmem:s2] =	stream.indirect.scatter.add.f32 [tilespmem:s11], [sflag:$0x2], $0x1, s24, s10, $0xb8;
	[tilespmem:$0x2D80] =	vst v63  }
0x9a: {  	s26 =	sadd.s32 $0x100, s23  }
0x9b: {  	[spmem:s2] =	stream.indirect.scatter.add.f32 [tilespmem:s11], [sflag:$0x3], $0x1, s26, s10, $0xb8;
	[tilespmem:$0x2D80] =	vst v63  }
0x9c: {  	s28 =	sadd.s32 $0x180, s23  }
0x9d: {  	[spmem:s2] =	stream.indirect.scatter.add.f32 [tilespmem:s11], [sflag:$0x4], $0x1, s28, s10, $0xb8;
	[tilespmem:$0x2D80] =	vst v63  }
0x9e: {  	s29 =	sadd.s32 $0x200, s23  }
0x9f: {  	[spmem:s2] =	stream.indirect.scatter.add.f32 [tilespmem:s11], [sflag:$0x5], $0x1, s29, s10, $0xb8;
	[tilespmem:$0x2D80] =	vst v63  }
0xa0: {  	s30 =	sadd.s32 $0x280, s23  }
0xa1: {  	[spmem:s2] =	stream.indirect.scatter.add.f32 [tilespmem:s11], [sflag:$0x6], $0x1, s30, s10, $0xb8;
	[tilespmem:$0x2D80] =	vst v63  }
0xa2: {  	s31 =	sadd.s32 $0x300, s23  }
0xa3: {  	[spmem:s2] =	stream.indirect.scatter.add.f32 [tilespmem:s11], [sflag:$0x7], $0x1, s31, s10, $0xb8;
	[tilespmem:$0x2D80] =	vst v63  }
0xa4: {  	s23 =	sadd.s32 $0x380, s23  }
0xa5: {  	[spmem:s2] =	stream.indirect.scatter.add.f32 [tilespmem:s11], [sflag:$0x8], $0x1, s23, s10, $0xb8;
	[tilespmem:$0x2D80] =	vst v63  }
0xa6: {  	_ =	swait.ge [sflag:s12], $0x80  }
0xa7: {  	[sflag:s12] =	ssyncset.done $0x0  }
0xa8: {  	[sflag:s12] =	ssyncadd.s32 $0xFFFFFF80  }
0xa9: {  	_ =	swait.ge [sflag:s13], $0x80  }
0xaa: {  	[sflag:s13] =	ssyncset.done $0x0  }
0xab: {  	[sflag:s13] =	ssyncadd.s32 $0xFFFFFF80  }
0xac: {  	_ =	swait.ge [sflag:s14], $0x80  }
0xad: {  	[sflag:s14] =	ssyncset.done $0x0  }
0xae: {  	[sflag:s14] =	ssyncadd.s32 $0xFFFFFF80  }
0xaf: {  	_ =	swait.ge [sflag:s15], $0x80  }
0xb0: {  	[sflag:s15] =	ssyncset.done $0x0  }
0xb1: {  	[sflag:s15] =	ssyncadd.s32 $0xFFFFFF80  }
0xb2: {  	_ =	swait.ge [sflag:s16], $0x80  }
0xb3: {  	[sflag:s16] =	ssyncset.done $0x0  }
0xb4: {  	[sflag:s16] =	ssyncadd.s32 $0xFFFFFF80  }
0xb5: {  	_ =	swait.ge [sflag:s17], $0x80  }
0xb6: {  	[sflag:s17] =	ssyncset.done $0x0  }
0xb7: {  	[sflag:s17] =	ssyncadd.s32 $0xFFFFFF80  }
0xb8: {  	_ =	swait.ge [sflag:s18], $0x80  }
0xb9: {  	[sflag:s18] =	ssyncset.done $0x0  }
0xba: {  	[sflag:s18] =	ssyncadd.s32 $0xFFFFFF80  }
0xbb: {  	_ =	swait.ge [sflag:s19], $0x80  }
0xbc: {  	s22 =	sadd.s32 $0x1, s22;
	[sflag:s19] =	ssyncset.done $0x0  }
0xbd: {  	p0 =	sne.s32 s22, s7;
	[sflag:s19] =	ssyncadd.s32 $0xFFFFFF80  }
.Ltmp1:
0xbe: {  	[bflag:$0x0] =	sbarrier.arrive $0xFFFF;
	(pc) =	sbr.rel @p0 .LBB2_1-.Ltmp1, $4  }
0xbf: {  	[hbm:s6], [sflag:s20] =	dma.local [spmem:s21], $0x50  }
0xc0: {  	_ =	swait.ge [sflag:s8], $0x50  }
0xc1: {  	[sflag:s8] =	ssyncset.done $0x0  }
0xc2: {  	[sflag:s8] =	ssyncadd.s32 $0xFFFFFFB0  }
0xc3: {  	_ =	sfence.sel $0x180000  }
0xc4: {  	[bflag:$0x0] =	sbarrier.arrive $0xFFFF  }
0xc5: {  	p0 =	sne.s32 s0, $0x0;
	_ =	strace $0x90000047  }
0xc6: {  	s0 =	sadd.s32 @!p0 $0x100000, s1;
	[bflag:$0x2] =	sbarrier.arrive $0xFFFF  }
0xc7: {  	[sflag:s0] =	ssyncadd.tile.s32 @!p0 $0x1;
	_ =	shalt  }
.Lfunc_end2:
_tile_overlayer_lowered:
.L_overlay_start_2:
0xc8: {  	(tag) =	ssettag $0x2  }
0xc9: {  	s0 =	rddreg [dreg:$0x0];
	s2 =	stileid.u32  }
0xca: {  	s1 =	rddreg [dreg:$0x1];
	p0 =	sne.s32 s2, $0x0  }
0xcb: {  	s3 =	rddreg [dreg:$0x2];
	[bflag:$0x3] =	sbarrier.arrive $0xFFFF;
	s2 =	simm.s32 @!p0 $0x1C09  }
0xcc: {  	[timem:s3], [sflag:s2] =	dma.local @!p0 [hbm:s0], s1  }
0xcd: {  	s0 =	simm.s32 @!p0 $0x9  }
0xce: {  	_ =	swait.ge @!p0 [sflag:s0], s1  }
0xcf: {  	s1 =	ssub.s32 @!p0 $0x0, s1;
	[sflag:s0] =	ssyncset.done @!p0 $0x0  }
0xd0: {  	[sflag:s0] =	ssyncadd.s32 @!p0 s1  }
0xd1: {  	[bflag:$0x3] =	sbarrier.arrive $0xFFFF  }
0xd2: {  	_ =	shalt  }

</sc_bundles>
